<compile_context>
chip_gen: v7x
topology: tpu7x:2x2x1
jax: 0.10.2.dev20260603
libtpu: 0.0.44.dev20260713+nightly
codegen_flags: <defaults>
</compile_context>

<pallas_src>
import functools

import jax
import jax.numpy as jnp
from jax import lax
from jax.experimental import pallas as pl
from jax.experimental.pallas import tpu as pltpu
from jax.experimental.pallas import tpu_sc as plsc

NC, NS, L = 2, 16, 16
NW = NC * NS
ROWS, COLS, D = 16384, 1024, 256
K = 8
RB = 8
NCHUNK = COLS // L
RPW = ROWS // NW
NBLK = RPW // RB
IDXPAD = RB * K + K
NQ = 4
DQ = D // NQ
TPG = ROWS // NC // (NS // NQ)
TC_ = 128
NTC = TPG // TC_
RPS = ROWS // NC

_mesh = plsc.VectorSubcoreMesh(core_axis_name="c", subcore_axis_name="s")


@functools.partial(
    pl.kernel,
    out_type=(jax.ShapeDtypeStruct((NQ * ROWS * DQ,), jnp.float32),
              jax.ShapeDtypeStruct((ROWS * K,), jnp.int32)),
    mesh=_mesh,
    scratch_types=[
        pltpu.VMEM((COLS * DQ,), jnp.float32),
        pltpu.VMEM((RB, COLS), jnp.float32),
        pltpu.VMEM((RB, COLS), jnp.float32),
        pltpu.VMEM((2 * RB * K + L,), jnp.int32),
        pltpu.VMEM((TC_ * K,), jnp.int32),
        pltpu.VMEM((TC_ * K,), jnp.int32),
        pltpu.VMEM((TC_ * DQ,), jnp.float32),
        pltpu.VMEM((TC_ * DQ,), jnp.float32),
        pltpu.SemaphoreType.DMA,
        pltpu.SemaphoreType.DMA,
        pltpu.SemaphoreType.DMA,
        pltpu.SemaphoreType.DMA,
        pltpu.SemaphoreType.DMA,
        pltpu.SemaphoreType.DMA,
        pltpu.SemaphoreType.DMA,
    ],
    compiler_params=pltpu.CompilerParams(
        needs_layout_passes=False, internal_scratch_in_bytes=32768),
)
def _nkq_sc(x_hbm, wt4_hbm, out_hbm, idx_hbm, tab_v, xv0, xv1, idx_v,
            ic0, ic1, oc0, oc1, xs0, xs1, tsem, is0, is1, os0, os1):
    x_v = (xv0, xv1)
    xsem = (xs0, xs1)
    idxc_v = (ic0, ic1)
    outc_v = (oc0, oc1)
    isem = (is0, is1)
    osem = (os0, os1)

    c = lax.axis_index("c")
    s = lax.axis_index("s")
    row0 = c * RPS + s * RPW
    q = s % NQ
    g = s // NQ
    tok0 = c * RPS + g * TPG
    lanes = lax.iota(jnp.int32, L)
    store_mask = lanes < K
    neg_inf = jnp.full((L,), -jnp.inf, dtype=jnp.float32)
    zeros_i = jnp.zeros((L,), dtype=jnp.int32)

    pltpu.async_copy(wt4_hbm.at[pl.ds(q * (COLS * DQ), COLS * DQ)], tab_v,
                     tsem)

    def start_x(b, p):
        pltpu.async_copy(x_hbm.at[pl.ds(row0 + b * RB, RB)], x_v[p], xsem[p])

    def wait_x(b, p):
        pltpu.make_async_copy(
            x_hbm.at[pl.ds(row0 + b * RB, RB)], x_v[p], xsem[p]).wait()

    def topk(b, p, off):
        def chunk_body(ci, st):
            colv = lanes + ci * L
            new = []
            for r in range(RB):
                rk, rv = st[2 * r], st[2 * r + 1]
                ck = x_v[p][r, pl.ds(ci * L, L)]
                sk, sv = plsc.sort_key_val(ck, colv, descending=False)
                m = rk >= sk
                mk = jnp.where(m, rk, sk)
                mv = jnp.where(m, rv, sv)
                rk, rv = plsc.sort_key_val(mk, mv, descending=True)
                new += [rk, rv]
            return tuple(new)

        init = (neg_inf, zeros_i) * RB
        fin = lax.fori_loop(0, NCHUNK, chunk_body, init)
        for r in range(RB):
            plsc.store_compressed(
                idx_v.at[pl.ds(off + r * K, L)], fin[2 * r + 1],
                mask=store_mask)

    start_x(0, 0)
    start_x(1, 1)

    def blk_pair(u, carry):
        b = 2 * u
        wait_x(b, 0)
        topk(b, 0, 0)

        @pl.when(b + 2 < NBLK)
        def _():
            start_x(b + 2, 0)

        wait_x(b + 1, 1)
        topk(b + 1, 1, RB * K)

        @pl.when(b + 3 < NBLK)
        def _():
            start_x(b + 3, 1)

        pltpu.sync_copy(
            idx_v.at[pl.ds(0, 2 * RB * K)],
            idx_hbm.at[pl.ds((row0 + b * RB) * K, 2 * RB * K)])
        return carry

    lax.fori_loop(0, NBLK // 2, blk_pair, 0)

    plsc.subcore_barrier()
    pltpu.make_async_copy(
        wt4_hbm.at[pl.ds(q * (COLS * DQ), COLS * DQ)], tab_v, tsem).wait()

    def load_c(i, p):
        pltpu.async_copy(
            idx_hbm.at[pl.ds((tok0 + i * TC_) * K, TC_ * K)], idxc_v[p],
            isem[p])

    def wait_load_c(i, p):
        pltpu.make_async_copy(
            idx_hbm.at[pl.ds((tok0 + i * TC_) * K, TC_ * K)], idxc_v[p],
            isem[p]).wait()

    def write_c(i, p):
        pltpu.async_copy(
            outc_v[p],
            out_hbm.at[pl.ds(q * (ROWS * DQ) + (tok0 + i * TC_) * DQ,
                             TC_ * DQ)], osem[p])

    def wait_write_c(i, p):
        pltpu.make_async_copy(
            outc_v[p],
            out_hbm.at[pl.ds(q * (ROWS * DQ) + (tok0 + i * TC_) * DQ,
                             TC_ * DQ)], osem[p]).wait()

    def compute_c(p):
        def pair_fn(t2, carry2):
            iv = idxc_v[p][pl.ds(t2 * 2 * K, L)]
            for h in range(2):
                e0 = iv[h * K] * DQ
                accs = []
                for j in range(DQ // L):
                    accs.append(tab_v[pl.ds(e0 + j * L, L)])
                for k in range(1, K):
                    e = iv[h * K + k] * DQ
                    for j in range(DQ // L):
                        accs[j] = accs[j] + tab_v[pl.ds(e + j * L, L)]
                for j in range(DQ // L):
                    outc_v[p][pl.ds((t2 * 2 + h) * DQ + j * L, L)] = accs[j]
            return carry2

        lax.fori_loop(0, TC_ // 2, pair_fn, 0, unroll=2)

    load_c(0, 0)
    load_c(1, 1)

    def chunk_pair(u, carry):
        for h2 in range(2):
            i = 2 * u + h2
            wait_load_c(i, h2)

            @pl.when(i >= 2)
            def _():
                wait_write_c(i - 2, h2)

            compute_c(h2)
            write_c(i, h2)

            @pl.when(i + 2 < NTC)
            def _():
                load_c(i + 2, h2)
        return carry

    lax.fori_loop(0, NTC // 2, chunk_pair, 0)
    wait_write_c(NTC - 2, 0)
    wait_write_c(NTC - 1, 1)


def _prep_body(w_ref, o_ref):
    for qq in range(NQ):
        o_ref[qq] = jnp.transpose(w_ref[pl.ds(qq * DQ, DQ), :], (1, 0))


_prep = pl.pallas_call(
    _prep_body,
    out_shape=jax.ShapeDtypeStruct((NQ, COLS, DQ), jnp.float32),
)


def _asm_body(o4_ref, o_ref):
    o_ref[...] = jnp.concatenate(
        [o4_ref[qq] for qq in range(NQ)], axis=-1)


_assemble = pl.pallas_call(
    _asm_body,
    grid=(16,),
    in_specs=[pl.BlockSpec((NQ, ROWS // 16, DQ), lambda i: (0, i, 0))],
    out_specs=pl.BlockSpec((ROWS // 16, D), lambda i: (i, 0)),
    out_shape=jax.ShapeDtypeStruct((ROWS, D), jnp.float32),
)


def kernel(x, W):
    wt4 = _prep(W).reshape(NQ * COLS * DQ)
    out4_flat, _unused_idx = _nkq_sc(x, wt4)
    return _assemble(out4_flat.reshape(NQ, ROWS, DQ))

# --- scband reference (transcript-rebuilt; emitter-appended) ---
"""Pipeline reference for scband-nkquantizer-33389075759171 (READ-ONLY COPY).

The authoritative reference and input builder live on the scoring server;
editing this copy changes nothing except your own understanding.
"""

import jax, jax.numpy as jnp
import numpy as np

K_TOPK = 8

def setup_inputs(seed: int = 0) -> dict:
    key = jax.random.key(seed)
    k1, k2 = jax.random.split(key)
    x = jax.random.normal(k1, (16384, 1024), dtype=jnp.float32)
    # codebook: nn.Linear(quant_dim=1024, embed_dim=256, bias=False) -> weight [256, 1024]
    W = jax.random.normal(k2, (256, 1024), dtype=jnp.float32) * 0.02
    return {"x": x, "W": W}

def reference(x, W):
    # SoftTargetQuantizerFunction.forward:
    # topk over last dim -> k-hot -> F.linear(k_hot, W) = k_hot @ W.T
    _, idx = jax.lax.top_k(x, K_TOPK)
    rows = jnp.arange(x.shape[0])[:, None]
    k_hot = jnp.zeros_like(x).at[rows, idx].set(1.0)
    out = k_hot @ W.T
    return out

if __name__ == "__main__":
    import jax
    _d = setup_inputs()
    print(jax.jit(kernel)(*tuple(_d.values())))

</pallas_src>

<mosaic_0001>
#map = affine_map<(d0, d1) -> (0, 0)>
#map1 = affine_map<(d0, d1) -> (0)>
module attributes {stable_mosaic.version = 14 : i64} {
  func.func @_nkq_sc(%arg0: i32, %arg1: i32, %arg2: memref<16384x1024xf32, #tpu.memory_space<hbm>>, %arg3: memref<262144xf32, #tpu.memory_space<hbm>>, %arg4: memref<4194304xf32, #tpu.memory_space<hbm>>, %arg5: memref<131072xi32, #tpu.memory_space<hbm>>, %arg6: memref<65536xf32, #tpu.memory_space<vmem>>, %arg7: memref<8x1024xf32, #tpu.memory_space<vmem>>, %arg8: memref<8x1024xf32, #tpu.memory_space<vmem>>, %arg9: memref<144xi32, #tpu.memory_space<vmem>>, %arg10: memref<1024xi32, #tpu.memory_space<vmem>>, %arg11: memref<1024xi32, #tpu.memory_space<vmem>>, %arg12: memref<8192xf32, #tpu.memory_space<vmem>>, %arg13: memref<8192xf32, #tpu.memory_space<vmem>>, %arg14: memref<!tpu.dma_semaphore, #tpu.memory_space<semaphore_mem>>, %arg15: memref<!tpu.dma_semaphore, #tpu.memory_space<semaphore_mem>>, %arg16: memref<!tpu.dma_semaphore, #tpu.memory_space<semaphore_mem>>, %arg17: memref<!tpu.dma_semaphore, #tpu.memory_space<semaphore_mem>>, %arg18: memref<!tpu.dma_semaphore, #tpu.memory_space<semaphore_mem>>, %arg19: memref<!tpu.dma_semaphore, #tpu.memory_space<semaphore_mem>>, %arg20: memref<!tpu.dma_semaphore, #tpu.memory_space<semaphore_mem>>) attributes {dimension_semantics = [#tpu.dimension_semantics<core_parallel>, #tpu.dimension_semantics<subcore_parallel>], iteration_bounds = array<i64: 2, 16>, scalar_prefetch = 0 : i64, scratch_operands = 15 : i64, tpu.core_type = #tpu.core_type<sc_vector_subcore>, window_params = [{transform_indices = #map}, {transform_indices = #map1}, {transform_indices = #map1}, {transform_indices = #map1}]} {
    %mul3A = arith.constant 8192 : i32
    %mul3A_0 = arith.muli %arg0, %mul3A : i32
    %mul3A_1 = arith.constant 512 : i32
    %mul3A_2 = arith.muli %arg1, %mul3A_1 : i32
    %add3A = arith.addi %mul3A_0, %mul3A_2 : i32
    %jit3A = arith.constant 4 : i32
    %eq3A = arith.constant 0 : i32
    %eq3A_3 = arith.cmpi eq, %jit3A, %eq3A : i32
    %jit3A_4 = arith.constant 1 : i32
    %select_n3A = arith.select %eq3A_3, %jit3A_4, %jit3A : i32
    %rem3A = arith.remsi %arg1, %select_n3A : i32
    %ne3A = arith.constant 0 : i32
    %ne3A_5 = arith.cmpi ne, %rem3A, %ne3A : i32
    %lt3A = arith.constant 0 : i32
    %lt3A_6 = arith.cmpi slt, %rem3A, %lt3A : i32
    %lt3A_7 = arith.constant 0 : i32
    %lt3A_8 = arith.cmpi slt, %select_n3A, %lt3A_7 : i32
    %ne3A_9 = arith.xori %lt3A_6, %lt3A_8 : i1
    %and3A = arith.andi %ne3A_9, %ne3A_5 : i1
    %add3A_10 = arith.addi %rem3A, %select_n3A : i32
    %select_n3A_11 = arith.select %and3A, %add3A_10, %rem3A : i32
    %jit3A_12 = arith.constant 4 : i32
    %div3A = arith.divsi %arg1, %jit3A_12 : i32
    %sign3A = arith.constant 0 : i32
    %sign3A_13 = arith.cmpi sgt, %arg1, %sign3A : i32
    %sign3A_14 = arith.extui %sign3A_13 : i1 to i32
    %sign3A_15 = arith.constant 0 : i32
    %sign3A_16 = arith.cmpi slt, %arg1, %sign3A_15 : i32
    %sign3A_17 = arith.extui %sign3A_16 : i1 to i32
    %sign3A_18 = arith.subi %sign3A_14, %sign3A_17 : i32
    %sign3A_19 = arith.constant 0 : i32
    %sign3A_20 = arith.cmpi sgt, %jit3A_12, %sign3A_19 : i32
    %sign3A_21 = arith.extui %sign3A_20 : i1 to i32
    %sign3A_22 = arith.constant 0 : i32
    %sign3A_23 = arith.cmpi slt, %jit3A_12, %sign3A_22 : i32
    %sign3A_24 = arith.extui %sign3A_23 : i1 to i32
    %sign3A_25 = arith.subi %sign3A_21, %sign3A_24 : i32
    %ne3A_26 = arith.cmpi ne, %sign3A_18, %sign3A_25 : i32
    %rem3A_27 = arith.remsi %arg1, %jit3A_12 : i32
    %ne3A_28 = arith.constant 0 : i32
    %ne3A_29 = arith.cmpi ne, %rem3A_27, %ne3A_28 : i32
    %and3A_30 = arith.andi %ne3A_26, %ne3A_29 : i1
    %sub3A = arith.constant 1 : i32
    %sub3A_31 = arith.subi %div3A, %sub3A : i32
    %select_n3A_32 = arith.select %and3A_30, %sub3A_31, %div3A : i32
    %mul3A_33 = arith.constant 8192 : i32
    %mul3A_34 = arith.muli %arg0, %mul3A_33 : i32
    %mul3A_35 = arith.constant 2048 : i32
    %mul3A_36 = arith.muli %select_n3A_32, %mul3A_35 : i32
    %add3A_37 = arith.addi %mul3A_34, %mul3A_36 : i32
    %iota3A = tpu.iota {dimensions = array<i32: 0>} : vector<16xi32>
    %lt3A_38 = arith.constant 8 : i32
    %lt3A_39 = vector.broadcast %lt3A_38 : i32 to vector<16xi32>
    %lt3A_40 = arith.cmpi slt, %iota3A, %lt3A_39 : vector<16xi32>
    %broadcast_in_dim3A = arith.constant 0xFF800000 : f32
    %broadcast_in_dim3A_41 = vector.broadcast %broadcast_in_dim3A : f32 to vector<16xf32>
    %broadcast_in_dim3A_42 = arith.constant 0 : i32
    %broadcast_in_dim3A_43 = vector.broadcast %broadcast_in_dim3A_42 : i32 to vector<16xi32>
    %mul3A_44 = arith.constant 65536 : i32
    %mul3A_45 = arith.muli %select_n3A_11, %mul3A_44 : i32
    %dma_start3A = tpu.memref_slice %arg3[%mul3A_45] : memref<262144xf32, #tpu.memory_space<hbm>> -> memref<65536xf32, #tpu.memory_space<hbm>>
    %dma_start3A_46 = tpu.memref_slice %arg3[%mul3A_45] : memref<262144xf32, #tpu.memory_space<hbm>> -> memref<65536xf32, #tpu.memory_space<hbm>>
    tpu.enqueue_dma source(%dma_start3A_46 : memref<65536xf32, #tpu.memory_space<hbm>>) target(%arg6 : memref<65536xf32, #tpu.memory_space<vmem>>) target_semaphore(%arg16 : memref<!tpu.dma_semaphore, #tpu.memory_space<semaphore_mem>>)
    %add3A_47 = arith.constant 0 : i32
    %add3A_48 = arith.addi %add3A, %add3A_47 : i32
    %dma_start3A_49 = arith.constant 0 : i32
    %dma_start3A_50 = tpu.memref_slice %arg2[%add3A_48, %dma_start3A_49] : memref<16384x1024xf32, #tpu.memory_space<hbm>> -> memref<8x1024xf32, #tpu.memory_space<hbm>>
    %dma_start3A_51 = arith.constant 0 : i32
    %dma_start3A_52 = tpu.memref_slice %arg2[%add3A_48, %dma_start3A_51] : memref<16384x1024xf32, #tpu.memory_space<hbm>> -> memref<8x1024xf32, #tpu.memory_space<hbm>>
    tpu.enqueue_dma source(%dma_start3A_52 : memref<8x1024xf32, #tpu.memory_space<hbm>>) target(%arg7 : memref<8x1024xf32, #tpu.memory_space<vmem>>) target_semaphore(%arg14 : memref<!tpu.dma_semaphore, #tpu.memory_space<semaphore_mem>>)
    %add3A_53 = arith.constant 8 : i32
    %add3A_54 = arith.addi %add3A, %add3A_53 : i32
    %dma_start3A_55 = arith.constant 0 : i32
    %dma_start3A_56 = tpu.memref_slice %arg2[%add3A_54, %dma_start3A_55] : memref<16384x1024xf32, #tpu.memory_space<hbm>> -> memref<8x1024xf32, #tpu.memory_space<hbm>>
    %dma_start3A_57 = arith.constant 0 : i32
    %dma_start3A_58 = tpu.memref_slice %arg2[%add3A_54, %dma_start3A_57] : memref<16384x1024xf32, #tpu.memory_space<hbm>> -> memref<8x1024xf32, #tpu.memory_space<hbm>>
    tpu.enqueue_dma source(%dma_start3A_58 : memref<8x1024xf32, #tpu.memory_space<hbm>>) target(%arg8 : memref<8x1024xf32, #tpu.memory_space<vmem>>) target_semaphore(%arg15 : memref<!tpu.dma_semaphore, #tpu.memory_space<semaphore_mem>>)
    %scan3A = arith.constant 0 : i32
    %scan3A_59 = arith.constant 0 : i32
    %scan3A_60 = arith.constant 32 : i32
    %scan3A_61 = arith.addi %scan3A_59, %scan3A_60 : i32
    %scan3A_62 = arith.constant 1 : i32
    scf.for %scan3A_103 = %scan3A_59 to %scan3A_61 step %scan3A_62  : i32 {
      %mul3A_104 = arith.constant 2 : i32
      %mul3A_105 = arith.muli %mul3A_104, %scan3A_103 : i32
      %mul3A_106 = arith.constant 8 : i32
      %mul3A_107 = arith.muli %mul3A_105, %mul3A_106 : i32
      %add3A_108 = arith.addi %add3A, %mul3A_107 : i32
      %dma_wait3A_109 = arith.constant 0 : i32
      %dma_wait3A_110 = tpu.memref_slice %arg2[%add3A_108, %dma_wait3A_109] : memref<16384x1024xf32, #tpu.memory_space<hbm>> -> memref<8x1024xf32, #tpu.memory_space<hbm>>
      %dma_wait3A_111 = arith.constant 0 : i32
      %dma_wait3A_112 = tpu.memref_slice %arg2[%add3A_108, %dma_wait3A_111] : memref<16384x1024xf32, #tpu.memory_space<hbm>> -> memref<8x1024xf32, #tpu.memory_space<hbm>>
      tpu.wait_dma2 semaphore(%arg14 : memref<!tpu.dma_semaphore, #tpu.memory_space<semaphore_mem>>) src(%dma_wait3A_112 : memref<8x1024xf32, #tpu.memory_space<hbm>>) dst(%arg7 : memref<8x1024xf32, #tpu.memory_space<vmem>>)
      %scan3A_113 = arith.constant 0 : i32
      %scan3A_114 = arith.constant 64 : i32
      %scan3A_115 = arith.addi %scan3A_113, %scan3A_114 : i32
      %scan3A_116 = arith.constant 1 : i32
      %scan3A_117:16 = scf.for %scan3A_184 = %scan3A_113 to %scan3A_115 step %scan3A_116 iter_args(%scan3A_185 = %broadcast_in_dim3A_41, %scan3A_186 = %broadcast_in_dim3A_43, %scan3A_187 = %broadcast_in_dim3A_41, %scan3A_188 = %broadcast_in_dim3A_43, %scan3A_189 = %broadcast_in_dim3A_41, %scan3A_190 = %broadcast_in_dim3A_43, %scan3A_191 = %broadcast_in_dim3A_41, %scan3A_192 = %broadcast_in_dim3A_43, %scan3A_193 = %broadcast_in_dim3A_41, %scan3A_194 = %broadcast_in_dim3A_43, %scan3A_195 = %broadcast_in_dim3A_41, %scan3A_196 = %broadcast_in_dim3A_43, %scan3A_197 = %broadcast_in_dim3A_41, %scan3A_198 = %broadcast_in_dim3A_43, %scan3A_199 = %broadcast_in_dim3A_41, %scan3A_200 = %broadcast_in_dim3A_43) -> (vector<16xf32>, vector<16xi32>, vector<16xf32>, vector<16xi32>, vector<16xf32>, vector<16xi32>, vector<16xf32>, vector<16xi32>, vector<16xf32>, vector<16xi32>, vector<16xf32>, vector<16xi32>, vector<16xf32>, vector<16xi32>, vector<16xf32>, vector<16xi32>)  : i32 {
        %mul3A_201 = arith.constant 16 : i32
        %mul3A_202 = arith.muli %scan3A_184, %mul3A_201 : i32
        %add3A_203 = vector.broadcast %mul3A_202 : i32 to vector<16xi32>
        %add3A_204 = arith.addi %iota3A, %add3A_203 : vector<16xi32>
        %mul3A_205 = arith.constant 16 : i32
        %mul3A_206 = arith.muli %scan3A_184, %mul3A_205 : i32
        %get3A = arith.constant 0 : i32
        %get3A_207 = arith.index_cast %get3A : i32 to index
        %get3A_208 = arith.index_cast %mul3A_206 : i32 to index
        %get3A_209 = tpu.vector_load %arg7[%get3A_207, %get3A_208] {strides = array<i32>} : memref<8x1024xf32, #tpu.memory_space<vmem>>, vector<16xf32>,
        %masked_sort3A = arith.constant dense<true> : vector<16xi1>
        %masked_sort3A_210, %masked_sort3A_211, %masked_sort3A_212 = tpu.sort %get3A_209, %add3A_204 masked %masked_sort3A : (vector<16xf32>, vector<16xi32>, vector<16xi1>) -> (vector<16xi1>, vector<16xf32>, vector<16xi32>)
        %ge3A = arith.cmpf oge, %scan3A_185, %masked_sort3A_211 : vector<16xf32>
        %select_n3A_213 = arith.select %ge3A, %scan3A_185, %masked_sort3A_211 : vector<16xi1>, vector<16xf32>
        %select_n3A_214 = arith.select %ge3A, %scan3A_186, %masked_sort3A_212 : vector<16xi1>, vector<16xi32>
        %masked_sort3A_215 = arith.constant dense<true> : vector<16xi1>
        %masked_sort3A_216, %masked_sort3A_217, %masked_sort3A_218 = tpu.sort %select_n3A_213, %select_n3A_214 masked %masked_sort3A_215 {descending = true} : (vector<16xf32>, vector<16xi32>, vector<16xi1>) -> (vector<16xi1>, vector<16xf32>, vector<16xi32>)
        %mul3A_219 = arith.constant 16 : i32
        %mul3A_220 = arith.muli %scan3A_184, %mul3A_219 : i32
        %get3A_221 = arith.constant 1 : i32
        %get3A_222 = arith.index_cast %get3A_221 : i32 to index
        %get3A_223 = arith.index_cast %mul3A_220 : i32 to index
        %get3A_224 = tpu.vector_load %arg7[%get3A_222, %get3A_223] {strides = array<i32>} : memref<8x1024xf32, #tpu.memory_space<vmem>>, vector<16xf32>,
        %masked_sort3A_225 = arith.constant dense<true> : vector<16xi1>
        %masked_sort3A_226, %masked_sort3A_227, %masked_sort3A_228 = tpu.sort %get3A_224, %add3A_204 masked %masked_sort3A_225 : (vector<16xf32>, vector<16xi32>, vector<16xi1>) -> (vector<16xi1>, vector<16xf32>, vector<16xi32>)
        %ge3A_229 = arith.cmpf oge, %scan3A_187, %masked_sort3A_227 : vector<16xf32>
        %select_n3A_230 = arith.select %ge3A_229, %scan3A_187, %masked_sort3A_227 : vector<16xi1>, vector<16xf32>
        %select_n3A_231 = arith.select %ge3A_229, %scan3A_188, %masked_sort3A_228 : vector<16xi1>, vector<16xi32>
        %masked_sort3A_232 = arith.constant dense<true> : vector<16xi1>
        %masked_sort3A_233, %masked_sort3A_234, %masked_sort3A_235 = tpu.sort %select_n3A_230, %select_n3A_231 masked %masked_sort3A_232 {descending = true} : (vector<16xf32>, vector<16xi32>, vector<16xi1>) -> (vector<16xi1>, vector<16xf32>, vector<16xi32>)
        %mul3A_236 = arith.constant 16 : i32
        %mul3A_237 = arith.muli %scan3A_184, %mul3A_236 : i32
        %get3A_238 = arith.constant 2 : i32
        %get3A_239 = arith.index_cast %get3A_238 : i32 to index
        %get3A_240 = arith.index_cast %mul3A_237 : i32 to index
        %get3A_241 = tpu.vector_load %arg7[%get3A_239, %get3A_240] {strides = array<i32>} : memref<8x1024xf32, #tpu.memory_space<vmem>>, vector<16xf32>,
        %masked_sort3A_242 = arith.constant dense<true> : vector<16xi1>
        %masked_sort3A_243, %masked_sort3A_244, %masked_sort3A_245 = tpu.sort %get3A_241, %add3A_204 masked %masked_sort3A_242 : (vector<16xf32>, vector<16xi32>, vector<16xi1>) -> (vector<16xi1>, vector<16xf32>, vector<16xi32>)
        %ge3A_246 = arith.cmpf oge, %scan3A_189, %masked_sort3A_244 : vector<16xf32>
        %select_n3A_247 = arith.select %ge3A_246, %scan3A_189, %masked_sort3A_244 : vector<16xi1>, vector<16xf32>
        %select_n3A_248 = arith.select %ge3A_246, %scan3A_190, %masked_sort3A_245 : vector<16xi1>, vector<16xi32>
        %masked_sort3A_249 = arith.constant dense<true> : vector<16xi1>
        %masked_sort3A_250, %masked_sort3A_251, %masked_sort3A_252 = tpu.sort %select_n3A_247, %select_n3A_248 masked %masked_sort3A_249 {descending = true} : (vector<16xf32>, vector<16xi32>, vector<16xi1>) -> (vector<16xi1>, vector<16xf32>, vector<16xi32>)
        %mul3A_253 = arith.constant 16 : i32
        %mul3A_254 = arith.muli %scan3A_184, %mul3A_253 : i32
        %get3A_255 = arith.constant 3 : i32
        %get3A_256 = arith.index_cast %get3A_255 : i32 to index
        %get3A_257 = arith.index_cast %mul3A_254 : i32 to index
        %get3A_258 = tpu.vector_load %arg7[%get3A_256, %get3A_257] {strides = array<i32>} : memref<8x1024xf32, #tpu.memory_space<vmem>>, vector<16xf32>,
        %masked_sort3A_259 = arith.constant dense<true> : vector<16xi1>
        %masked_sort3A_260, %masked_sort3A_261, %masked_sort3A_262 = tpu.sort %get3A_258, %add3A_204 masked %masked_sort3A_259 : (vector<16xf32>, vector<16xi32>, vector<16xi1>) -> (vector<16xi1>, vector<16xf32>, vector<16xi32>)
        %ge3A_263 = arith.cmpf oge, %scan3A_191, %masked_sort3A_261 : vector<16xf32>
        %select_n3A_264 = arith.select %ge3A_263, %scan3A_191, %masked_sort3A_261 : vector<16xi1>, vector<16xf32>
        %select_n3A_265 = arith.select %ge3A_263, %scan3A_192, %masked_sort3A_262 : vector<16xi1>, vector<16xi32>
        %masked_sort3A_266 = arith.constant dense<true> : vector<16xi1>
        %masked_sort3A_267, %masked_sort3A_268, %masked_sort3A_269 = tpu.sort %select_n3A_264, %select_n3A_265 masked %masked_sort3A_266 {descending = true} : (vector<16xf32>, vector<16xi32>, vector<16xi1>) -> (vector<16xi1>, vector<16xf32>, vector<16xi32>)
        %mul3A_270 = arith.constant 16 : i32
        %mul3A_271 = arith.muli %scan3A_184, %mul3A_270 : i32
        %get3A_272 = arith.constant 4 : i32
        %get3A_273 = arith.index_cast %get3A_272 : i32 to index
        %get3A_274 = arith.index_cast %mul3A_271 : i32 to index
        %get3A_275 = tpu.vector_load %arg7[%get3A_273, %get3A_274] {strides = array<i32>} : memref<8x1024xf32, #tpu.memory_space<vmem>>, vector<16xf32>,
        %masked_sort3A_276 = arith.constant dense<true> : vector<16xi1>
        %masked_sort3A_277, %masked_sort3A_278, %masked_sort3A_279 = tpu.sort %get3A_275, %add3A_204 masked %masked_sort3A_276 : (vector<16xf32>, vector<16xi32>, vector<16xi1>) -> (vector<16xi1>, vector<16xf32>, vector<16xi32>)
        %ge3A_280 = arith.cmpf oge, %scan3A_193, %masked_sort3A_278 : vector<16xf32>
        %select_n3A_281 = arith.select %ge3A_280, %scan3A_193, %masked_sort3A_278 : vector<16xi1>, vector<16xf32>
        %select_n3A_282 = arith.select %ge3A_280, %scan3A_194, %masked_sort3A_279 : vector<16xi1>, vector<16xi32>
        %masked_sort3A_283 = arith.constant dense<true> : vector<16xi1>
        %masked_sort3A_284, %masked_sort3A_285, %masked_sort3A_286 = tpu.sort %select_n3A_281, %select_n3A_282 masked %masked_sort3A_283 {descending = true} : (vector<16xf32>, vector<16xi32>, vector<16xi1>) -> (vector<16xi1>, vector<16xf32>, vector<16xi32>)
        %mul3A_287 = arith.constant 16 : i32
        %mul3A_288 = arith.muli %scan3A_184, %mul3A_287 : i32
        %get3A_289 = arith.constant 5 : i32
        %get3A_290 = arith.index_cast %get3A_289 : i32 to index
        %get3A_291 = arith.index_cast %mul3A_288 : i32 to index
        %get3A_292 = tpu.vector_load %arg7[%get3A_290, %get3A_291] {strides = array<i32>} : memref<8x1024xf32, #tpu.memory_space<vmem>>, vector<16xf32>,
        %masked_sort3A_293 = arith.constant dense<true> : vector<16xi1>
        %masked_sort3A_294, %masked_sort3A_295, %masked_sort3A_296 = tpu.sort %get3A_292, %add3A_204 masked %masked_sort3A_293 : (vector<16xf32>, vector<16xi32>, vector<16xi1>) -> (vector<16xi1>, vector<16xf32>, vector<16xi32>)
        %ge3A_297 = arith.cmpf oge, %scan3A_195, %masked_sort3A_295 : vector<16xf32>
        %select_n3A_298 = arith.select %ge3A_297, %scan3A_195, %masked_sort3A_295 : vector<16xi1>, vector<16xf32>
        %select_n3A_299 = arith.select %ge3A_297, %scan3A_196, %masked_sort3A_296 : vector<16xi1>, vector<16xi32>
        %masked_sort3A_300 = arith.constant dense<true> : vector<16xi1>
        %masked_sort3A_301, %masked_sort3A_302, %masked_sort3A_303 = tpu.sort %select_n3A_298, %select_n3A_299 masked %masked_sort3A_300 {descending = true} : (vector<16xf32>, vector<16xi32>, vector<16xi1>) -> (vector<16xi1>, vector<16xf32>, vector<16xi32>)
        %mul3A_304 = arith.constant 16 : i32
        %mul3A_305 = arith.muli %scan3A_184, %mul3A_304 : i32
        %get3A_306 = arith.constant 6 : i32
        %get3A_307 = arith.index_cast %get3A_306 : i32 to index
        %get3A_308 = arith.index_cast %mul3A_305 : i32 to index
        %get3A_309 = tpu.vector_load %arg7[%get3A_307, %get3A_308] {strides = array<i32>} : memref<8x1024xf32, #tpu.memory_space<vmem>>, vector<16xf32>,
        %masked_sort3A_310 = arith.constant dense<true> : vector<16xi1>
        %masked_sort3A_311, %masked_sort3A_312, %masked_sort3A_313 = tpu.sort %get3A_309, %add3A_204 masked %masked_sort3A_310 : (vector<16xf32>, vector<16xi32>, vector<16xi1>) -> (vector<16xi1>, vector<16xf32>, vector<16xi32>)
        %ge3A_314 = arith.cmpf oge, %scan3A_197, %masked_sort3A_312 : vector<16xf32>
        %select_n3A_315 = arith.select %ge3A_314, %scan3A_197, %masked_sort3A_312 : vector<16xi1>, vector<16xf32>
        %select_n3A_316 = arith.select %ge3A_314, %scan3A_198, %masked_sort3A_313 : vector<16xi1>, vector<16xi32>
        %masked_sort3A_317 = arith.constant dense<true> : vector<16xi1>
        %masked_sort3A_318, %masked_sort3A_319, %masked_sort3A_320 = tpu.sort %select_n3A_315, %select_n3A_316 masked %masked_sort3A_317 {descending = true} : (vector<16xf32>, vector<16xi32>, vector<16xi1>) -> (vector<16xi1>, vector<16xf32>, vector<16xi32>)
        %mul3A_321 = arith.constant 16 : i32
        %mul3A_322 = arith.muli %scan3A_184, %mul3A_321 : i32
        %get3A_323 = arith.constant 7 : i32
        %get3A_324 = arith.index_cast %get3A_323 : i32 to index
        %get3A_325 = arith.index_cast %mul3A_322 : i32 to index
        %get3A_326 = tpu.vector_load %arg7[%get3A_324, %get3A_325] {strides = array<i32>} : memref<8x1024xf32, #tpu.memory_space<vmem>>, vector<16xf32>,
        %masked_sort3A_327 = arith.constant dense<true> : vector<16xi1>
        %masked_sort3A_328, %masked_sort3A_329, %masked_sort3A_330 = tpu.sort %get3A_326, %add3A_204 masked %masked_sort3A_327 : (vector<16xf32>, vector<16xi32>, vector<16xi1>) -> (vector<16xi1>, vector<16xf32>, vector<16xi32>)
        %ge3A_331 = arith.cmpf oge, %scan3A_199, %masked_sort3A_329 : vector<16xf32>
        %select_n3A_332 = arith.select %ge3A_331, %scan3A_199, %masked_sort3A_329 : vector<16xi1>, vector<16xf32>
        %select_n3A_333 = arith.select %ge3A_331, %scan3A_200, %masked_sort3A_330 : vector<16xi1>, vector<16xi32>
        %masked_sort3A_334 = arith.constant dense<true> : vector<16xi1>
        %masked_sort3A_335, %masked_sort3A_336, %masked_sort3A_337 = tpu.sort %select_n3A_332, %select_n3A_333 masked %masked_sort3A_334 {descending = true} : (vector<16xf32>, vector<16xi32>, vector<16xi1>) -> (vector<16xi1>, vector<16xf32>, vector<16xi32>)
        scf.yield %masked_sort3A_217, %masked_sort3A_218, %masked_sort3A_234, %masked_sort3A_235, %masked_sort3A_251, %masked_sort3A_252, %masked_sort3A_268, %masked_sort3A_269, %masked_sort3A_285, %masked_sort3A_286, %masked_sort3A_302, %masked_sort3A_303, %masked_sort3A_319, %masked_sort3A_320, %masked_sort3A_336, %masked_sort3A_337 : vector<16xf32>, vector<16xi32>, vector<16xf32>, vector<16xi32>, vector<16xf32>, vector<16xi32>, vector<16xf32>, vector<16xi32>, vector<16xf32>, vector<16xi32>, vector<16xf32>, vector<16xi32>, vector<16xf32>, vector<16xi32>, vector<16xf32>, vector<16xi32>
      }
      %scan3A_118 = arith.constant 64 : i32
      %swap3A = arith.constant 0 : index
      %swap3A_119 = tpu.vector_load %arg9[%swap3A] masked %lt3A_40 {strides = array<i32>} : memref<144xi32, #tpu.memory_space<vmem>>, vector<16xi32>, vector<16xi1>
      tpu.vector_store %arg9[%swap3A], %scan3A_117#1 masked %lt3A_40 {strides = array<i32>} : memref<144xi32, #tpu.memory_space<vmem>>, vector<16xi32>, vector<16xi1>
      %swap3A_120 = arith.constant 8 : index
      %swap3A_121 = tpu.vector_load %arg9[%swap3A_120] masked %lt3A_40 {strides = array<i32>} : memref<144xi32, #tpu.memory_space<vmem>>, vector<16xi32>, vector<16xi1>
      tpu.vector_store %arg9[%swap3A_120], %scan3A_117#3 masked %lt3A_40 {strides = array<i32>} : memref<144xi32, #tpu.memory_space<vmem>>, vector<16xi32>, vector<16xi1>
      %swap3A_122 = arith.constant 16 : index
      %swap3A_123 = tpu.vector_load %arg9[%swap3A_122] masked %lt3A_40 {strides = array<i32>} : memref<144xi32, #tpu.memory_space<vmem>>, vector<16xi32>, vector<16xi1>
      tpu.vector_store %arg9[%swap3A_122], %scan3A_117#5 masked %lt3A_40 {strides = array<i32>} : memref<144xi32, #tpu.memory_space<vmem>>, vector<16xi32>, vector<16xi1>
      %swap3A_124 = arith.constant 24 : index
      %swap3A_125 = tpu.vector_load %arg9[%swap3A_124] masked %lt3A_40 {strides = array<i32>} : memref<144xi32, #tpu.memory_space<vmem>>, vector<16xi32>, vector<16xi1>
      tpu.vector_store %arg9[%swap3A_124], %scan3A_117#7 masked %lt3A_40 {strides = array<i32>} : memref<144xi32, #tpu.memory_space<vmem>>, vector<16xi32>, vector<16xi1>
      %swap3A_126 = arith.constant 32 : index
      %swap3A_127 = tpu.vector_load %arg9[%swap3A_126] masked %lt3A_40 {strides = array<i32>} : memref<144xi32, #tpu.memory_space<vmem>>, vector<16xi32>, vector<16xi1>
      tpu.vector_store %arg9[%swap3A_126], %scan3A_117#9 masked %lt3A_40 {strides = array<i32>} : memref<144xi32, #tpu.memory_space<vmem>>, vector<16xi32>, vector<16xi1>
      %swap3A_128 = arith.constant 40 : index
      %swap3A_129 = tpu.vector_load %arg9[%swap3A_128] masked %lt3A_40 {strides = array<i32>} : memref<144xi32, #tpu.memory_space<vmem>>, vector<16xi32>, vector<16xi1>
      tpu.vector_store %arg9[%swap3A_128], %scan3A_117#11 masked %lt3A_40 {strides = array<i32>} : memref<144xi32, #tpu.memory_space<vmem>>, vector<16xi32>, vector<16xi1>
      %swap3A_130 = arith.constant 48 : index
      %swap3A_131 = tpu.vector_load %arg9[%swap3A_130] masked %lt3A_40 {strides = array<i32>} : memref<144xi32, #tpu.memory_space<vmem>>, vector<16xi32>, vector<16xi1>
      tpu.vector_store %arg9[%swap3A_130], %scan3A_117#13 masked %lt3A_40 {strides = array<i32>} : memref<144xi32, #tpu.memory_space<vmem>>, vector<16xi32>, vector<16xi1>
      %swap3A_132 = arith.constant 56 : index
      %swap3A_133 = tpu.vector_load %arg9[%swap3A_132] masked %lt3A_40 {strides = array<i32>} : memref<144xi32, #tpu.memory_space<vmem>>, vector<16xi32>, vector<16xi1>
      tpu.vector_store %arg9[%swap3A_132], %scan3A_117#15 masked %lt3A_40 {strides = array<i32>} : memref<144xi32, #tpu.memory_space<vmem>>, vector<16xi32>, vector<16xi1>
      %add3A_134 = arith.constant 2 : i32
      %add3A_135 = arith.addi %mul3A_105, %add3A_134 : i32
      %lt3A_136 = arith.constant 64 : i32
      %lt3A_137 = arith.cmpi slt, %add3A_135, %lt3A_136 : i32
      %convert_element_type3A = arith.extui %lt3A_137 : i1 to i32
      %cond3A = arith.constant 0 : i32
      %cond3A_138 = arith.cmpi ne, %convert_element_type3A, %cond3A : i32
      scf.if %cond3A_138 {
        %add3A_184 = arith.constant 2 : i32
        %add3A_185 = arith.addi %mul3A_105, %add3A_184 : i32
        %mul3A_186 = arith.constant 8 : i32
        %mul3A_187 = arith.muli %add3A_185, %mul3A_186 : i32
        %add3A_188 = arith.addi %add3A, %mul3A_187 : i32
        %dma_start3A_189 = arith.constant 0 : i32
        %dma_start3A_190 = tpu.memref_slice %arg2[%add3A_188, %dma_start3A_189] : memref<16384x1024xf32, #tpu.memory_space<hbm>> -> memref<8x1024xf32, #tpu.memory_space<hbm>>
        %dma_start3A_191 = arith.constant 0 : i32
        %dma_start3A_192 = tpu.memref_slice %arg2[%add3A_188, %dma_start3A_191] : memref<16384x1024xf32, #tpu.memory_space<hbm>> -> memref<8x1024xf32, #tpu.memory_space<hbm>>
        tpu.enqueue_dma source(%dma_start3A_192 : memref<8x1024xf32, #tpu.memory_space<hbm>>) target(%arg7 : memref<8x1024xf32, #tpu.memory_space<vmem>>) target_semaphore(%arg14 : memref<!tpu.dma_semaphore, #tpu.memory_space<semaphore_mem>>)
      } else {
      }
      %add3A_139 = arith.constant 1 : i32
      %add3A_140 = arith.addi %mul3A_105, %add3A_139 : i32
      %mul3A_141 = arith.constant 8 : i32
      %mul3A_142 = arith.muli %add3A_140, %mul3A_141 : i32
      %add3A_143 = arith.addi %add3A, %mul3A_142 : i32
      %dma_wait3A_144 = arith.constant 0 : i32
      %dma_wait3A_145 = tpu.memref_slice %arg2[%add3A_143, %dma_wait3A_144] : memref<16384x1024xf32, #tpu.memory_space<hbm>> -> memref<8x1024xf32, #tpu.memory_space<hbm>>
      %dma_wait3A_146 = arith.constant 0 : i32
      %dma_wait3A_147 = tpu.memref_slice %arg2[%add3A_143, %dma_wait3A_146] : memref<16384x1024xf32, #tpu.memory_space<hbm>> -> memref<8x1024xf32, #tpu.memory_space<hbm>>
      tpu.wait_dma2 semaphore(%arg15 : memref<!tpu.dma_semaphore, #tpu.memory_space<semaphore_mem>>) src(%dma_wait3A_147 : memref<8x1024xf32, #tpu.memory_space<hbm>>) dst(%arg8 : memref<8x1024xf32, #tpu.memory_space<vmem>>)
      %add3A_148 = arith.constant 1 : i32
      %add3A_149 = arith.addi %mul3A_105, %add3A_148 : i32
      %scan3A_150 = arith.constant 0 : i32
      %scan3A_151 = arith.constant 64 : i32
      %scan3A_152 = arith.addi %scan3A_150, %scan3A_151 : i32
      %scan3A_153 = arith.constant 1 : i32
      %scan3A_154:16 = scf.for %scan3A_184 = %scan3A_150 to %scan3A_152 step %scan3A_153 iter_args(%scan3A_185 = %broadcast_in_dim3A_41, %scan3A_186 = %broadcast_in_dim3A_43, %scan3A_187 = %broadcast_in_dim3A_41, %scan3A_188 = %broadcast_in_dim3A_43, %scan3A_189 = %broadcast_in_dim3A_41, %scan3A_190 = %broadcast_in_dim3A_43, %scan3A_191 = %broadcast_in_dim3A_41, %scan3A_192 = %broadcast_in_dim3A_43, %scan3A_193 = %broadcast_in_dim3A_41, %scan3A_194 = %broadcast_in_dim3A_43, %scan3A_195 = %broadcast_in_dim3A_41, %scan3A_196 = %broadcast_in_dim3A_43, %scan3A_197 = %broadcast_in_dim3A_41, %scan3A_198 = %broadcast_in_dim3A_43, %scan3A_199 = %broadcast_in_dim3A_41, %scan3A_200 = %broadcast_in_dim3A_43) -> (vector<16xf32>, vector<16xi32>, vector<16xf32>, vector<16xi32>, vector<16xf32>, vector<16xi32>, vector<16xf32>, vector<16xi32>, vector<16xf32>, vector<16xi32>, vector<16xf32>, vector<16xi32>, vector<16xf32>, vector<16xi32>, vector<16xf32>, vector<16xi32>)  : i32 {
        %mul3A_201 = arith.constant 16 : i32
        %mul3A_202 = arith.muli %scan3A_184, %mul3A_201 : i32
        %add3A_203 = vector.broadcast %mul3A_202 : i32 to vector<16xi32>
        %add3A_204 = arith.addi %iota3A, %add3A_203 : vector<16xi32>
        %mul3A_205 = arith.constant 16 : i32
        %mul3A_206 = arith.muli %scan3A_184, %mul3A_205 : i32
        %get3A = arith.constant 0 : i32
        %get3A_207 = arith.index_cast %get3A : i32 to index
        %get3A_208 = arith.index_cast %mul3A_206 : i32 to index
        %get3A_209 = tpu.vector_load %arg8[%get3A_207, %get3A_208] {strides = array<i32>} : memref<8x1024xf32, #tpu.memory_space<vmem>>, vector<16xf32>,
        %masked_sort3A = arith.constant dense<true> : vector<16xi1>
        %masked_sort3A_210, %masked_sort3A_211, %masked_sort3A_212 = tpu.sort %get3A_209, %add3A_204 masked %masked_sort3A : (vector<16xf32>, vector<16xi32>, vector<16xi1>) -> (vector<16xi1>, vector<16xf32>, vector<16xi32>)
        %ge3A = arith.cmpf oge, %scan3A_185, %masked_sort3A_211 : vector<16xf32>
        %select_n3A_213 = arith.select %ge3A, %scan3A_185, %masked_sort3A_211 : vector<16xi1>, vector<16xf32>
        %select_n3A_214 = arith.select %ge3A, %scan3A_186, %masked_sort3A_212 : vector<16xi1>, vector<16xi32>
        %masked_sort3A_215 = arith.constant dense<true> : vector<16xi1>
        %masked_sort3A_216, %masked_sort3A_217, %masked_sort3A_218 = tpu.sort %select_n3A_213, %select_n3A_214 masked %masked_sort3A_215 {descending = true} : (vector<16xf32>, vector<16xi32>, vector<16xi1>) -> (vector<16xi1>, vector<16xf32>, vector<16xi32>)
        %mul3A_219 = arith.constant 16 : i32
        %mul3A_220 = arith.muli %scan3A_184, %mul3A_219 : i32
        %get3A_221 = arith.constant 1 : i32
        %get3A_222 = arith.index_cast %get3A_221 : i32 to index
        %get3A_223 = arith.index_cast %mul3A_220 : i32 to index
        %get3A_224 = tpu.vector_load %arg8[%get3A_222, %get3A_223] {strides = array<i32>} : memref<8x1024xf32, #tpu.memory_space<vmem>>, vector<16xf32>,
        %masked_sort3A_225 = arith.constant dense<true> : vector<16xi1>
        %masked_sort3A_226, %masked_sort3A_227, %masked_sort3A_228 = tpu.sort %get3A_224, %add3A_204 masked %masked_sort3A_225 : (vector<16xf32>, vector<16xi32>, vector<16xi1>) -> (vector<16xi1>, vector<16xf32>, vector<16xi32>)
        %ge3A_229 = arith.cmpf oge, %scan3A_187, %masked_sort3A_227 : vector<16xf32>
        %select_n3A_230 = arith.select %ge3A_229, %scan3A_187, %masked_sort3A_227 : vector<16xi1>, vector<16xf32>
        %select_n3A_231 = arith.select %ge3A_229, %scan3A_188, %masked_sort3A_228 : vector<16xi1>, vector<16xi32>
        %masked_sort3A_232 = arith.constant dense<true> : vector<16xi1>
        %masked_sort3A_233, %masked_sort3A_234, %masked_sort3A_235 = tpu.sort %select_n3A_230, %select_n3A_231 masked %masked_sort3A_232 {descending = true} : (vector<16xf32>, vector<16xi32>, vector<16xi1>) -> (vector<16xi1>, vector<16xf32>, vector<16xi32>)
        %mul3A_236 = arith.constant 16 : i32
        %mul3A_237 = arith.muli %scan3A_184, %mul3A_236 : i32
        %get3A_238 = arith.constant 2 : i32
        %get3A_239 = arith.index_cast %get3A_238 : i32 to index
        %get3A_240 = arith.index_cast %mul3A_237 : i32 to index
        %get3A_241 = tpu.vector_load %arg8[%get3A_239, %get3A_240] {strides = array<i32>} : memref<8x1024xf32, #tpu.memory_space<vmem>>, vector<16xf32>,
        %masked_sort3A_242 = arith.constant dense<true> : vector<16xi1>
        %masked_sort3A_243, %masked_sort3A_244, %masked_sort3A_245 = tpu.sort %get3A_241, %add3A_204 masked %masked_sort3A_242 : (vector<16xf32>, vector<16xi32>, vector<16xi1>) -> (vector<16xi1>, vector<16xf32>, vector<16xi32>)
        %ge3A_246 = arith.cmpf oge, %scan3A_189, %masked_sort3A_244 : vector<16xf32>
        %select_n3A_247 = arith.select %ge3A_246, %scan3A_189, %masked_sort3A_244 : vector<16xi1>, vector<16xf32>
        %select_n3A_248 = arith.select %ge3A_246, %scan3A_190, %masked_sort3A_245 : vector<16xi1>, vector<16xi32>
        %masked_sort3A_249 = arith.constant dense<true> : vector<16xi1>
        %masked_sort3A_250, %masked_sort3A_251, %masked_sort3A_252 = tpu.sort %select_n3A_247, %select_n3A_248 masked %masked_sort3A_249 {descending = true} : (vector<16xf32>, vector<16xi32>, vector<16xi1>) -> (vector<16xi1>, vector<16xf32>, vector<16xi32>)
        %mul3A_253 = arith.constant 16 : i32
        %mul3A_254 = arith.muli %scan3A_184, %mul3A_253 : i32
        %get3A_255 = arith.constant 3 : i32
        %get3A_256 = arith.index_cast %get3A_255 : i32 to index
        %get3A_257 = arith.index_cast %mul3A_254 : i32 to index
        %get3A_258 = tpu.vector_load %arg8[%get3A_256, %get3A_257] {strides = array<i32>} : memref<8x1024xf32, #tpu.memory_space<vmem>>, vector<16xf32>,
        %masked_sort3A_259 = arith.constant dense<true> : vector<16xi1>
        %masked_sort3A_260, %masked_sort3A_261, %masked_sort3A_262 = tpu.sort %get3A_258, %add3A_204 masked %masked_sort3A_259 : (vector<16xf32>, vector<16xi32>, vector<16xi1>) -> (vector<16xi1>, vector<16xf32>, vector<16xi32>)
        %ge3A_263 = arith.cmpf oge, %scan3A_191, %masked_sort3A_261 : vector<16xf32>
        %select_n3A_264 = arith.select %ge3A_263, %scan3A_191, %masked_sort3A_261 : vector<16xi1>, vector<16xf32>
        %select_n3A_265 = arith.select %ge3A_263, %scan3A_192, %masked_sort3A_262 : vector<16xi1>, vector<16xi32>
        %masked_sort3A_266 = arith.constant dense<true> : vector<16xi1>
        %masked_sort3A_267, %masked_sort3A_268, %masked_sort3A_269 = tpu.sort %select_n3A_264, %select_n3A_265 masked %masked_sort3A_266 {descending = true} : (vector<16xf32>, vector<16xi32>, vector<16xi1>) -> (vector<16xi1>, vector<16xf32>, vector<16xi32>)
        %mul3A_270 = arith.constant 16 : i32
        %mul3A_271 = arith.muli %scan3A_184, %mul3A_270 : i32
        %get3A_272 = arith.constant 4 : i32
        %get3A_273 = arith.index_cast %get3A_272 : i32 to index
        %get3A_274 = arith.index_cast %mul3A_271 : i32 to index
        %get3A_275 = tpu.vector_load %arg8[%get3A_273, %get3A_274] {strides = array<i32>} : memref<8x1024xf32, #tpu.memory_space<vmem>>, vector<16xf32>,
        %masked_sort3A_276 = arith.constant dense<true> : vector<16xi1>
        %masked_sort3A_277, %masked_sort3A_278, %masked_sort3A_279 = tpu.sort %get3A_275, %add3A_204 masked %masked_sort3A_276 : (vector<16xf32>, vector<16xi32>, vector<16xi1>) -> (vector<16xi1>, vector<16xf32>, vector<16xi32>)
        %ge3A_280 = arith.cmpf oge, %scan3A_193, %masked_sort3A_278 : vector<16xf32>
        %select_n3A_281 = arith.select %ge3A_280, %scan3A_193, %masked_sort3A_278 : vector<16xi1>, vector<16xf32>
        %select_n3A_282 = arith.select %ge3A_280, %scan3A_194, %masked_sort3A_279 : vector<16xi1>, vector<16xi32>
        %masked_sort3A_283 = arith.constant dense<true> : vector<16xi1>
        %masked_sort3A_284, %masked_sort3A_285, %masked_sort3A_286 = tpu.sort %select_n3A_281, %select_n3A_282 masked %masked_sort3A_283 {descending = true} : (vector<16xf32>, vector<16xi32>, vector<16xi1>) -> (vector<16xi1>, vector<16xf32>, vector<16xi32>)
        %mul3A_287 = arith.constant 16 : i32
        %mul3A_288 = arith.muli %scan3A_184, %mul3A_287 : i32
        %get3A_289 = arith.constant 5 : i32
        %get3A_290 = arith.index_cast %get3A_289 : i32 to index
        %get3A_291 = arith.index_cast %mul3A_288 : i32 to index
        %get3A_292 = tpu.vector_load %arg8[%get3A_290, %get3A_291] {strides = array<i32>} : memref<8x1024xf32, #tpu.memory_space<vmem>>, vector<16xf32>,
        %masked_sort3A_293 = arith.constant dense<true> : vector<16xi1>
        %masked_sort3A_294, %masked_sort3A_295, %masked_sort3A_296 = tpu.sort %get3A_292, %add3A_204 masked %masked_sort3A_293 : (vector<16xf32>, vector<16xi32>, vector<16xi1>) -> (vector<16xi1>, vector<16xf32>, vector<16xi32>)
        %ge3A_297 = arith.cmpf oge, %scan3A_195, %masked_sort3A_295 : vector<16xf32>
        %select_n3A_298 = arith.select %ge3A_297, %scan3A_195, %masked_sort3A_295 : vector<16xi1>, vector<16xf32>
        %select_n3A_299 = arith.select %ge3A_297, %scan3A_196, %masked_sort3A_296 : vector<16xi1>, vector<16xi32>
        %masked_sort3A_300 = arith.constant dense<true> : vector<16xi1>
        %masked_sort3A_301, %masked_sort3A_302, %masked_sort3A_303 = tpu.sort %select_n3A_298, %select_n3A_299 masked %masked_sort3A_300 {descending = true} : (vector<16xf32>, vector<16xi32>, vector<16xi1>) -> (vector<16xi1>, vector<16xf32>, vector<16xi32>)
        %mul3A_304 = arith.constant 16 : i32
        %mul3A_305 = arith.muli %scan3A_184, %mul3A_304 : i32
        %get3A_306 = arith.constant 6 : i32
        %get3A_307 = arith.index_cast %get3A_306 : i32 to index
        %get3A_308 = arith.index_cast %mul3A_305 : i32 to index
        %get3A_309 = tpu.vector_load %arg8[%get3A_307, %get3A_308] {strides = array<i32>} : memref<8x1024xf32, #tpu.memory_space<vmem>>, vector<16xf32>,
        %masked_sort3A_310 = arith.constant dense<true> : vector<16xi1>
        %masked_sort3A_311, %masked_sort3A_312, %masked_sort3A_313 = tpu.sort %get3A_309, %add3A_204 masked %masked_sort3A_310 : (vector<16xf32>, vector<16xi32>, vector<16xi1>) -> (vector<16xi1>, vector<16xf32>, vector<16xi32>)
        %ge3A_314 = arith.cmpf oge, %scan3A_197, %masked_sort3A_312 : vector<16xf32>
        %select_n3A_315 = arith.select %ge3A_314, %scan3A_197, %masked_sort3A_312 : vector<16xi1>, vector<16xf32>
        %select_n3A_316 = arith.select %ge3A_314, %scan3A_198, %masked_sort3A_313 : vector<16xi1>, vector<16xi32>
        %masked_sort3A_317 = arith.constant dense<true> : vector<16xi1>
        %masked_sort3A_318, %masked_sort3A_319, %masked_sort3A_320 = tpu.sort %select_n3A_315, %select_n3A_316 masked %masked_sort3A_317 {descending = true} : (vector<16xf32>, vector<16xi32>, vector<16xi1>) -> (vector<16xi1>, vector<16xf32>, vector<16xi32>)
        %mul3A_321 = arith.constant 16 : i32
        %mul3A_322 = arith.muli %scan3A_184, %mul3A_321 : i32
        %get3A_323 = arith.constant 7 : i32
        %get3A_324 = arith.index_cast %get3A_323 : i32 to index
        %get3A_325 = arith.index_cast %mul3A_322 : i32 to index
        %get3A_326 = tpu.vector_load %arg8[%get3A_324, %get3A_325] {strides = array<i32>} : memref<8x1024xf32, #tpu.memory_space<vmem>>, vector<16xf32>,
        %masked_sort3A_327 = arith.constant dense<true> : vector<16xi1>
        %masked_sort3A_328, %masked_sort3A_329, %masked_sort3A_330 = tpu.sort %get3A_326, %add3A_204 masked %masked_sort3A_327 : (vector<16xf32>, vector<16xi32>, vector<16xi1>) -> (vector<16xi1>, vector<16xf32>, vector<16xi32>)
        %ge3A_331 = arith.cmpf oge, %scan3A_199, %masked_sort3A_329 : vector<16xf32>
        %select_n3A_332 = arith.select %ge3A_331, %scan3A_199, %masked_sort3A_329 : vector<16xi1>, vector<16xf32>
        %select_n3A_333 = arith.select %ge3A_331, %scan3A_200, %masked_sort3A_330 : vector<16xi1>, vector<16xi32>
        %masked_sort3A_334 = arith.constant dense<true> : vector<16xi1>
        %masked_sort3A_335, %masked_sort3A_336, %masked_sort3A_337 = tpu.sort %select_n3A_332, %select_n3A_333 masked %masked_sort3A_334 {descending = true} : (vector<16xf32>, vector<16xi32>, vector<16xi1>) -> (vector<16xi1>, vector<16xf32>, vector<16xi32>)
        scf.yield %masked_sort3A_217, %masked_sort3A_218, %masked_sort3A_234, %masked_sort3A_235, %masked_sort3A_251, %masked_sort3A_252, %masked_sort3A_268, %masked_sort3A_269, %masked_sort3A_285, %masked_sort3A_286, %masked_sort3A_302, %masked_sort3A_303, %masked_sort3A_319, %masked_sort3A_320, %masked_sort3A_336, %masked_sort3A_337 : vector<16xf32>, vector<16xi32>, vector<16xf32>, vector<16xi32>, vector<16xf32>, vector<16xi32>, vector<16xf32>, vector<16xi32>, vector<16xf32>, vector<16xi32>, vector<16xf32>, vector<16xi32>, vector<16xf32>, vector<16xi32>, vector<16xf32>, vector<16xi32>
      }
      %scan3A_155 = arith.constant 64 : i32
      %swap3A_156 = arith.constant 64 : index
      %swap3A_157 = tpu.vector_load %arg9[%swap3A_156] masked %lt3A_40 {strides = array<i32>} : memref<144xi32, #tpu.memory_space<vmem>>, vector<16xi32>, vector<16xi1>
      tpu.vector_store %arg9[%swap3A_156], %scan3A_154#1 masked %lt3A_40 {strides = array<i32>} : memref<144xi32, #tpu.memory_space<vmem>>, vector<16xi32>, vector<16xi1>
      %swap3A_158 = arith.constant 72 : index
      %swap3A_159 = tpu.vector_load %arg9[%swap3A_158] masked %lt3A_40 {strides = array<i32>} : memref<144xi32, #tpu.memory_space<vmem>>, vector<16xi32>, vector<16xi1>
      tpu.vector_store %arg9[%swap3A_158], %scan3A_154#3 masked %lt3A_40 {strides = array<i32>} : memref<144xi32, #tpu.memory_space<vmem>>, vector<16xi32>, vector<16xi1>
      %swap3A_160 = arith.constant 80 : index
      %swap3A_161 = tpu.vector_load %arg9[%swap3A_160] masked %lt3A_40 {strides = array<i32>} : memref<144xi32, #tpu.memory_space<vmem>>, vector<16xi32>, vector<16xi1>
      tpu.vector_store %arg9[%swap3A_160], %scan3A_154#5 masked %lt3A_40 {strides = array<i32>} : memref<144xi32, #tpu.memory_space<vmem>>, vector<16xi32>, vector<16xi1>
      %swap3A_162 = arith.constant 88 : index
      %swap3A_163 = tpu.vector_load %arg9[%swap3A_162] masked %lt3A_40 {strides = array<i32>} : memref<144xi32, #tpu.memory_space<vmem>>, vector<16xi32>, vector<16xi1>
      tpu.vector_store %arg9[%swap3A_162], %scan3A_154#7 masked %lt3A_40 {strides = array<i32>} : memref<144xi32, #tpu.memory_space<vmem>>, vector<16xi32>, vector<16xi1>
      %swap3A_164 = arith.constant 96 : index
      %swap3A_165 = tpu.vector_load %arg9[%swap3A_164] masked %lt3A_40 {strides = array<i32>} : memref<144xi32, #tpu.memory_space<vmem>>, vector<16xi32>, vector<16xi1>
      tpu.vector_store %arg9[%swap3A_164], %scan3A_154#9 masked %lt3A_40 {strides = array<i32>} : memref<144xi32, #tpu.memory_space<vmem>>, vector<16xi32>, vector<16xi1>
      %swap3A_166 = arith.constant 104 : index
      %swap3A_167 = tpu.vector_load %arg9[%swap3A_166] masked %lt3A_40 {strides = array<i32>} : memref<144xi32, #tpu.memory_space<vmem>>, vector<16xi32>, vector<16xi1>
      tpu.vector_store %arg9[%swap3A_166], %scan3A_154#11 masked %lt3A_40 {strides = array<i32>} : memref<144xi32, #tpu.memory_space<vmem>>, vector<16xi32>, vector<16xi1>
      %swap3A_168 = arith.constant 112 : index
      %swap3A_169 = tpu.vector_load %arg9[%swap3A_168] masked %lt3A_40 {strides = array<i32>} : memref<144xi32, #tpu.memory_space<vmem>>, vector<16xi32>, vector<16xi1>
      tpu.vector_store %arg9[%swap3A_168], %scan3A_154#13 masked %lt3A_40 {strides = array<i32>} : memref<144xi32, #tpu.memory_space<vmem>>, vector<16xi32>, vector<16xi1>
      %swap3A_170 = arith.constant 120 : index
      %swap3A_171 = tpu.vector_load %arg9[%swap3A_170] masked %lt3A_40 {strides = array<i32>} : memref<144xi32, #tpu.memory_space<vmem>>, vector<16xi32>, vector<16xi1>
      tpu.vector_store %arg9[%swap3A_170], %scan3A_154#15 masked %lt3A_40 {strides = array<i32>} : memref<144xi32, #tpu.memory_space<vmem>>, vector<16xi32>, vector<16xi1>
      %add3A_172 = arith.constant 3 : i32
      %add3A_173 = arith.addi %mul3A_105, %add3A_172 : i32
      %lt3A_174 = arith.constant 64 : i32
      %lt3A_175 = arith.cmpi slt, %add3A_173, %lt3A_174 : i32
      %convert_element_type3A_176 = arith.extui %lt3A_175 : i1 to i32
      %cond3A_177 = arith.constant 0 : i32
      %cond3A_178 = arith.cmpi ne, %convert_element_type3A_176, %cond3A_177 : i32
      scf.if %cond3A_178 {
        %add3A_184 = arith.constant 3 : i32
        %add3A_185 = arith.addi %mul3A_105, %add3A_184 : i32
        %mul3A_186 = arith.constant 8 : i32
        %mul3A_187 = arith.muli %add3A_185, %mul3A_186 : i32
        %add3A_188 = arith.addi %add3A, %mul3A_187 : i32
        %dma_start3A_189 = arith.constant 0 : i32
        %dma_start3A_190 = tpu.memref_slice %arg2[%add3A_188, %dma_start3A_189] : memref<16384x1024xf32, #tpu.memory_space<hbm>> -> memref<8x1024xf32, #tpu.memory_space<hbm>>
        %dma_start3A_191 = arith.constant 0 : i32
        %dma_start3A_192 = tpu.memref_slice %arg2[%add3A_188, %dma_start3A_191] : memref<16384x1024xf32, #tpu.memory_space<hbm>> -> memref<8x1024xf32, #tpu.memory_space<hbm>>
        tpu.enqueue_dma source(%dma_start3A_192 : memref<8x1024xf32, #tpu.memory_space<hbm>>) target(%arg8 : memref<8x1024xf32, #tpu.memory_space<vmem>>) target_semaphore(%arg15 : memref<!tpu.dma_semaphore, #tpu.memory_space<semaphore_mem>>)
      } else {
      }
      %mul3A_179 = arith.constant 8 : i32
      %mul3A_180 = arith.muli %mul3A_105, %mul3A_179 : i32
      %add3A_181 = arith.addi %add3A, %mul3A_180 : i32
      %mul3A_182 = arith.constant 8 : i32
      %mul3A_183 = arith.muli %add3A_181, %mul3A_182 : i32
      "tpu.region"() ({
        %run_scoped3A = tpu.sem_alloc : memref<!tpu.dma_semaphore, #tpu.memory_space<semaphore_mem>>
        %dma_start3A_184 = arith.constant 0 : i32
        %dma_start3A_185 = tpu.memref_slice %arg9[%dma_start3A_184] : memref<144xi32, #tpu.memory_space<vmem>> -> memref<128xi32, #tpu.memory_space<vmem>>
        %dma_start3A_186 = tpu.memref_slice %arg5[%mul3A_183] : memref<131072xi32, #tpu.memory_space<hbm>> -> memref<128xi32, #tpu.memory_space<hbm>>
        %dma_start3A_187 = tpu.memref_slice %arg5[%mul3A_183] : memref<131072xi32, #tpu.memory_space<hbm>> -> memref<128xi32, #tpu.memory_space<hbm>>
        %dma_start3A_188 = arith.constant 0 : i32
        %dma_start3A_189 = tpu.memref_slice %arg9[%dma_start3A_188] : memref<144xi32, #tpu.memory_space<vmem>> -> memref<128xi32, #tpu.memory_space<vmem>>
        tpu.enqueue_dma source(%dma_start3A_189 : memref<128xi32, #tpu.memory_space<vmem>>) target(%dma_start3A_187 : memref<128xi32, #tpu.memory_space<hbm>>) target_semaphore(%run_scoped3A : memref<!tpu.dma_semaphore, #tpu.memory_space<semaphore_mem>>)
        %dma_wait3A_190 = arith.constant 0 : i32
        %dma_wait3A_191 = tpu.memref_slice %arg9[%dma_wait3A_190] : memref<144xi32, #tpu.memory_space<vmem>> -> memref<128xi32, #tpu.memory_space<vmem>>
        %dma_wait3A_192 = tpu.memref_slice %arg5[%mul3A_183] : memref<131072xi32, #tpu.memory_space<hbm>> -> memref<128xi32, #tpu.memory_space<hbm>>
        %dma_wait3A_193 = tpu.memref_slice %arg5[%mul3A_183] : memref<131072xi32, #tpu.memory_space<hbm>> -> memref<128xi32, #tpu.memory_space<hbm>>
        %dma_wait3A_194 = arith.constant 0 : i32
        %dma_wait3A_195 = tpu.memref_slice %arg9[%dma_wait3A_194] : memref<144xi32, #tpu.memory_space<vmem>> -> memref<128xi32, #tpu.memory_space<vmem>>
        tpu.wait_dma2 semaphore(%run_scoped3A : memref<!tpu.dma_semaphore, #tpu.memory_space<semaphore_mem>>) src(%dma_wait3A_195 : memref<128xi32, #tpu.memory_space<vmem>>) dst(%dma_wait3A_193 : memref<128xi32, #tpu.memory_space<hbm>>)
        tpu.yield
      }) : () -> ()
    }
    %scan3A_63 = arith.constant 32 : i32
    %barrier3A = arith.constant 0 : index
    tpu.barrier barrier_id(%barrier3A)
    %mul3A_64 = arith.constant 65536 : i32
    %mul3A_65 = arith.muli %select_n3A_11, %mul3A_64 : i32
    %dma_wait3A = tpu.memref_slice %arg3[%mul3A_65] : memref<262144xf32, #tpu.memory_space<hbm>> -> memref<65536xf32, #tpu.memory_space<hbm>>
    %dma_wait3A_66 = tpu.memref_slice %arg3[%mul3A_65] : memref<262144xf32, #tpu.memory_space<hbm>> -> memref<65536xf32, #tpu.memory_space<hbm>>
    tpu.wait_dma2 semaphore(%arg16 : memref<!tpu.dma_semaphore, #tpu.memory_space<semaphore_mem>>) src(%dma_wait3A_66 : memref<65536xf32, #tpu.memory_space<hbm>>) dst(%arg6 : memref<65536xf32, #tpu.memory_space<vmem>>)
    %add3A_67 = arith.constant 0 : i32
    %add3A_68 = arith.addi %add3A_37, %add3A_67 : i32
    %mul3A_69 = arith.constant 8 : i32
    %mul3A_70 = arith.muli %add3A_68, %mul3A_69 : i32
    %dma_start3A_71 = tpu.memref_slice %arg5[%mul3A_70] : memref<131072xi32, #tpu.memory_space<hbm>> -> memref<1024xi32, #tpu.memory_space<hbm>>
    %dma_start3A_72 = tpu.memref_slice %arg5[%mul3A_70] : memref<131072xi32, #tpu.memory_space<hbm>> -> memref<1024xi32, #tpu.memory_space<hbm>>
    tpu.enqueue_dma source(%dma_start3A_72 : memref<1024xi32, #tpu.memory_space<hbm>>) target(%arg10 : memref<1024xi32, #tpu.memory_space<vmem>>) target_semaphore(%arg17 : memref<!tpu.dma_semaphore, #tpu.memory_space<semaphore_mem>>)
    %add3A_73 = arith.constant 128 : i32
    %add3A_74 = arith.addi %add3A_37, %add3A_73 : i32
    %mul3A_75 = arith.constant 8 : i32
    %mul3A_76 = arith.muli %add3A_74, %mul3A_75 : i32
    %dma_start3A_77 = tpu.memref_slice %arg5[%mul3A_76] : memref<131072xi32, #tpu.memory_space<hbm>> -> memref<1024xi32, #tpu.memory_space<hbm>>
    %dma_start3A_78 = tpu.memref_slice %arg5[%mul3A_76] : memref<131072xi32, #tpu.memory_space<hbm>> -> memref<1024xi32, #tpu.memory_space<hbm>>
    tpu.enqueue_dma source(%dma_start3A_78 : memref<1024xi32, #tpu.memory_space<hbm>>) target(%arg11 : memref<1024xi32, #tpu.memory_space<vmem>>) target_semaphore(%arg18 : memref<!tpu.dma_semaphore, #tpu.memory_space<semaphore_mem>>)
    %scan3A_79 = arith.constant 0 : i32
    %scan3A_80 = arith.constant 0 : i32
    %scan3A_81 = arith.constant 8 : i32
    %scan3A_82 = arith.addi %scan3A_80, %scan3A_81 : i32
    %scan3A_83 = arith.constant 1 : i32
    scf.for %scan3A_103 = %scan3A_80 to %scan3A_82 step %scan3A_83  : i32 {
      %mul3A_104 = arith.constant 2 : i32
      %mul3A_105 = arith.muli %mul3A_104, %scan3A_103 : i32
      %add3A_106 = arith.constant 0 : i32
      %add3A_107 = arith.addi %mul3A_105, %add3A_106 : i32
      %mul3A_108 = arith.constant 128 : i32
      %mul3A_109 = arith.muli %add3A_107, %mul3A_108 : i32
      %add3A_110 = arith.addi %add3A_37, %mul3A_109 : i32
      %mul3A_111 = arith.constant 8 : i32
      %mul3A_112 = arith.muli %add3A_110, %mul3A_111 : i32
      %dma_wait3A_113 = tpu.memref_slice %arg5[%mul3A_112] : memref<131072xi32, #tpu.memory_space<hbm>> -> memref<1024xi32, #tpu.memory_space<hbm>>
      %dma_wait3A_114 = tpu.memref_slice %arg5[%mul3A_112] : memref<131072xi32, #tpu.memory_space<hbm>> -> memref<1024xi32, #tpu.memory_space<hbm>>
      tpu.wait_dma2 semaphore(%arg17 : memref<!tpu.dma_semaphore, #tpu.memory_space<semaphore_mem>>) src(%dma_wait3A_114 : memref<1024xi32, #tpu.memory_space<hbm>>) dst(%arg10 : memref<1024xi32, #tpu.memory_space<vmem>>)
      %ge3A = arith.constant 2 : i32
      %ge3A_115 = arith.cmpi sge, %add3A_107, %ge3A : i32
      %convert_element_type3A = arith.extui %ge3A_115 : i1 to i32
      %cond3A = arith.constant 0 : i32
      %cond3A_116 = arith.cmpi ne, %convert_element_type3A, %cond3A : i32
      scf.if %cond3A_116 {
        %sub3A_179 = arith.constant 2 : i32
        %sub3A_180 = arith.subi %add3A_107, %sub3A_179 : i32
        %mul3A_181 = arith.constant 1048576 : i32
        %mul3A_182 = arith.muli %select_n3A_11, %mul3A_181 : i32
        %mul3A_183 = arith.constant 128 : i32
        %mul3A_184 = arith.muli %sub3A_180, %mul3A_183 : i32
        %add3A_185 = arith.addi %add3A_37, %mul3A_184 : i32
        %mul3A_186 = arith.constant 64 : i32
        %mul3A_187 = arith.muli %add3A_185, %mul3A_186 : i32
        %add3A_188 = arith.addi %mul3A_182, %mul3A_187 : i32
        %dma_wait3A_189 = tpu.memref_slice %arg4[%add3A_188] : memref<4194304xf32, #tpu.memory_space<hbm>> -> memref<8192xf32, #tpu.memory_space<hbm>>
        %dma_wait3A_190 = tpu.memref_slice %arg4[%add3A_188] : memref<4194304xf32, #tpu.memory_space<hbm>> -> memref<8192xf32, #tpu.memory_space<hbm>>
        tpu.wait_dma2 semaphore(%arg19 : memref<!tpu.dma_semaphore, #tpu.memory_space<semaphore_mem>>) src(%arg12 : memref<8192xf32, #tpu.memory_space<vmem>>) dst(%dma_wait3A_190 : memref<8192xf32, #tpu.memory_space<hbm>>)
      } else {
      }
      %scan3A_117 = arith.constant 0 : i32
      %scan3A_118 = arith.constant 0 : i32
      %scan3A_119 = arith.constant 64 : i32
      %scan3A_120 = arith.addi %scan3A_118, %scan3A_119 : i32
      %scan3A_121 = arith.constant 2 : i32
      scf.for %scan3A_179 = %scan3A_118 to %scan3A_120 step %scan3A_121  : i32 {
        %mul3A_180 = arith.constant 2 : i32
        %mul3A_181 = arith.muli %scan3A_179, %mul3A_180 : i32
        %mul3A_182 = arith.constant 8 : i32
        %mul3A_183 = arith.muli %mul3A_181, %mul3A_182 : i32
        %get3A = arith.index_cast %mul3A_183 : i32 to index
        %get3A_184 = tpu.vector_load %arg10[%get3A] {strides = array<i32>} : memref<1024xi32, #tpu.memory_space<vmem>>, vector<16xi32>,
        %slice3A = vector.extract_strided_slice %get3A_184 {offsets = [0], sizes = [1], strides = [1]} : vector<16xi32> to vector<1xi32>
        %squeeze3A = vector.extract %slice3A[0] : i32 from vector<1xi32>
        %mul3A_185 = arith.constant 64 : i32
        %mul3A_186 = arith.muli %squeeze3A, %mul3A_185 : i32
        %add3A_187 = arith.constant 0 : i32
        %add3A_188 = arith.addi %mul3A_186, %add3A_187 : i32
        %get3A_189 = arith.index_cast %add3A_188 : i32 to index
        %get3A_190 = tpu.vector_load %arg6[%get3A_189] {strides = array<i32>} : memref<65536xf32, #tpu.memory_space<vmem>>, vector<16xf32>,
        %add3A_191 = arith.constant 16 : i32
        %add3A_192 = arith.addi %mul3A_186, %add3A_191 : i32
        %get3A_193 = arith.index_cast %add3A_192 : i32 to index
        %get3A_194 = tpu.vector_load %arg6[%get3A_193] {strides = array<i32>} : memref<65536xf32, #tpu.memory_space<vmem>>, vector<16xf32>,
        %add3A_195 = arith.constant 32 : i32
        %add3A_196 = arith.addi %mul3A_186, %add3A_195 : i32
        %get3A_197 = arith.index_cast %add3A_196 : i32 to index
        %get3A_198 = tpu.vector_load %arg6[%get3A_197] {strides = array<i32>} : memref<65536xf32, #tpu.memory_space<vmem>>, vector<16xf32>,
        %add3A_199 = arith.constant 48 : i32
        %add3A_200 = arith.addi %mul3A_186, %add3A_199 : i32
        %get3A_201 = arith.index_cast %add3A_200 : i32 to index
        %get3A_202 = tpu.vector_load %arg6[%get3A_201] {strides = array<i32>} : memref<65536xf32, #tpu.memory_space<vmem>>, vector<16xf32>,
        %slice3A_203 = vector.extract_strided_slice %get3A_184 {offsets = [1], sizes = [1], strides = [1]} : vector<16xi32> to vector<1xi32>
        %squeeze3A_204 = vector.extract %slice3A_203[0] : i32 from vector<1xi32>
        %mul3A_205 = arith.constant 64 : i32
        %mul3A_206 = arith.muli %squeeze3A_204, %mul3A_205 : i32
        %add3A_207 = arith.constant 0 : i32
        %add3A_208 = arith.addi %mul3A_206, %add3A_207 : i32
        %get3A_209 = arith.index_cast %add3A_208 : i32 to index
        %get3A_210 = tpu.vector_load %arg6[%get3A_209] {strides = array<i32>} : memref<65536xf32, #tpu.memory_space<vmem>>, vector<16xf32>,
        %add3A_211 = arith.addf %get3A_190, %get3A_210 : vector<16xf32>
        %add3A_212 = arith.constant 16 : i32
        %add3A_213 = arith.addi %mul3A_206, %add3A_212 : i32
        %get3A_214 = arith.index_cast %add3A_213 : i32 to index
        %get3A_215 = tpu.vector_load %arg6[%get3A_214] {strides = array<i32>} : memref<65536xf32, #tpu.memory_space<vmem>>, vector<16xf32>,
        %add3A_216 = arith.addf %get3A_194, %get3A_215 : vector<16xf32>
        %add3A_217 = arith.constant 32 : i32
        %add3A_218 = arith.addi %mul3A_206, %add3A_217 : i32
        %get3A_219 = arith.index_cast %add3A_218 : i32 to index
        %get3A_220 = tpu.vector_load %arg6[%get3A_219] {strides = array<i32>} : memref<65536xf32, #tpu.memory_space<vmem>>, vector<16xf32>,
        %add3A_221 = arith.addf %get3A_198, %get3A_220 : vector<16xf32>
        %add3A_222 = arith.constant 48 : i32
        %add3A_223 = arith.addi %mul3A_206, %add3A_222 : i32
        %get3A_224 = arith.index_cast %add3A_223 : i32 to index
        %get3A_225 = tpu.vector_load %arg6[%get3A_224] {strides = array<i32>} : memref<65536xf32, #tpu.memory_space<vmem>>, vector<16xf32>,
        %add3A_226 = arith.addf %get3A_202, %get3A_225 : vector<16xf32>
        %slice3A_227 = vector.extract_strided_slice %get3A_184 {offsets = [2], sizes = [1], strides = [1]} : vector<16xi32> to vector<1xi32>
        %squeeze3A_228 = vector.extract %slice3A_227[0] : i32 from vector<1xi32>
        %mul3A_229 = arith.constant 64 : i32
        %mul3A_230 = arith.muli %squeeze3A_228, %mul3A_229 : i32
        %add3A_231 = arith.constant 0 : i32
        %add3A_232 = arith.addi %mul3A_230, %add3A_231 : i32
        %get3A_233 = arith.index_cast %add3A_232 : i32 to index
        %get3A_234 = tpu.vector_load %arg6[%get3A_233] {strides = array<i32>} : memref<65536xf32, #tpu.memory_space<vmem>>, vector<16xf32>,
        %add3A_235 = arith.addf %add3A_211, %get3A_234 : vector<16xf32>
        %add3A_236 = arith.constant 16 : i32
        %add3A_237 = arith.addi %mul3A_230, %add3A_236 : i32
        %get3A_238 = arith.index_cast %add3A_237 : i32 to index
        %get3A_239 = tpu.vector_load %arg6[%get3A_238] {strides = array<i32>} : memref<65536xf32, #tpu.memory_space<vmem>>, vector<16xf32>,
        %add3A_240 = arith.addf %add3A_216, %get3A_239 : vector<16xf32>
        %add3A_241 = arith.constant 32 : i32
        %add3A_242 = arith.addi %mul3A_230, %add3A_241 : i32
        %get3A_243 = arith.index_cast %add3A_242 : i32 to index
        %get3A_244 = tpu.vector_load %arg6[%get3A_243] {strides = array<i32>} : memref<65536xf32, #tpu.memory_space<vmem>>, vector<16xf32>,
        %add3A_245 = arith.addf %add3A_221, %get3A_244 : vector<16xf32>
        %add3A_246 = arith.constant 48 : i32
        %add3A_247 = arith.addi %mul3A_230, %add3A_246 : i32
        %get3A_248 = arith.index_cast %add3A_247 : i32 to index
        %get3A_249 = tpu.vector_load %arg6[%get3A_248] {strides = array<i32>} : memref<65536xf32, #tpu.memory_space<vmem>>, vector<16xf32>,
        %add3A_250 = arith.addf %add3A_226, %get3A_249 : vector<16xf32>
        %slice3A_251 = vector.extract_strided_slice %get3A_184 {offsets = [3], sizes = [1], strides = [1]} : vector<16xi32> to vector<1xi32>
        %squeeze3A_252 = vector.extract %slice3A_251[0] : i32 from vector<1xi32>
        %mul3A_253 = arith.constant 64 : i32
        %mul3A_254 = arith.muli %squeeze3A_252, %mul3A_253 : i32
        %add3A_255 = arith.constant 0 : i32
        %add3A_256 = arith.addi %mul3A_254, %add3A_255 : i32
        %get3A_257 = arith.index_cast %add3A_256 : i32 to index
        %get3A_258 = tpu.vector_load %arg6[%get3A_257] {strides = array<i32>} : memref<65536xf32, #tpu.memory_space<vmem>>, vector<16xf32>,
        %add3A_259 = arith.addf %add3A_235, %get3A_258 : vector<16xf32>
        %add3A_260 = arith.constant 16 : i32
        %add3A_261 = arith.addi %mul3A_254, %add3A_260 : i32
        %get3A_262 = arith.index_cast %add3A_261 : i32 to index
        %get3A_263 = tpu.vector_load %arg6[%get3A_262] {strides = array<i32>} : memref<65536xf32, #tpu.memory_space<vmem>>, vector<16xf32>,
        %add3A_264 = arith.addf %add3A_240, %get3A_263 : vector<16xf32>
        %add3A_265 = arith.constant 32 : i32
        %add3A_266 = arith.addi %mul3A_254, %add3A_265 : i32
        %get3A_267 = arith.index_cast %add3A_266 : i32 to index
        %get3A_268 = tpu.vector_load %arg6[%get3A_267] {strides = array<i32>} : memref<65536xf32, #tpu.memory_space<vmem>>, vector<16xf32>,
        %add3A_269 = arith.addf %add3A_245, %get3A_268 : vector<16xf32>
        %add3A_270 = arith.constant 48 : i32
        %add3A_271 = arith.addi %mul3A_254, %add3A_270 : i32
        %get3A_272 = arith.index_cast %add3A_271 : i32 to index
        %get3A_273 = tpu.vector_load %arg6[%get3A_272] {strides = array<i32>} : memref<65536xf32, #tpu.memory_space<vmem>>, vector<16xf32>,
        %add3A_274 = arith.addf %add3A_250, %get3A_273 : vector<16xf32>
        %slice3A_275 = vector.extract_strided_slice %get3A_184 {offsets = [4], sizes = [1], strides = [1]} : vector<16xi32> to vector<1xi32>
        %squeeze3A_276 = vector.extract %slice3A_275[0] : i32 from vector<1xi32>
        %mul3A_277 = arith.constant 64 : i32
        %mul3A_278 = arith.muli %squeeze3A_276, %mul3A_277 : i32
        %add3A_279 = arith.constant 0 : i32
        %add3A_280 = arith.addi %mul3A_278, %add3A_279 : i32
        %get3A_281 = arith.index_cast %add3A_280 : i32 to index
        %get3A_282 = tpu.vector_load %arg6[%get3A_281] {strides = array<i32>} : memref<65536xf32, #tpu.memory_space<vmem>>, vector<16xf32>,
        %add3A_283 = arith.addf %add3A_259, %get3A_282 : vector<16xf32>
        %add3A_284 = arith.constant 16 : i32
        %add3A_285 = arith.addi %mul3A_278, %add3A_284 : i32
        %get3A_286 = arith.index_cast %add3A_285 : i32 to index
        %get3A_287 = tpu.vector_load %arg6[%get3A_286] {strides = array<i32>} : memref<65536xf32, #tpu.memory_space<vmem>>, vector<16xf32>,
        %add3A_288 = arith.addf %add3A_264, %get3A_287 : vector<16xf32>
        %add3A_289 = arith.constant 32 : i32
        %add3A_290 = arith.addi %mul3A_278, %add3A_289 : i32
        %get3A_291 = arith.index_cast %add3A_290 : i32 to index
        %get3A_292 = tpu.vector_load %arg6[%get3A_291] {strides = array<i32>} : memref<65536xf32, #tpu.memory_space<vmem>>, vector<16xf32>,
        %add3A_293 = arith.addf %add3A_269, %get3A_292 : vector<16xf32>
        %add3A_294 = arith.constant 48 : i32
        %add3A_295 = arith.addi %mul3A_278, %add3A_294 : i32
        %get3A_296 = arith.index_cast %add3A_295 : i32 to index
        %get3A_297 = tpu.vector_load %arg6[%get3A_296] {strides = array<i32>} : memref<65536xf32, #tpu.memory_space<vmem>>, vector<16xf32>,
        %add3A_298 = arith.addf %add3A_274, %get3A_297 : vector<16xf32>
        %slice3A_299 = vector.extract_strided_slice %get3A_184 {offsets = [5], sizes = [1], strides = [1]} : vector<16xi32> to vector<1xi32>
        %squeeze3A_300 = vector.extract %slice3A_299[0] : i32 from vector<1xi32>
        %mul3A_301 = arith.constant 64 : i32
        %mul3A_302 = arith.muli %squeeze3A_300, %mul3A_301 : i32
        %add3A_303 = arith.constant 0 : i32
        %add3A_304 = arith.addi %mul3A_302, %add3A_303 : i32
        %get3A_305 = arith.index_cast %add3A_304 : i32 to index
        %get3A_306 = tpu.vector_load %arg6[%get3A_305] {strides = array<i32>} : memref<65536xf32, #tpu.memory_space<vmem>>, vector<16xf32>,
        %add3A_307 = arith.addf %add3A_283, %get3A_306 : vector<16xf32>
        %add3A_308 = arith.constant 16 : i32
        %add3A_309 = arith.addi %mul3A_302, %add3A_308 : i32
        %get3A_310 = arith.index_cast %add3A_309 : i32 to index
        %get3A_311 = tpu.vector_load %arg6[%get3A_310] {strides = array<i32>} : memref<65536xf32, #tpu.memory_space<vmem>>, vector<16xf32>,
        %add3A_312 = arith.addf %add3A_288, %get3A_311 : vector<16xf32>
        %add3A_313 = arith.constant 32 : i32
        %add3A_314 = arith.addi %mul3A_302, %add3A_313 : i32
        %get3A_315 = arith.index_cast %add3A_314 : i32 to index
        %get3A_316 = tpu.vector_load %arg6[%get3A_315] {strides = array<i32>} : memref<65536xf32, #tpu.memory_space<vmem>>, vector<16xf32>,
        %add3A_317 = arith.addf %add3A_293, %get3A_316 : vector<16xf32>
        %add3A_318 = arith.constant 48 : i32
        %add3A_319 = arith.addi %mul3A_302, %add3A_318 : i32
        %get3A_320 = arith.index_cast %add3A_319 : i32 to index
        %get3A_321 = tpu.vector_load %arg6[%get3A_320] {strides = array<i32>} : memref<65536xf32, #tpu.memory_space<vmem>>, vector<16xf32>,
        %add3A_322 = arith.addf %add3A_298, %get3A_321 : vector<16xf32>
        %slice3A_323 = vector.extract_strided_slice %get3A_184 {offsets = [6], sizes = [1], strides = [1]} : vector<16xi32> to vector<1xi32>
        %squeeze3A_324 = vector.extract %slice3A_323[0] : i32 from vector<1xi32>
        %mul3A_325 = arith.constant 64 : i32
        %mul3A_326 = arith.muli %squeeze3A_324, %mul3A_325 : i32
        %add3A_327 = arith.constant 0 : i32
        %add3A_328 = arith.addi %mul3A_326, %add3A_327 : i32
        %get3A_329 = arith.index_cast %add3A_328 : i32 to index
        %get3A_330 = tpu.vector_load %arg6[%get3A_329] {strides = array<i32>} : memref<65536xf32, #tpu.memory_space<vmem>>, vector<16xf32>,
        %add3A_331 = arith.addf %add3A_307, %get3A_330 : vector<16xf32>
        %add3A_332 = arith.constant 16 : i32
        %add3A_333 = arith.addi %mul3A_326, %add3A_332 : i32
        %get3A_334 = arith.index_cast %add3A_333 : i32 to index
        %get3A_335 = tpu.vector_load %arg6[%get3A_334] {strides = array<i32>} : memref<65536xf32, #tpu.memory_space<vmem>>, vector<16xf32>,
        %add3A_336 = arith.addf %add3A_312, %get3A_335 : vector<16xf32>
        %add3A_337 = arith.constant 32 : i32
        %add3A_338 = arith.addi %mul3A_326, %add3A_337 : i32
        %get3A_339 = arith.index_cast %add3A_338 : i32 to index
        %get3A_340 = tpu.vector_load %arg6[%get3A_339] {strides = array<i32>} : memref<65536xf32, #tpu.memory_space<vmem>>, vector<16xf32>,
        %add3A_341 = arith.addf %add3A_317, %get3A_340 : vector<16xf32>
        %add3A_342 = arith.constant 48 : i32
        %add3A_343 = arith.addi %mul3A_326, %add3A_342 : i32
        %get3A_344 = arith.index_cast %add3A_343 : i32 to index
        %get3A_345 = tpu.vector_load %arg6[%get3A_344] {strides = array<i32>} : memref<65536xf32, #tpu.memory_space<vmem>>, vector<16xf32>,
        %add3A_346 = arith.addf %add3A_322, %get3A_345 : vector<16xf32>
        %slice3A_347 = vector.extract_strided_slice %get3A_184 {offsets = [7], sizes = [1], strides = [1]} : vector<16xi32> to vector<1xi32>
        %squeeze3A_348 = vector.extract %slice3A_347[0] : i32 from vector<1xi32>
        %mul3A_349 = arith.constant 64 : i32
        %mul3A_350 = arith.muli %squeeze3A_348, %mul3A_349 : i32
        %add3A_351 = arith.constant 0 : i32
        %add3A_352 = arith.addi %mul3A_350, %add3A_351 : i32
        %get3A_353 = arith.index_cast %add3A_352 : i32 to index
        %get3A_354 = tpu.vector_load %arg6[%get3A_353] {strides = array<i32>} : memref<65536xf32, #tpu.memory_space<vmem>>, vector<16xf32>,
        %add3A_355 = arith.addf %add3A_331, %get3A_354 : vector<16xf32>
        %add3A_356 = arith.constant 16 : i32
        %add3A_357 = arith.addi %mul3A_350, %add3A_356 : i32
        %get3A_358 = arith.index_cast %add3A_357 : i32 to index
        %get3A_359 = tpu.vector_load %arg6[%get3A_358] {strides = array<i32>} : memref<65536xf32, #tpu.memory_space<vmem>>, vector<16xf32>,
        %add3A_360 = arith.addf %add3A_336, %get3A_359 : vector<16xf32>
        %add3A_361 = arith.constant 32 : i32
        %add3A_362 = arith.addi %mul3A_350, %add3A_361 : i32
        %get3A_363 = arith.index_cast %add3A_362 : i32 to index
        %get3A_364 = tpu.vector_load %arg6[%get3A_363] {strides = array<i32>} : memref<65536xf32, #tpu.memory_space<vmem>>, vector<16xf32>,
        %add3A_365 = arith.addf %add3A_341, %get3A_364 : vector<16xf32>
        %add3A_366 = arith.constant 48 : i32
        %add3A_367 = arith.addi %mul3A_350, %add3A_366 : i32
        %get3A_368 = arith.index_cast %add3A_367 : i32 to index
        %get3A_369 = tpu.vector_load %arg6[%get3A_368] {strides = array<i32>} : memref<65536xf32, #tpu.memory_space<vmem>>, vector<16xf32>,
        %add3A_370 = arith.addf %add3A_346, %get3A_369 : vector<16xf32>
        %mul3A_371 = arith.constant 2 : i32
        %mul3A_372 = arith.muli %scan3A_179, %mul3A_371 : i32
        %add3A_373 = arith.constant 0 : i32
        %add3A_374 = arith.addi %mul3A_372, %add3A_373 : i32
        %mul3A_375 = arith.constant 64 : i32
        %mul3A_376 = arith.muli %add3A_374, %mul3A_375 : i32
        %add3A_377 = arith.constant 0 : i32
        %add3A_378 = arith.addi %mul3A_376, %add3A_377 : i32
        %swap3A = arith.index_cast %add3A_378 : i32 to index
        %swap3A_379 = tpu.vector_load %arg12[%swap3A] {strides = array<i32>} : memref<8192xf32, #tpu.memory_space<vmem>>, vector<16xf32>,
        tpu.vector_store %arg12[%swap3A], %add3A_355 {strides = array<i32>} : memref<8192xf32, #tpu.memory_space<vmem>>, vector<16xf32>,
        %mul3A_380 = arith.constant 2 : i32
        %mul3A_381 = arith.muli %scan3A_179, %mul3A_380 : i32
        %add3A_382 = arith.constant 0 : i32
        %add3A_383 = arith.addi %mul3A_381, %add3A_382 : i32
        %mul3A_384 = arith.constant 64 : i32
        %mul3A_385 = arith.muli %add3A_383, %mul3A_384 : i32
        %add3A_386 = arith.constant 16 : i32
        %add3A_387 = arith.addi %mul3A_385, %add3A_386 : i32
        %swap3A_388 = arith.index_cast %add3A_387 : i32 to index
        %swap3A_389 = tpu.vector_load %arg12[%swap3A_388] {strides = array<i32>} : memref<8192xf32, #tpu.memory_space<vmem>>, vector<16xf32>,
        tpu.vector_store %arg12[%swap3A_388], %add3A_360 {strides = array<i32>} : memref<8192xf32, #tpu.memory_space<vmem>>, vector<16xf32>,
        %mul3A_390 = arith.constant 2 : i32
        %mul3A_391 = arith.muli %scan3A_179, %mul3A_390 : i32
        %add3A_392 = arith.constant 0 : i32
        %add3A_393 = arith.addi %mul3A_391, %add3A_392 : i32
        %mul3A_394 = arith.constant 64 : i32
        %mul3A_395 = arith.muli %add3A_393, %mul3A_394 : i32
        %add3A_396 = arith.constant 32 : i32
        %add3A_397 = arith.addi %mul3A_395, %add3A_396 : i32
        %swap3A_398 = arith.index_cast %add3A_397 : i32 to index
        %swap3A_399 = tpu.vector_load %arg12[%swap3A_398] {strides = array<i32>} : memref<8192xf32, #tpu.memory_space<vmem>>, vector<16xf32>,
        tpu.vector_store %arg12[%swap3A_398], %add3A_365 {strides = array<i32>} : memref<8192xf32, #tpu.memory_space<vmem>>, vector<16xf32>,
        %mul3A_400 = arith.constant 2 : i32
        %mul3A_401 = arith.muli %scan3A_179, %mul3A_400 : i32
        %add3A_402 = arith.constant 0 : i32
        %add3A_403 = arith.addi %mul3A_401, %add3A_402 : i32
        %mul3A_404 = arith.constant 64 : i32
        %mul3A_405 = arith.muli %add3A_403, %mul3A_404 : i32
        %add3A_406 = arith.constant 48 : i32
        %add3A_407 = arith.addi %mul3A_405, %add3A_406 : i32
        %swap3A_408 = arith.index_cast %add3A_407 : i32 to index
        %swap3A_409 = tpu.vector_load %arg12[%swap3A_408] {strides = array<i32>} : memref<8192xf32, #tpu.memory_space<vmem>>, vector<16xf32>,
        tpu.vector_store %arg12[%swap3A_408], %add3A_370 {strides = array<i32>} : memref<8192xf32, #tpu.memory_space<vmem>>, vector<16xf32>,
        %slice3A_410 = vector.extract_strided_slice %get3A_184 {offsets = [8], sizes = [1], strides = [1]} : vector<16xi32> to vector<1xi32>
        %squeeze3A_411 = vector.extract %slice3A_410[0] : i32 from vector<1xi32>
        %mul3A_412 = arith.constant 64 : i32
        %mul3A_413 = arith.muli %squeeze3A_411, %mul3A_412 : i32
        %add3A_414 = arith.constant 0 : i32
        %add3A_415 = arith.addi %mul3A_413, %add3A_414 : i32
        %get3A_416 = arith.index_cast %add3A_415 : i32 to index
        %get3A_417 = tpu.vector_load %arg6[%get3A_416] {strides = array<i32>} : memref<65536xf32, #tpu.memory_space<vmem>>, vector<16xf32>,
        %add3A_418 = arith.constant 16 : i32
        %add3A_419 = arith.addi %mul3A_413, %add3A_418 : i32
        %get3A_420 = arith.index_cast %add3A_419 : i32 to index
        %get3A_421 = tpu.vector_load %arg6[%get3A_420] {strides = array<i32>} : memref<65536xf32, #tpu.memory_space<vmem>>, vector<16xf32>,
        %add3A_422 = arith.constant 32 : i32
        %add3A_423 = arith.addi %mul3A_413, %add3A_422 : i32
        %get3A_424 = arith.index_cast %add3A_423 : i32 to index
        %get3A_425 = tpu.vector_load %arg6[%get3A_424] {strides = array<i32>} : memref<65536xf32, #tpu.memory_space<vmem>>, vector<16xf32>,
        %add3A_426 = arith.constant 48 : i32
        %add3A_427 = arith.addi %mul3A_413, %add3A_426 : i32
        %get3A_428 = arith.index_cast %add3A_427 : i32 to index
        %get3A_429 = tpu.vector_load %arg6[%get3A_428] {strides = array<i32>} : memref<65536xf32, #tpu.memory_space<vmem>>, vector<16xf32>,
        %slice3A_430 = vector.extract_strided_slice %get3A_184 {offsets = [9], sizes = [1], strides = [1]} : vector<16xi32> to vector<1xi32>
        %squeeze3A_431 = vector.extract %slice3A_430[0] : i32 from vector<1xi32>
        %mul3A_432 = arith.constant 64 : i32
        %mul3A_433 = arith.muli %squeeze3A_431, %mul3A_432 : i32
        %add3A_434 = arith.constant 0 : i32
        %add3A_435 = arith.addi %mul3A_433, %add3A_434 : i32
        %get3A_436 = arith.index_cast %add3A_435 : i32 to index
        %get3A_437 = tpu.vector_load %arg6[%get3A_436] {strides = array<i32>} : memref<65536xf32, #tpu.memory_space<vmem>>, vector<16xf32>,
        %add3A_438 = arith.addf %get3A_417, %get3A_437 : vector<16xf32>
        %add3A_439 = arith.constant 16 : i32
        %add3A_440 = arith.addi %mul3A_433, %add3A_439 : i32
        %get3A_441 = arith.index_cast %add3A_440 : i32 to index
        %get3A_442 = tpu.vector_load %arg6[%get3A_441] {strides = array<i32>} : memref<65536xf32, #tpu.memory_space<vmem>>, vector<16xf32>,
        %add3A_443 = arith.addf %get3A_421, %get3A_442 : vector<16xf32>
        %add3A_444 = arith.constant 32 : i32
        %add3A_445 = arith.addi %mul3A_433, %add3A_444 : i32
        %get3A_446 = arith.index_cast %add3A_445 : i32 to index
        %get3A_447 = tpu.vector_load %arg6[%get3A_446] {strides = array<i32>} : memref<65536xf32, #tpu.memory_space<vmem>>, vector<16xf32>,
        %add3A_448 = arith.addf %get3A_425, %get3A_447 : vector<16xf32>
        %add3A_449 = arith.constant 48 : i32
        %add3A_450 = arith.addi %mul3A_433, %add3A_449 : i32
        %get3A_451 = arith.index_cast %add3A_450 : i32 to index
        %get3A_452 = tpu.vector_load %arg6[%get3A_451] {strides = array<i32>} : memref<65536xf32, #tpu.memory_space<vmem>>, vector<16xf32>,
        %add3A_453 = arith.addf %get3A_429, %get3A_452 : vector<16xf32>
        %slice3A_454 = vector.extract_strided_slice %get3A_184 {offsets = [10], sizes = [1], strides = [1]} : vector<16xi32> to vector<1xi32>
        %squeeze3A_455 = vector.extract %slice3A_454[0] : i32 from vector<1xi32>
        %mul3A_456 = arith.constant 64 : i32
        %mul3A_457 = arith.muli %squeeze3A_455, %mul3A_456 : i32
        %add3A_458 = arith.constant 0 : i32
        %add3A_459 = arith.addi %mul3A_457, %add3A_458 : i32
        %get3A_460 = arith.index_cast %add3A_459 : i32 to index
        %get3A_461 = tpu.vector_load %arg6[%get3A_460] {strides = array<i32>} : memref<65536xf32, #tpu.memory_space<vmem>>, vector<16xf32>,
        %add3A_462 = arith.addf %add3A_438, %get3A_461 : vector<16xf32>
        %add3A_463 = arith.constant 16 : i32
        %add3A_464 = arith.addi %mul3A_457, %add3A_463 : i32
        %get3A_465 = arith.index_cast %add3A_464 : i32 to index
        %get3A_466 = tpu.vector_load %arg6[%get3A_465] {strides = array<i32>} : memref<65536xf32, #tpu.memory_space<vmem>>, vector<16xf32>,
        %add3A_467 = arith.addf %add3A_443, %get3A_466 : vector<16xf32>
        %add3A_468 = arith.constant 32 : i32
        %add3A_469 = arith.addi %mul3A_457, %add3A_468 : i32
        %get3A_470 = arith.index_cast %add3A_469 : i32 to index
        %get3A_471 = tpu.vector_load %arg6[%get3A_470] {strides = array<i32>} : memref<65536xf32, #tpu.memory_space<vmem>>, vector<16xf32>,
        %add3A_472 = arith.addf %add3A_448, %get3A_471 : vector<16xf32>
        %add3A_473 = arith.constant 48 : i32
        %add3A_474 = arith.addi %mul3A_457, %add3A_473 : i32
        %get3A_475 = arith.index_cast %add3A_474 : i32 to index
        %get3A_476 = tpu.vector_load %arg6[%get3A_475] {strides = array<i32>} : memref<65536xf32, #tpu.memory_space<vmem>>, vector<16xf32>,
        %add3A_477 = arith.addf %add3A_453, %get3A_476 : vector<16xf32>
        %slice3A_478 = vector.extract_strided_slice %get3A_184 {offsets = [11], sizes = [1], strides = [1]} : vector<16xi32> to vector<1xi32>
        %squeeze3A_479 = vector.extract %slice3A_478[0] : i32 from vector<1xi32>
        %mul3A_480 = arith.constant 64 : i32
        %mul3A_481 = arith.muli %squeeze3A_479, %mul3A_480 : i32
        %add3A_482 = arith.constant 0 : i32
        %add3A_483 = arith.addi %mul3A_481, %add3A_482 : i32
        %get3A_484 = arith.index_cast %add3A_483 : i32 to index
        %get3A_485 = tpu.vector_load %arg6[%get3A_484] {strides = array<i32>} : memref<65536xf32, #tpu.memory_space<vmem>>, vector<16xf32>,
        %add3A_486 = arith.addf %add3A_462, %get3A_485 : vector<16xf32>
        %add3A_487 = arith.constant 16 : i32
        %add3A_488 = arith.addi %mul3A_481, %add3A_487 : i32
        %get3A_489 = arith.index_cast %add3A_488 : i32 to index
        %get3A_490 = tpu.vector_load %arg6[%get3A_489] {strides = array<i32>} : memref<65536xf32, #tpu.memory_space<vmem>>, vector<16xf32>,
        %add3A_491 = arith.addf %add3A_467, %get3A_490 : vector<16xf32>
        %add3A_492 = arith.constant 32 : i32
        %add3A_493 = arith.addi %mul3A_481, %add3A_492 : i32
        %get3A_494 = arith.index_cast %add3A_493 : i32 to index
        %get3A_495 = tpu.vector_load %arg6[%get3A_494] {strides = array<i32>} : memref<65536xf32, #tpu.memory_space<vmem>>, vector<16xf32>,
        %add3A_496 = arith.addf %add3A_472, %get3A_495 : vector<16xf32>
        %add3A_497 = arith.constant 48 : i32
        %add3A_498 = arith.addi %mul3A_481, %add3A_497 : i32
        %get3A_499 = arith.index_cast %add3A_498 : i32 to index
        %get3A_500 = tpu.vector_load %arg6[%get3A_499] {strides = array<i32>} : memref<65536xf32, #tpu.memory_space<vmem>>, vector<16xf32>,
        %add3A_501 = arith.addf %add3A_477, %get3A_500 : vector<16xf32>
        %slice3A_502 = vector.extract_strided_slice %get3A_184 {offsets = [12], sizes = [1], strides = [1]} : vector<16xi32> to vector<1xi32>
        %squeeze3A_503 = vector.extract %slice3A_502[0] : i32 from vector<1xi32>
        %mul3A_504 = arith.constant 64 : i32
        %mul3A_505 = arith.muli %squeeze3A_503, %mul3A_504 : i32
        %add3A_506 = arith.constant 0 : i32
        %add3A_507 = arith.addi %mul3A_505, %add3A_506 : i32
        %get3A_508 = arith.index_cast %add3A_507 : i32 to index
        %get3A_509 = tpu.vector_load %arg6[%get3A_508] {strides = array<i32>} : memref<65536xf32, #tpu.memory_space<vmem>>, vector<16xf32>,
        %add3A_510 = arith.addf %add3A_486, %get3A_509 : vector<16xf32>
        %add3A_511 = arith.constant 16 : i32
        %add3A_512 = arith.addi %mul3A_505, %add3A_511 : i32
        %get3A_513 = arith.index_cast %add3A_512 : i32 to index
        %get3A_514 = tpu.vector_load %arg6[%get3A_513] {strides = array<i32>} : memref<65536xf32, #tpu.memory_space<vmem>>, vector<16xf32>,
        %add3A_515 = arith.addf %add3A_491, %get3A_514 : vector<16xf32>
        %add3A_516 = arith.constant 32 : i32
        %add3A_517 = arith.addi %mul3A_505, %add3A_516 : i32
        %get3A_518 = arith.index_cast %add3A_517 : i32 to index
        %get3A_519 = tpu.vector_load %arg6[%get3A_518] {strides = array<i32>} : memref<65536xf32, #tpu.memory_space<vmem>>, vector<16xf32>,
        %add3A_520 = arith.addf %add3A_496, %get3A_519 : vector<16xf32>
        %add3A_521 = arith.constant 48 : i32
        %add3A_522 = arith.addi %mul3A_505, %add3A_521 : i32
        %get3A_523 = arith.index_cast %add3A_522 : i32 to index
        %get3A_524 = tpu.vector_load %arg6[%get3A_523] {strides = array<i32>} : memref<65536xf32, #tpu.memory_space<vmem>>, vector<16xf32>,
        %add3A_525 = arith.addf %add3A_501, %get3A_524 : vector<16xf32>
        %slice3A_526 = vector.extract_strided_slice %get3A_184 {offsets = [13], sizes = [1], strides = [1]} : vector<16xi32> to vector<1xi32>
        %squeeze3A_527 = vector.extract %slice3A_526[0] : i32 from vector<1xi32>
        %mul3A_528 = arith.constant 64 : i32
        %mul3A_529 = arith.muli %squeeze3A_527, %mul3A_528 : i32
        %add3A_530 = arith.constant 0 : i32
        %add3A_531 = arith.addi %mul3A_529, %add3A_530 : i32
        %get3A_532 = arith.index_cast %add3A_531 : i32 to index
        %get3A_533 = tpu.vector_load %arg6[%get3A_532] {strides = array<i32>} : memref<65536xf32, #tpu.memory_space<vmem>>, vector<16xf32>,
        %add3A_534 = arith.addf %add3A_510, %get3A_533 : vector<16xf32>
        %add3A_535 = arith.constant 16 : i32
        %add3A_536 = arith.addi %mul3A_529, %add3A_535 : i32
        %get3A_537 = arith.index_cast %add3A_536 : i32 to index
        %get3A_538 = tpu.vector_load %arg6[%get3A_537] {strides = array<i32>} : memref<65536xf32, #tpu.memory_space<vmem>>, vector<16xf32>,
        %add3A_539 = arith.addf %add3A_515, %get3A_538 : vector<16xf32>
        %add3A_540 = arith.constant 32 : i32
        %add3A_541 = arith.addi %mul3A_529, %add3A_540 : i32
        %get3A_542 = arith.index_cast %add3A_541 : i32 to index
        %get3A_543 = tpu.vector_load %arg6[%get3A_542] {strides = array<i32>} : memref<65536xf32, #tpu.memory_space<vmem>>, vector<16xf32>,
        %add3A_544 = arith.addf %add3A_520, %get3A_543 : vector<16xf32>
        %add3A_545 = arith.constant 48 : i32
        %add3A_546 = arith.addi %mul3A_529, %add3A_545 : i32
        %get3A_547 = arith.index_cast %add3A_546 : i32 to index
        %get3A_548 = tpu.vector_load %arg6[%get3A_547] {strides = array<i32>} : memref<65536xf32, #tpu.memory_space<vmem>>, vector<16xf32>,
        %add3A_549 = arith.addf %add3A_525, %get3A_548 : vector<16xf32>
        %slice3A_550 = vector.extract_strided_slice %get3A_184 {offsets = [14], sizes = [1], strides = [1]} : vector<16xi32> to vector<1xi32>
        %squeeze3A_551 = vector.extract %slice3A_550[0] : i32 from vector<1xi32>
        %mul3A_552 = arith.constant 64 : i32
        %mul3A_553 = arith.muli %squeeze3A_551, %mul3A_552 : i32
        %add3A_554 = arith.constant 0 : i32
        %add3A_555 = arith.addi %mul3A_553, %add3A_554 : i32
        %get3A_556 = arith.index_cast %add3A_555 : i32 to index
        %get3A_557 = tpu.vector_load %arg6[%get3A_556] {strides = array<i32>} : memref<65536xf32, #tpu.memory_space<vmem>>, vector<16xf32>,
        %add3A_558 = arith.addf %add3A_534, %get3A_557 : vector<16xf32>
        %add3A_559 = arith.constant 16 : i32
        %add3A_560 = arith.addi %mul3A_553, %add3A_559 : i32
        %get3A_561 = arith.index_cast %add3A_560 : i32 to index
        %get3A_562 = tpu.vector_load %arg6[%get3A_561] {strides = array<i32>} : memref<65536xf32, #tpu.memory_space<vmem>>, vector<16xf32>,
        %add3A_563 = arith.addf %add3A_539, %get3A_562 : vector<16xf32>
        %add3A_564 = arith.constant 32 : i32
        %add3A_565 = arith.addi %mul3A_553, %add3A_564 : i32
        %get3A_566 = arith.index_cast %add3A_565 : i32 to index
        %get3A_567 = tpu.vector_load %arg6[%get3A_566] {strides = array<i32>} : memref<65536xf32, #tpu.memory_space<vmem>>, vector<16xf32>,
        %add3A_568 = arith.addf %add3A_544, %get3A_567 : vector<16xf32>
        %add3A_569 = arith.constant 48 : i32
        %add3A_570 = arith.addi %mul3A_553, %add3A_569 : i32
        %get3A_571 = arith.index_cast %add3A_570 : i32 to index
        %get3A_572 = tpu.vector_load %arg6[%get3A_571] {strides = array<i32>} : memref<65536xf32, #tpu.memory_space<vmem>>, vector<16xf32>,
        %add3A_573 = arith.addf %add3A_549, %get3A_572 : vector<16xf32>
        %slice3A_574 = vector.extract_strided_slice %get3A_184 {offsets = [15], sizes = [1], strides = [1]} : vector<16xi32> to vector<1xi32>
        %squeeze3A_575 = vector.extract %slice3A_574[0] : i32 from vector<1xi32>
        %mul3A_576 = arith.constant 64 : i32
        %mul3A_577 = arith.muli %squeeze3A_575, %mul3A_576 : i32
        %add3A_578 = arith.constant 0 : i32
        %add3A_579 = arith.addi %mul3A_577, %add3A_578 : i32
        %get3A_580 = arith.index_cast %add3A_579 : i32 to index
        %get3A_581 = tpu.vector_load %arg6[%get3A_580] {strides = array<i32>} : memref<65536xf32, #tpu.memory_space<vmem>>, vector<16xf32>,
        %add3A_582 = arith.addf %add3A_558, %get3A_581 : vector<16xf32>
        %add3A_583 = arith.constant 16 : i32
        %add3A_584 = arith.addi %mul3A_577, %add3A_583 : i32
        %get3A_585 = arith.index_cast %add3A_584 : i32 to index
        %get3A_586 = tpu.vector_load %arg6[%get3A_585] {strides = array<i32>} : memref<65536xf32, #tpu.memory_space<vmem>>, vector<16xf32>,
        %add3A_587 = arith.addf %add3A_563, %get3A_586 : vector<16xf32>
        %add3A_588 = arith.constant 32 : i32
        %add3A_589 = arith.addi %mul3A_577, %add3A_588 : i32
        %get3A_590 = arith.index_cast %add3A_589 : i32 to index
        %get3A_591 = tpu.vector_load %arg6[%get3A_590] {strides = array<i32>} : memref<65536xf32, #tpu.memory_space<vmem>>, vector<16xf32>,
        %add3A_592 = arith.addf %add3A_568, %get3A_591 : vector<16xf32>
        %add3A_593 = arith.constant 48 : i32
        %add3A_594 = arith.addi %mul3A_577, %add3A_593 : i32
        %get3A_595 = arith.index_cast %add3A_594 : i32 to index
        %get3A_596 = tpu.vector_load %arg6[%get3A_595] {strides = array<i32>} : memref<65536xf32, #tpu.memory_space<vmem>>, vector<16xf32>,
        %add3A_597 = arith.addf %add3A_573, %get3A_596 : vector<16xf32>
        %mul3A_598 = arith.constant 2 : i32
        %mul3A_599 = arith.muli %scan3A_179, %mul3A_598 : i32
        %add3A_600 = arith.constant 1 : i32
        %add3A_601 = arith.addi %mul3A_599, %add3A_600 : i32
        %mul3A_602 = arith.constant 64 : i32
        %mul3A_603 = arith.muli %add3A_601, %mul3A_602 : i32
        %add3A_604 = arith.constant 0 : i32
        %add3A_605 = arith.addi %mul3A_603, %add3A_604 : i32
        %swap3A_606 = arith.index_cast %add3A_605 : i32 to index
        %swap3A_607 = tpu.vector_load %arg12[%swap3A_606] {strides = array<i32>} : memref<8192xf32, #tpu.memory_space<vmem>>, vector<16xf32>,
        tpu.vector_store %arg12[%swap3A_606], %add3A_582 {strides = array<i32>} : memref<8192xf32, #tpu.memory_space<vmem>>, vector<16xf32>,
        %mul3A_608 = arith.constant 2 : i32
        %mul3A_609 = arith.muli %scan3A_179, %mul3A_608 : i32
        %add3A_610 = arith.constant 1 : i32
        %add3A_611 = arith.addi %mul3A_609, %add3A_610 : i32
        %mul3A_612 = arith.constant 64 : i32
        %mul3A_613 = arith.muli %add3A_611, %mul3A_612 : i32
        %add3A_614 = arith.constant 16 : i32
        %add3A_615 = arith.addi %mul3A_613, %add3A_614 : i32
        %swap3A_616 = arith.index_cast %add3A_615 : i32 to index
        %swap3A_617 = tpu.vector_load %arg12[%swap3A_616] {strides = array<i32>} : memref<8192xf32, #tpu.memory_space<vmem>>, vector<16xf32>,
        tpu.vector_store %arg12[%swap3A_616], %add3A_587 {strides = array<i32>} : memref<8192xf32, #tpu.memory_space<vmem>>, vector<16xf32>,
        %mul3A_618 = arith.constant 2 : i32
        %mul3A_619 = arith.muli %scan3A_179, %mul3A_618 : i32
        %add3A_620 = arith.constant 1 : i32
        %add3A_621 = arith.addi %mul3A_619, %add3A_620 : i32
        %mul3A_622 = arith.constant 64 : i32
        %mul3A_623 = arith.muli %add3A_621, %mul3A_622 : i32
        %add3A_624 = arith.constant 32 : i32
        %add3A_625 = arith.addi %mul3A_623, %add3A_624 : i32
        %swap3A_626 = arith.index_cast %add3A_625 : i32 to index
        %swap3A_627 = tpu.vector_load %arg12[%swap3A_626] {strides = array<i32>} : memref<8192xf32, #tpu.memory_space<vmem>>, vector<16xf32>,
        tpu.vector_store %arg12[%swap3A_626], %add3A_592 {strides = array<i32>} : memref<8192xf32, #tpu.memory_space<vmem>>, vector<16xf32>,
        %mul3A_628 = arith.constant 2 : i32
        %mul3A_629 = arith.muli %scan3A_179, %mul3A_628 : i32
        %add3A_630 = arith.constant 1 : i32
        %add3A_631 = arith.addi %mul3A_629, %add3A_630 : i32
        %mul3A_632 = arith.constant 64 : i32
        %mul3A_633 = arith.muli %add3A_631, %mul3A_632 : i32
        %add3A_634 = arith.constant 48 : i32
        %add3A_635 = arith.addi %mul3A_633, %add3A_634 : i32
        %swap3A_636 = arith.index_cast %add3A_635 : i32 to index
        %swap3A_637 = tpu.vector_load %arg12[%swap3A_636] {strides = array<i32>} : memref<8192xf32, #tpu.memory_space<vmem>>, vector<16xf32>,
        tpu.vector_store %arg12[%swap3A_636], %add3A_597 {strides = array<i32>} : memref<8192xf32, #tpu.memory_space<vmem>>, vector<16xf32>,
        %scan3A_638 = arith.constant 1 : i32
        %scan3A_639 = arith.addi %scan3A_179, %scan3A_638 : i32
        %mul3A_640 = arith.constant 2 : i32
        %mul3A_641 = arith.muli %scan3A_639, %mul3A_640 : i32
        %mul3A_642 = arith.constant 8 : i32
        %mul3A_643 = arith.muli %mul3A_641, %mul3A_642 : i32
        %get3A_644 = arith.index_cast %mul3A_643 : i32 to index
        %get3A_645 = tpu.vector_load %arg10[%get3A_644] {strides = array<i32>} : memref<1024xi32, #tpu.memory_space<vmem>>, vector<16xi32>,
        %slice3A_646 = vector.extract_strided_slice %get3A_645 {offsets = [0], sizes = [1], strides = [1]} : vector<16xi32> to vector<1xi32>
        %squeeze3A_647 = vector.extract %slice3A_646[0] : i32 from vector<1xi32>
        %mul3A_648 = arith.constant 64 : i32
        %mul3A_649 = arith.muli %squeeze3A_647, %mul3A_648 : i32
        %add3A_650 = arith.constant 0 : i32
        %add3A_651 = arith.addi %mul3A_649, %add3A_650 : i32
        %get3A_652 = arith.index_cast %add3A_651 : i32 to index
        %get3A_653 = tpu.vector_load %arg6[%get3A_652] {strides = array<i32>} : memref<65536xf32, #tpu.memory_space<vmem>>, vector<16xf32>,
        %add3A_654 = arith.constant 16 : i32
        %add3A_655 = arith.addi %mul3A_649, %add3A_654 : i32
        %get3A_656 = arith.index_cast %add3A_655 : i32 to index
        %get3A_657 = tpu.vector_load %arg6[%get3A_656] {strides = array<i32>} : memref<65536xf32, #tpu.memory_space<vmem>>, vector<16xf32>,
        %add3A_658 = arith.constant 32 : i32
        %add3A_659 = arith.addi %mul3A_649, %add3A_658 : i32
        %get3A_660 = arith.index_cast %add3A_659 : i32 to index
        %get3A_661 = tpu.vector_load %arg6[%get3A_660] {strides = array<i32>} : memref<65536xf32, #tpu.memory_space<vmem>>, vector<16xf32>,
        %add3A_662 = arith.constant 48 : i32
        %add3A_663 = arith.addi %mul3A_649, %add3A_662 : i32
        %get3A_664 = arith.index_cast %add3A_663 : i32 to index
        %get3A_665 = tpu.vector_load %arg6[%get3A_664] {strides = array<i32>} : memref<65536xf32, #tpu.memory_space<vmem>>, vector<16xf32>,
        %slice3A_666 = vector.extract_strided_slice %get3A_645 {offsets = [1], sizes = [1], strides = [1]} : vector<16xi32> to vector<1xi32>
        %squeeze3A_667 = vector.extract %slice3A_666[0] : i32 from vector<1xi32>
        %mul3A_668 = arith.constant 64 : i32
        %mul3A_669 = arith.muli %squeeze3A_667, %mul3A_668 : i32
        %add3A_670 = arith.constant 0 : i32
        %add3A_671 = arith.addi %mul3A_669, %add3A_670 : i32
        %get3A_672 = arith.index_cast %add3A_671 : i32 to index
        %get3A_673 = tpu.vector_load %arg6[%get3A_672] {strides = array<i32>} : memref<65536xf32, #tpu.memory_space<vmem>>, vector<16xf32>,
        %add3A_674 = arith.addf %get3A_653, %get3A_673 : vector<16xf32>
        %add3A_675 = arith.constant 16 : i32
        %add3A_676 = arith.addi %mul3A_669, %add3A_675 : i32
        %get3A_677 = arith.index_cast %add3A_676 : i32 to index
        %get3A_678 = tpu.vector_load %arg6[%get3A_677] {strides = array<i32>} : memref<65536xf32, #tpu.memory_space<vmem>>, vector<16xf32>,
        %add3A_679 = arith.addf %get3A_657, %get3A_678 : vector<16xf32>
        %add3A_680 = arith.constant 32 : i32
        %add3A_681 = arith.addi %mul3A_669, %add3A_680 : i32
        %get3A_682 = arith.index_cast %add3A_681 : i32 to index
        %get3A_683 = tpu.vector_load %arg6[%get3A_682] {strides = array<i32>} : memref<65536xf32, #tpu.memory_space<vmem>>, vector<16xf32>,
        %add3A_684 = arith.addf %get3A_661, %get3A_683 : vector<16xf32>
        %add3A_685 = arith.constant 48 : i32
        %add3A_686 = arith.addi %mul3A_669, %add3A_685 : i32
        %get3A_687 = arith.index_cast %add3A_686 : i32 to index
        %get3A_688 = tpu.vector_load %arg6[%get3A_687] {strides = array<i32>} : memref<65536xf32, #tpu.memory_space<vmem>>, vector<16xf32>,
        %add3A_689 = arith.addf %get3A_665, %get3A_688 : vector<16xf32>
        %slice3A_690 = vector.extract_strided_slice %get3A_645 {offsets = [2], sizes = [1], strides = [1]} : vector<16xi32> to vector<1xi32>
        %squeeze3A_691 = vector.extract %slice3A_690[0] : i32 from vector<1xi32>
        %mul3A_692 = arith.constant 64 : i32
        %mul3A_693 = arith.muli %squeeze3A_691, %mul3A_692 : i32
        %add3A_694 = arith.constant 0 : i32
        %add3A_695 = arith.addi %mul3A_693, %add3A_694 : i32
        %get3A_696 = arith.index_cast %add3A_695 : i32 to index
        %get3A_697 = tpu.vector_load %arg6[%get3A_696] {strides = array<i32>} : memref<65536xf32, #tpu.memory_space<vmem>>, vector<16xf32>,
        %add3A_698 = arith.addf %add3A_674, %get3A_697 : vector<16xf32>
        %add3A_699 = arith.constant 16 : i32
        %add3A_700 = arith.addi %mul3A_693, %add3A_699 : i32
        %get3A_701 = arith.index_cast %add3A_700 : i32 to index
        %get3A_702 = tpu.vector_load %arg6[%get3A_701] {strides = array<i32>} : memref<65536xf32, #tpu.memory_space<vmem>>, vector<16xf32>,
        %add3A_703 = arith.addf %add3A_679, %get3A_702 : vector<16xf32>
        %add3A_704 = arith.constant 32 : i32
        %add3A_705 = arith.addi %mul3A_693, %add3A_704 : i32
        %get3A_706 = arith.index_cast %add3A_705 : i32 to index
        %get3A_707 = tpu.vector_load %arg6[%get3A_706] {strides = array<i32>} : memref<65536xf32, #tpu.memory_space<vmem>>, vector<16xf32>,
        %add3A_708 = arith.addf %add3A_684, %get3A_707 : vector<16xf32>
        %add3A_709 = arith.constant 48 : i32
        %add3A_710 = arith.addi %mul3A_693, %add3A_709 : i32
        %get3A_711 = arith.index_cast %add3A_710 : i32 to index
        %get3A_712 = tpu.vector_load %arg6[%get3A_711] {strides = array<i32>} : memref<65536xf32, #tpu.memory_space<vmem>>, vector<16xf32>,
        %add3A_713 = arith.addf %add3A_689, %get3A_712 : vector<16xf32>
        %slice3A_714 = vector.extract_strided_slice %get3A_645 {offsets = [3], sizes = [1], strides = [1]} : vector<16xi32> to vector<1xi32>
        %squeeze3A_715 = vector.extract %slice3A_714[0] : i32 from vector<1xi32>
        %mul3A_716 = arith.constant 64 : i32
        %mul3A_717 = arith.muli %squeeze3A_715, %mul3A_716 : i32
        %add3A_718 = arith.constant 0 : i32
        %add3A_719 = arith.addi %mul3A_717, %add3A_718 : i32
        %get3A_720 = arith.index_cast %add3A_719 : i32 to index
        %get3A_721 = tpu.vector_load %arg6[%get3A_720] {strides = array<i32>} : memref<65536xf32, #tpu.memory_space<vmem>>, vector<16xf32>,
        %add3A_722 = arith.addf %add3A_698, %get3A_721 : vector<16xf32>
        %add3A_723 = arith.constant 16 : i32
        %add3A_724 = arith.addi %mul3A_717, %add3A_723 : i32
        %get3A_725 = arith.index_cast %add3A_724 : i32 to index
        %get3A_726 = tpu.vector_load %arg6[%get3A_725] {strides = array<i32>} : memref<65536xf32, #tpu.memory_space<vmem>>, vector<16xf32>,
        %add3A_727 = arith.addf %add3A_703, %get3A_726 : vector<16xf32>
        %add3A_728 = arith.constant 32 : i32
        %add3A_729 = arith.addi %mul3A_717, %add3A_728 : i32
        %get3A_730 = arith.index_cast %add3A_729 : i32 to index
        %get3A_731 = tpu.vector_load %arg6[%get3A_730] {strides = array<i32>} : memref<65536xf32, #tpu.memory_space<vmem>>, vector<16xf32>,
        %add3A_732 = arith.addf %add3A_708, %get3A_731 : vector<16xf32>
        %add3A_733 = arith.constant 48 : i32
        %add3A_734 = arith.addi %mul3A_717, %add3A_733 : i32
        %get3A_735 = arith.index_cast %add3A_734 : i32 to index
        %get3A_736 = tpu.vector_load %arg6[%get3A_735] {strides = array<i32>} : memref<65536xf32, #tpu.memory_space<vmem>>, vector<16xf32>,
        %add3A_737 = arith.addf %add3A_713, %get3A_736 : vector<16xf32>
        %slice3A_738 = vector.extract_strided_slice %get3A_645 {offsets = [4], sizes = [1], strides = [1]} : vector<16xi32> to vector<1xi32>
        %squeeze3A_739 = vector.extract %slice3A_738[0] : i32 from vector<1xi32>
        %mul3A_740 = arith.constant 64 : i32
        %mul3A_741 = arith.muli %squeeze3A_739, %mul3A_740 : i32
        %add3A_742 = arith.constant 0 : i32
        %add3A_743 = arith.addi %mul3A_741, %add3A_742 : i32
        %get3A_744 = arith.index_cast %add3A_743 : i32 to index
        %get3A_745 = tpu.vector_load %arg6[%get3A_744] {strides = array<i32>} : memref<65536xf32, #tpu.memory_space<vmem>>, vector<16xf32>,
        %add3A_746 = arith.addf %add3A_722, %get3A_745 : vector<16xf32>
        %add3A_747 = arith.constant 16 : i32
        %add3A_748 = arith.addi %mul3A_741, %add3A_747 : i32
        %get3A_749 = arith.index_cast %add3A_748 : i32 to index
        %get3A_750 = tpu.vector_load %arg6[%get3A_749] {strides = array<i32>} : memref<65536xf32, #tpu.memory_space<vmem>>, vector<16xf32>,
        %add3A_751 = arith.addf %add3A_727, %get3A_750 : vector<16xf32>
        %add3A_752 = arith.constant 32 : i32
        %add3A_753 = arith.addi %mul3A_741, %add3A_752 : i32
        %get3A_754 = arith.index_cast %add3A_753 : i32 to index
        %get3A_755 = tpu.vector_load %arg6[%get3A_754] {strides = array<i32>} : memref<65536xf32, #tpu.memory_space<vmem>>, vector<16xf32>,
        %add3A_756 = arith.addf %add3A_732, %get3A_755 : vector<16xf32>
        %add3A_757 = arith.constant 48 : i32
        %add3A_758 = arith.addi %mul3A_741, %add3A_757 : i32
        %get3A_759 = arith.index_cast %add3A_758 : i32 to index
        %get3A_760 = tpu.vector_load %arg6[%get3A_759] {strides = array<i32>} : memref<65536xf32, #tpu.memory_space<vmem>>, vector<16xf32>,
        %add3A_761 = arith.addf %add3A_737, %get3A_760 : vector<16xf32>
        %slice3A_762 = vector.extract_strided_slice %get3A_645 {offsets = [5], sizes = [1], strides = [1]} : vector<16xi32> to vector<1xi32>
        %squeeze3A_763 = vector.extract %slice3A_762[0] : i32 from vector<1xi32>
        %mul3A_764 = arith.constant 64 : i32
        %mul3A_765 = arith.muli %squeeze3A_763, %mul3A_764 : i32
        %add3A_766 = arith.constant 0 : i32
        %add3A_767 = arith.addi %mul3A_765, %add3A_766 : i32
        %get3A_768 = arith.index_cast %add3A_767 : i32 to index
        %get3A_769 = tpu.vector_load %arg6[%get3A_768] {strides = array<i32>} : memref<65536xf32, #tpu.memory_space<vmem>>, vector<16xf32>,
        %add3A_770 = arith.addf %add3A_746, %get3A_769 : vector<16xf32>
        %add3A_771 = arith.constant 16 : i32
        %add3A_772 = arith.addi %mul3A_765, %add3A_771 : i32
        %get3A_773 = arith.index_cast %add3A_772 : i32 to index
        %get3A_774 = tpu.vector_load %arg6[%get3A_773] {strides = array<i32>} : memref<65536xf32, #tpu.memory_space<vmem>>, vector<16xf32>,
        %add3A_775 = arith.addf %add3A_751, %get3A_774 : vector<16xf32>
        %add3A_776 = arith.constant 32 : i32
        %add3A_777 = arith.addi %mul3A_765, %add3A_776 : i32
        %get3A_778 = arith.index_cast %add3A_777 : i32 to index
        %get3A_779 = tpu.vector_load %arg6[%get3A_778] {strides = array<i32>} : memref<65536xf32, #tpu.memory_space<vmem>>, vector<16xf32>,
        %add3A_780 = arith.addf %add3A_756, %get3A_779 : vector<16xf32>
        %add3A_781 = arith.constant 48 : i32
        %add3A_782 = arith.addi %mul3A_765, %add3A_781 : i32
        %get3A_783 = arith.index_cast %add3A_782 : i32 to index
        %get3A_784 = tpu.vector_load %arg6[%get3A_783] {strides = array<i32>} : memref<65536xf32, #tpu.memory_space<vmem>>, vector<16xf32>,
        %add3A_785 = arith.addf %add3A_761, %get3A_784 : vector<16xf32>
        %slice3A_786 = vector.extract_strided_slice %get3A_645 {offsets = [6], sizes = [1], strides = [1]} : vector<16xi32> to vector<1xi32>
        %squeeze3A_787 = vector.extract %slice3A_786[0] : i32 from vector<1xi32>
        %mul3A_788 = arith.constant 64 : i32
        %mul3A_789 = arith.muli %squeeze3A_787, %mul3A_788 : i32
        %add3A_790 = arith.constant 0 : i32
        %add3A_791 = arith.addi %mul3A_789, %add3A_790 : i32
        %get3A_792 = arith.index_cast %add3A_791 : i32 to index
        %get3A_793 = tpu.vector_load %arg6[%get3A_792] {strides = array<i32>} : memref<65536xf32, #tpu.memory_space<vmem>>, vector<16xf32>,
        %add3A_794 = arith.addf %add3A_770, %get3A_793 : vector<16xf32>
        %add3A_795 = arith.constant 16 : i32
        %add3A_796 = arith.addi %mul3A_789, %add3A_795 : i32
        %get3A_797 = arith.index_cast %add3A_796 : i32 to index
        %get3A_798 = tpu.vector_load %arg6[%get3A_797] {strides = array<i32>} : memref<65536xf32, #tpu.memory_space<vmem>>, vector<16xf32>,
        %add3A_799 = arith.addf %add3A_775, %get3A_798 : vector<16xf32>
        %add3A_800 = arith.constant 32 : i32
        %add3A_801 = arith.addi %mul3A_789, %add3A_800 : i32
        %get3A_802 = arith.index_cast %add3A_801 : i32 to index
        %get3A_803 = tpu.vector_load %arg6[%get3A_802] {strides = array<i32>} : memref<65536xf32, #tpu.memory_space<vmem>>, vector<16xf32>,
        %add3A_804 = arith.addf %add3A_780, %get3A_803 : vector<16xf32>
        %add3A_805 = arith.constant 48 : i32
        %add3A_806 = arith.addi %mul3A_789, %add3A_805 : i32
        %get3A_807 = arith.index_cast %add3A_806 : i32 to index
        %get3A_808 = tpu.vector_load %arg6[%get3A_807] {strides = array<i32>} : memref<65536xf32, #tpu.memory_space<vmem>>, vector<16xf32>,
        %add3A_809 = arith.addf %add3A_785, %get3A_808 : vector<16xf32>
        %slice3A_810 = vector.extract_strided_slice %get3A_645 {offsets = [7], sizes = [1], strides = [1]} : vector<16xi32> to vector<1xi32>
        %squeeze3A_811 = vector.extract %slice3A_810[0] : i32 from vector<1xi32>
        %mul3A_812 = arith.constant 64 : i32
        %mul3A_813 = arith.muli %squeeze3A_811, %mul3A_812 : i32
        %add3A_814 = arith.constant 0 : i32
        %add3A_815 = arith.addi %mul3A_813, %add3A_814 : i32
        %get3A_816 = arith.index_cast %add3A_815 : i32 to index
        %get3A_817 = tpu.vector_load %arg6[%get3A_816] {strides = array<i32>} : memref<65536xf32, #tpu.memory_space<vmem>>, vector<16xf32>,
        %add3A_818 = arith.addf %add3A_794, %get3A_817 : vector<16xf32>
        %add3A_819 = arith.constant 16 : i32
        %add3A_820 = arith.addi %mul3A_813, %add3A_819 : i32
        %get3A_821 = arith.index_cast %add3A_820 : i32 to index
        %get3A_822 = tpu.vector_load %arg6[%get3A_821] {strides = array<i32>} : memref<65536xf32, #tpu.memory_space<vmem>>, vector<16xf32>,
        %add3A_823 = arith.addf %add3A_799, %get3A_822 : vector<16xf32>
        %add3A_824 = arith.constant 32 : i32
        %add3A_825 = arith.addi %mul3A_813, %add3A_824 : i32
        %get3A_826 = arith.index_cast %add3A_825 : i32 to index
        %get3A_827 = tpu.vector_load %arg6[%get3A_826] {strides = array<i32>} : memref<65536xf32, #tpu.memory_space<vmem>>, vector<16xf32>,
        %add3A_828 = arith.addf %add3A_804, %get3A_827 : vector<16xf32>
        %add3A_829 = arith.constant 48 : i32
        %add3A_830 = arith.addi %mul3A_813, %add3A_829 : i32
        %get3A_831 = arith.index_cast %add3A_830 : i32 to index
        %get3A_832 = tpu.vector_load %arg6[%get3A_831] {strides = array<i32>} : memref<65536xf32, #tpu.memory_space<vmem>>, vector<16xf32>,
        %add3A_833 = arith.addf %add3A_809, %get3A_832 : vector<16xf32>
        %mul3A_834 = arith.constant 2 : i32
        %mul3A_835 = arith.muli %scan3A_639, %mul3A_834 : i32
        %add3A_836 = arith.constant 0 : i32
        %add3A_837 = arith.addi %mul3A_835, %add3A_836 : i32
        %mul3A_838 = arith.constant 64 : i32
        %mul3A_839 = arith.muli %add3A_837, %mul3A_838 : i32
        %add3A_840 = arith.constant 0 : i32
        %add3A_841 = arith.addi %mul3A_839, %add3A_840 : i32
        %swap3A_842 = arith.index_cast %add3A_841 : i32 to index
        %swap3A_843 = tpu.vector_load %arg12[%swap3A_842] {strides = array<i32>} : memref<8192xf32, #tpu.memory_space<vmem>>, vector<16xf32>,
        tpu.vector_store %arg12[%swap3A_842], %add3A_818 {strides = array<i32>} : memref<8192xf32, #tpu.memory_space<vmem>>, vector<16xf32>,
        %mul3A_844 = arith.constant 2 : i32
        %mul3A_845 = arith.muli %scan3A_639, %mul3A_844 : i32
        %add3A_846 = arith.constant 0 : i32
        %add3A_847 = arith.addi %mul3A_845, %add3A_846 : i32
        %mul3A_848 = arith.constant 64 : i32
        %mul3A_849 = arith.muli %add3A_847, %mul3A_848 : i32
        %add3A_850 = arith.constant 16 : i32
        %add3A_851 = arith.addi %mul3A_849, %add3A_850 : i32
        %swap3A_852 = arith.index_cast %add3A_851 : i32 to index
        %swap3A_853 = tpu.vector_load %arg12[%swap3A_852] {strides = array<i32>} : memref<8192xf32, #tpu.memory_space<vmem>>, vector<16xf32>,
        tpu.vector_store %arg12[%swap3A_852], %add3A_823 {strides = array<i32>} : memref<8192xf32, #tpu.memory_space<vmem>>, vector<16xf32>,
        %mul3A_854 = arith.constant 2 : i32
        %mul3A_855 = arith.muli %scan3A_639, %mul3A_854 : i32
        %add3A_856 = arith.constant 0 : i32
        %add3A_857 = arith.addi %mul3A_855, %add3A_856 : i32
        %mul3A_858 = arith.constant 64 : i32
        %mul3A_859 = arith.muli %add3A_857, %mul3A_858 : i32
        %add3A_860 = arith.constant 32 : i32
        %add3A_861 = arith.addi %mul3A_859, %add3A_860 : i32
        %swap3A_862 = arith.index_cast %add3A_861 : i32 to index
        %swap3A_863 = tpu.vector_load %arg12[%swap3A_862] {strides = array<i32>} : memref<8192xf32, #tpu.memory_space<vmem>>, vector<16xf32>,
        tpu.vector_store %arg12[%swap3A_862], %add3A_828 {strides = array<i32>} : memref<8192xf32, #tpu.memory_space<vmem>>, vector<16xf32>,
        %mul3A_864 = arith.constant 2 : i32
        %mul3A_865 = arith.muli %scan3A_639, %mul3A_864 : i32
        %add3A_866 = arith.constant 0 : i32
        %add3A_867 = arith.addi %mul3A_865, %add3A_866 : i32
        %mul3A_868 = arith.constant 64 : i32
        %mul3A_869 = arith.muli %add3A_867, %mul3A_868 : i32
        %add3A_870 = arith.constant 48 : i32
        %add3A_871 = arith.addi %mul3A_869, %add3A_870 : i32
        %swap3A_872 = arith.index_cast %add3A_871 : i32 to index
        %swap3A_873 = tpu.vector_load %arg12[%swap3A_872] {strides = array<i32>} : memref<8192xf32, #tpu.memory_space<vmem>>, vector<16xf32>,
        tpu.vector_store %arg12[%swap3A_872], %add3A_833 {strides = array<i32>} : memref<8192xf32, #tpu.memory_space<vmem>>, vector<16xf32>,
        %slice3A_874 = vector.extract_strided_slice %get3A_645 {offsets = [8], sizes = [1], strides = [1]} : vector<16xi32> to vector<1xi32>
        %squeeze3A_875 = vector.extract %slice3A_874[0] : i32 from vector<1xi32>
        %mul3A_876 = arith.constant 64 : i32
        %mul3A_877 = arith.muli %squeeze3A_875, %mul3A_876 : i32
        %add3A_878 = arith.constant 0 : i32
        %add3A_879 = arith.addi %mul3A_877, %add3A_878 : i32
        %get3A_880 = arith.index_cast %add3A_879 : i32 to index
        %get3A_881 = tpu.vector_load %arg6[%get3A_880] {strides = array<i32>} : memref<65536xf32, #tpu.memory_space<vmem>>, vector<16xf32>,
        %add3A_882 = arith.constant 16 : i32
        %add3A_883 = arith.addi %mul3A_877, %add3A_882 : i32
        %get3A_884 = arith.index_cast %add3A_883 : i32 to index
        %get3A_885 = tpu.vector_load %arg6[%get3A_884] {strides = array<i32>} : memref<65536xf32, #tpu.memory_space<vmem>>, vector<16xf32>,
        %add3A_886 = arith.constant 32 : i32
        %add3A_887 = arith.addi %mul3A_877, %add3A_886 : i32
        %get3A_888 = arith.index_cast %add3A_887 : i32 to index
        %get3A_889 = tpu.vector_load %arg6[%get3A_888] {strides = array<i32>} : memref<65536xf32, #tpu.memory_space<vmem>>, vector<16xf32>,
        %add3A_890 = arith.constant 48 : i32
        %add3A_891 = arith.addi %mul3A_877, %add3A_890 : i32
        %get3A_892 = arith.index_cast %add3A_891 : i32 to index
        %get3A_893 = tpu.vector_load %arg6[%get3A_892] {strides = array<i32>} : memref<65536xf32, #tpu.memory_space<vmem>>, vector<16xf32>,
        %slice3A_894 = vector.extract_strided_slice %get3A_645 {offsets = [9], sizes = [1], strides = [1]} : vector<16xi32> to vector<1xi32>
        %squeeze3A_895 = vector.extract %slice3A_894[0] : i32 from vector<1xi32>
        %mul3A_896 = arith.constant 64 : i32
        %mul3A_897 = arith.muli %squeeze3A_895, %mul3A_896 : i32
        %add3A_898 = arith.constant 0 : i32
        %add3A_899 = arith.addi %mul3A_897, %add3A_898 : i32
        %get3A_900 = arith.index_cast %add3A_899 : i32 to index
        %get3A_901 = tpu.vector_load %arg6[%get3A_900] {strides = array<i32>} : memref<65536xf32, #tpu.memory_space<vmem>>, vector<16xf32>,
        %add3A_902 = arith.addf %get3A_881, %get3A_901 : vector<16xf32>
        %add3A_903 = arith.constant 16 : i32
        %add3A_904 = arith.addi %mul3A_897, %add3A_903 : i32
        %get3A_905 = arith.index_cast %add3A_904 : i32 to index
        %get3A_906 = tpu.vector_load %arg6[%get3A_905] {strides = array<i32>} : memref<65536xf32, #tpu.memory_space<vmem>>, vector<16xf32>,
        %add3A_907 = arith.addf %get3A_885, %get3A_906 : vector<16xf32>
        %add3A_908 = arith.constant 32 : i32
        %add3A_909 = arith.addi %mul3A_897, %add3A_908 : i32
        %get3A_910 = arith.index_cast %add3A_909 : i32 to index
        %get3A_911 = tpu.vector_load %arg6[%get3A_910] {strides = array<i32>} : memref<65536xf32, #tpu.memory_space<vmem>>, vector<16xf32>,
        %add3A_912 = arith.addf %get3A_889, %get3A_911 : vector<16xf32>
        %add3A_913 = arith.constant 48 : i32
        %add3A_914 = arith.addi %mul3A_897, %add3A_913 : i32
        %get3A_915 = arith.index_cast %add3A_914 : i32 to index
        %get3A_916 = tpu.vector_load %arg6[%get3A_915] {strides = array<i32>} : memref<65536xf32, #tpu.memory_space<vmem>>, vector<16xf32>,
        %add3A_917 = arith.addf %get3A_893, %get3A_916 : vector<16xf32>
        %slice3A_918 = vector.extract_strided_slice %get3A_645 {offsets = [10], sizes = [1], strides = [1]} : vector<16xi32> to vector<1xi32>
        %squeeze3A_919 = vector.extract %slice3A_918[0] : i32 from vector<1xi32>
        %mul3A_920 = arith.constant 64 : i32
        %mul3A_921 = arith.muli %squeeze3A_919, %mul3A_920 : i32
        %add3A_922 = arith.constant 0 : i32
        %add3A_923 = arith.addi %mul3A_921, %add3A_922 : i32
        %get3A_924 = arith.index_cast %add3A_923 : i32 to index
        %get3A_925 = tpu.vector_load %arg6[%get3A_924] {strides = array<i32>} : memref<65536xf32, #tpu.memory_space<vmem>>, vector<16xf32>,
        %add3A_926 = arith.addf %add3A_902, %get3A_925 : vector<16xf32>
        %add3A_927 = arith.constant 16 : i32
        %add3A_928 = arith.addi %mul3A_921, %add3A_927 : i32
        %get3A_929 = arith.index_cast %add3A_928 : i32 to index
        %get3A_930 = tpu.vector_load %arg6[%get3A_929] {strides = array<i32>} : memref<65536xf32, #tpu.memory_space<vmem>>, vector<16xf32>,
        %add3A_931 = arith.addf %add3A_907, %get3A_930 : vector<16xf32>
        %add3A_932 = arith.constant 32 : i32
        %add3A_933 = arith.addi %mul3A_921, %add3A_932 : i32
        %get3A_934 = arith.index_cast %add3A_933 : i32 to index
        %get3A_935 = tpu.vector_load %arg6[%get3A_934] {strides = array<i32>} : memref<65536xf32, #tpu.memory_space<vmem>>, vector<16xf32>,
        %add3A_936 = arith.addf %add3A_912, %get3A_935 : vector<16xf32>
        %add3A_937 = arith.constant 48 : i32
        %add3A_938 = arith.addi %mul3A_921, %add3A_937 : i32
        %get3A_939 = arith.index_cast %add3A_938 : i32 to index
        %get3A_940 = tpu.vector_load %arg6[%get3A_939] {strides = array<i32>} : memref<65536xf32, #tpu.memory_space<vmem>>, vector<16xf32>,
        %add3A_941 = arith.addf %add3A_917, %get3A_940 : vector<16xf32>
        %slice3A_942 = vector.extract_strided_slice %get3A_645 {offsets = [11], sizes = [1], strides = [1]} : vector<16xi32> to vector<1xi32>
        %squeeze3A_943 = vector.extract %slice3A_942[0] : i32 from vector<1xi32>
        %mul3A_944 = arith.constant 64 : i32
        %mul3A_945 = arith.muli %squeeze3A_943, %mul3A_944 : i32
        %add3A_946 = arith.constant 0 : i32
        %add3A_947 = arith.addi %mul3A_945, %add3A_946 : i32
        %get3A_948 = arith.index_cast %add3A_947 : i32 to index
        %get3A_949 = tpu.vector_load %arg6[%get3A_948] {strides = array<i32>} : memref<65536xf32, #tpu.memory_space<vmem>>, vector<16xf32>,
        %add3A_950 = arith.addf %add3A_926, %get3A_949 : vector<16xf32>
        %add3A_951 = arith.constant 16 : i32
        %add3A_952 = arith.addi %mul3A_945, %add3A_951 : i32
        %get3A_953 = arith.index_cast %add3A_952 : i32 to index
        %get3A_954 = tpu.vector_load %arg6[%get3A_953] {strides = array<i32>} : memref<65536xf32, #tpu.memory_space<vmem>>, vector<16xf32>,
        %add3A_955 = arith.addf %add3A_931, %get3A_954 : vector<16xf32>
        %add3A_956 = arith.constant 32 : i32
        %add3A_957 = arith.addi %mul3A_945, %add3A_956 : i32
        %get3A_958 = arith.index_cast %add3A_957 : i32 to index
        %get3A_959 = tpu.vector_load %arg6[%get3A_958] {strides = array<i32>} : memref<65536xf32, #tpu.memory_space<vmem>>, vector<16xf32>,
        %add3A_960 = arith.addf %add3A_936, %get3A_959 : vector<16xf32>
        %add3A_961 = arith.constant 48 : i32
        %add3A_962 = arith.addi %mul3A_945, %add3A_961 : i32
        %get3A_963 = arith.index_cast %add3A_962 : i32 to index
        %get3A_964 = tpu.vector_load %arg6[%get3A_963] {strides = array<i32>} : memref<65536xf32, #tpu.memory_space<vmem>>, vector<16xf32>,
        %add3A_965 = arith.addf %add3A_941, %get3A_964 : vector<16xf32>
        %slice3A_966 = vector.extract_strided_slice %get3A_645 {offsets = [12], sizes = [1], strides = [1]} : vector<16xi32> to vector<1xi32>
        %squeeze3A_967 = vector.extract %slice3A_966[0] : i32 from vector<1xi32>
        %mul3A_968 = arith.constant 64 : i32
        %mul3A_969 = arith.muli %squeeze3A_967, %mul3A_968 : i32
        %add3A_970 = arith.constant 0 : i32
        %add3A_971 = arith.addi %mul3A_969, %add3A_970 : i32
        %get3A_972 = arith.index_cast %add3A_971 : i32 to index
        %get3A_973 = tpu.vector_load %arg6[%get3A_972] {strides = array<i32>} : memref<65536xf32, #tpu.memory_space<vmem>>, vector<16xf32>,
        %add3A_974 = arith.addf %add3A_950, %get3A_973 : vector<16xf32>
        %add3A_975 = arith.constant 16 : i32
        %add3A_976 = arith.addi %mul3A_969, %add3A_975 : i32
        %get3A_977 = arith.index_cast %add3A_976 : i32 to index
        %get3A_978 = tpu.vector_load %arg6[%get3A_977] {strides = array<i32>} : memref<65536xf32, #tpu.memory_space<vmem>>, vector<16xf32>,
        %add3A_979 = arith.addf %add3A_955, %get3A_978 : vector<16xf32>
        %add3A_980 = arith.constant 32 : i32
        %add3A_981 = arith.addi %mul3A_969, %add3A_980 : i32
        %get3A_982 = arith.index_cast %add3A_981 : i32 to index
        %get3A_983 = tpu.vector_load %arg6[%get3A_982] {strides = array<i32>} : memref<65536xf32, #tpu.memory_space<vmem>>, vector<16xf32>,
        %add3A_984 = arith.addf %add3A_960, %get3A_983 : vector<16xf32>
        %add3A_985 = arith.constant 48 : i32
        %add3A_986 = arith.addi %mul3A_969, %add3A_985 : i32
        %get3A_987 = arith.index_cast %add3A_986 : i32 to index
        %get3A_988 = tpu.vector_load %arg6[%get3A_987] {strides = array<i32>} : memref<65536xf32, #tpu.memory_space<vmem>>, vector<16xf32>,
        %add3A_989 = arith.addf %add3A_965, %get3A_988 : vector<16xf32>
        %slice3A_990 = vector.extract_strided_slice %get3A_645 {offsets = [13], sizes = [1], strides = [1]} : vector<16xi32> to vector<1xi32>
        %squeeze3A_991 = vector.extract %slice3A_990[0] : i32 from vector<1xi32>
        %mul3A_992 = arith.constant 64 : i32
        %mul3A_993 = arith.muli %squeeze3A_991, %mul3A_992 : i32
        %add3A_994 = arith.constant 0 : i32
        %add3A_995 = arith.addi %mul3A_993, %add3A_994 : i32
        %get3A_996 = arith.index_cast %add3A_995 : i32 to index
        %get3A_997 = tpu.vector_load %arg6[%get3A_996] {strides = array<i32>} : memref<65536xf32, #tpu.memory_space<vmem>>, vector<16xf32>,
        %add3A_998 = arith.addf %add3A_974, %get3A_997 : vector<16xf32>
        %add3A_999 = arith.constant 16 : i32
        %add3A_1000 = arith.addi %mul3A_993, %add3A_999 : i32
        %get3A_1001 = arith.index_cast %add3A_1000 : i32 to index
        %get3A_1002 = tpu.vector_load %arg6[%get3A_1001] {strides = array<i32>} : memref<65536xf32, #tpu.memory_space<vmem>>, vector<16xf32>,
        %add3A_1003 = arith.addf %add3A_979, %get3A_1002 : vector<16xf32>
        %add3A_1004 = arith.constant 32 : i32
        %add3A_1005 = arith.addi %mul3A_993, %add3A_1004 : i32
        %get3A_1006 = arith.index_cast %add3A_1005 : i32 to index
        %get3A_1007 = tpu.vector_load %arg6[%get3A_1006] {strides = array<i32>} : memref<65536xf32, #tpu.memory_space<vmem>>, vector<16xf32>,
        %add3A_1008 = arith.addf %add3A_984, %get3A_1007 : vector<16xf32>
        %add3A_1009 = arith.constant 48 : i32
        %add3A_1010 = arith.addi %mul3A_993, %add3A_1009 : i32
        %get3A_1011 = arith.index_cast %add3A_1010 : i32 to index
        %get3A_1012 = tpu.vector_load %arg6[%get3A_1011] {strides = array<i32>} : memref<65536xf32, #tpu.memory_space<vmem>>, vector<16xf32>,
        %add3A_1013 = arith.addf %add3A_989, %get3A_1012 : vector<16xf32>
        %slice3A_1014 = vector.extract_strided_slice %get3A_645 {offsets = [14], sizes = [1], strides = [1]} : vector<16xi32> to vector<1xi32>
        %squeeze3A_1015 = vector.extract %slice3A_1014[0] : i32 from vector<1xi32>
        %mul3A_1016 = arith.constant 64 : i32
        %mul3A_1017 = arith.muli %squeeze3A_1015, %mul3A_1016 : i32
        %add3A_1018 = arith.constant 0 : i32
        %add3A_1019 = arith.addi %mul3A_1017, %add3A_1018 : i32
        %get3A_1020 = arith.index_cast %add3A_1019 : i32 to index
        %get3A_1021 = tpu.vector_load %arg6[%get3A_1020] {strides = array<i32>} : memref<65536xf32, #tpu.memory_space<vmem>>, vector<16xf32>,
        %add3A_1022 = arith.addf %add3A_998, %get3A_1021 : vector<16xf32>
        %add3A_1023 = arith.constant 16 : i32
        %add3A_1024 = arith.addi %mul3A_1017, %add3A_1023 : i32
        %get3A_1025 = arith.index_cast %add3A_1024 : i32 to index
        %get3A_1026 = tpu.vector_load %arg6[%get3A_1025] {strides = array<i32>} : memref<65536xf32, #tpu.memory_space<vmem>>, vector<16xf32>,
        %add3A_1027 = arith.addf %add3A_1003, %get3A_1026 : vector<16xf32>
        %add3A_1028 = arith.constant 32 : i32
        %add3A_1029 = arith.addi %mul3A_1017, %add3A_1028 : i32
        %get3A_1030 = arith.index_cast %add3A_1029 : i32 to index
        %get3A_1031 = tpu.vector_load %arg6[%get3A_1030] {strides = array<i32>} : memref<65536xf32, #tpu.memory_space<vmem>>, vector<16xf32>,
        %add3A_1032 = arith.addf %add3A_1008, %get3A_1031 : vector<16xf32>
        %add3A_1033 = arith.constant 48 : i32
        %add3A_1034 = arith.addi %mul3A_1017, %add3A_1033 : i32
        %get3A_1035 = arith.index_cast %add3A_1034 : i32 to index
        %get3A_1036 = tpu.vector_load %arg6[%get3A_1035] {strides = array<i32>} : memref<65536xf32, #tpu.memory_space<vmem>>, vector<16xf32>,
        %add3A_1037 = arith.addf %add3A_1013, %get3A_1036 : vector<16xf32>
        %slice3A_1038 = vector.extract_strided_slice %get3A_645 {offsets = [15], sizes = [1], strides = [1]} : vector<16xi32> to vector<1xi32>
        %squeeze3A_1039 = vector.extract %slice3A_1038[0] : i32 from vector<1xi32>
        %mul3A_1040 = arith.constant 64 : i32
        %mul3A_1041 = arith.muli %squeeze3A_1039, %mul3A_1040 : i32
        %add3A_1042 = arith.constant 0 : i32
        %add3A_1043 = arith.addi %mul3A_1041, %add3A_1042 : i32
        %get3A_1044 = arith.index_cast %add3A_1043 : i32 to index
        %get3A_1045 = tpu.vector_load %arg6[%get3A_1044] {strides = array<i32>} : memref<65536xf32, #tpu.memory_space<vmem>>, vector<16xf32>,
        %add3A_1046 = arith.addf %add3A_1022, %get3A_1045 : vector<16xf32>
        %add3A_1047 = arith.constant 16 : i32
        %add3A_1048 = arith.addi %mul3A_1041, %add3A_1047 : i32
        %get3A_1049 = arith.index_cast %add3A_1048 : i32 to index
        %get3A_1050 = tpu.vector_load %arg6[%get3A_1049] {strides = array<i32>} : memref<65536xf32, #tpu.memory_space<vmem>>, vector<16xf32>,
        %add3A_1051 = arith.addf %add3A_1027, %get3A_1050 : vector<16xf32>
        %add3A_1052 = arith.constant 32 : i32
        %add3A_1053 = arith.addi %mul3A_1041, %add3A_1052 : i32
        %get3A_1054 = arith.index_cast %add3A_1053 : i32 to index
        %get3A_1055 = tpu.vector_load %arg6[%get3A_1054] {strides = array<i32>} : memref<65536xf32, #tpu.memory_space<vmem>>, vector<16xf32>,
        %add3A_1056 = arith.addf %add3A_1032, %get3A_1055 : vector<16xf32>
        %add3A_1057 = arith.constant 48 : i32
        %add3A_1058 = arith.addi %mul3A_1041, %add3A_1057 : i32
        %get3A_1059 = arith.index_cast %add3A_1058 : i32 to index
        %get3A_1060 = tpu.vector_load %arg6[%get3A_1059] {strides = array<i32>} : memref<65536xf32, #tpu.memory_space<vmem>>, vector<16xf32>,
        %add3A_1061 = arith.addf %add3A_1037, %get3A_1060 : vector<16xf32>
        %mul3A_1062 = arith.constant 2 : i32
        %mul3A_1063 = arith.muli %scan3A_639, %mul3A_1062 : i32
        %add3A_1064 = arith.constant 1 : i32
        %add3A_1065 = arith.addi %mul3A_1063, %add3A_1064 : i32
        %mul3A_1066 = arith.constant 64 : i32
        %mul3A_1067 = arith.muli %add3A_1065, %mul3A_1066 : i32
        %add3A_1068 = arith.constant 0 : i32
        %add3A_1069 = arith.addi %mul3A_1067, %add3A_1068 : i32
        %swap3A_1070 = arith.index_cast %add3A_1069 : i32 to index
        %swap3A_1071 = tpu.vector_load %arg12[%swap3A_1070] {strides = array<i32>} : memref<8192xf32, #tpu.memory_space<vmem>>, vector<16xf32>,
        tpu.vector_store %arg12[%swap3A_1070], %add3A_1046 {strides = array<i32>} : memref<8192xf32, #tpu.memory_space<vmem>>, vector<16xf32>,
        %mul3A_1072 = arith.constant 2 : i32
        %mul3A_1073 = arith.muli %scan3A_639, %mul3A_1072 : i32
        %add3A_1074 = arith.constant 1 : i32
        %add3A_1075 = arith.addi %mul3A_1073, %add3A_1074 : i32
        %mul3A_1076 = arith.constant 64 : i32
        %mul3A_1077 = arith.muli %add3A_1075, %mul3A_1076 : i32
        %add3A_1078 = arith.constant 16 : i32
        %add3A_1079 = arith.addi %mul3A_1077, %add3A_1078 : i32
        %swap3A_1080 = arith.index_cast %add3A_1079 : i32 to index
        %swap3A_1081 = tpu.vector_load %arg12[%swap3A_1080] {strides = array<i32>} : memref<8192xf32, #tpu.memory_space<vmem>>, vector<16xf32>,
        tpu.vector_store %arg12[%swap3A_1080], %add3A_1051 {strides = array<i32>} : memref<8192xf32, #tpu.memory_space<vmem>>, vector<16xf32>,
        %mul3A_1082 = arith.constant 2 : i32
        %mul3A_1083 = arith.muli %scan3A_639, %mul3A_1082 : i32
        %add3A_1084 = arith.constant 1 : i32
        %add3A_1085 = arith.addi %mul3A_1083, %add3A_1084 : i32
        %mul3A_1086 = arith.constant 64 : i32
        %mul3A_1087 = arith.muli %add3A_1085, %mul3A_1086 : i32
        %add3A_1088 = arith.constant 32 : i32
        %add3A_1089 = arith.addi %mul3A_1087, %add3A_1088 : i32
        %swap3A_1090 = arith.index_cast %add3A_1089 : i32 to index
        %swap3A_1091 = tpu.vector_load %arg12[%swap3A_1090] {strides = array<i32>} : memref<8192xf32, #tpu.memory_space<vmem>>, vector<16xf32>,
        tpu.vector_store %arg12[%swap3A_1090], %add3A_1056 {strides = array<i32>} : memref<8192xf32, #tpu.memory_space<vmem>>, vector<16xf32>,
        %mul3A_1092 = arith.constant 2 : i32
        %mul3A_1093 = arith.muli %scan3A_639, %mul3A_1092 : i32
        %add3A_1094 = arith.constant 1 : i32
        %add3A_1095 = arith.addi %mul3A_1093, %add3A_1094 : i32
        %mul3A_1096 = arith.constant 64 : i32
        %mul3A_1097 = arith.muli %add3A_1095, %mul3A_1096 : i32
        %add3A_1098 = arith.constant 48 : i32
        %add3A_1099 = arith.addi %mul3A_1097, %add3A_1098 : i32
        %swap3A_1100 = arith.index_cast %add3A_1099 : i32 to index
        %swap3A_1101 = tpu.vector_load %arg12[%swap3A_1100] {strides = array<i32>} : memref<8192xf32, #tpu.memory_space<vmem>>, vector<16xf32>,
        tpu.vector_store %arg12[%swap3A_1100], %add3A_1061 {strides = array<i32>} : memref<8192xf32, #tpu.memory_space<vmem>>, vector<16xf32>,
      }
      %scan3A_122 = arith.constant 64 : i32
      %mul3A_123 = arith.constant 1048576 : i32
      %mul3A_124 = arith.muli %select_n3A_11, %mul3A_123 : i32
      %mul3A_125 = arith.constant 128 : i32
      %mul3A_126 = arith.muli %add3A_107, %mul3A_125 : i32
      %add3A_127 = arith.addi %add3A_37, %mul3A_126 : i32
      %mul3A_128 = arith.constant 64 : i32
      %mul3A_129 = arith.muli %add3A_127, %mul3A_128 : i32
      %add3A_130 = arith.addi %mul3A_124, %mul3A_129 : i32
      %dma_start3A_131 = tpu.memref_slice %arg4[%add3A_130] : memref<4194304xf32, #tpu.memory_space<hbm>> -> memref<8192xf32, #tpu.memory_space<hbm>>
      %dma_start3A_132 = tpu.memref_slice %arg4[%add3A_130] : memref<4194304xf32, #tpu.memory_space<hbm>> -> memref<8192xf32, #tpu.memory_space<hbm>>
      tpu.enqueue_dma source(%arg12 : memref<8192xf32, #tpu.memory_space<vmem>>) target(%dma_start3A_132 : memref<8192xf32, #tpu.memory_space<hbm>>) target_semaphore(%arg19 : memref<!tpu.dma_semaphore, #tpu.memory_space<semaphore_mem>>)
      %add3A_133 = arith.constant 2 : i32
      %add3A_134 = arith.addi %add3A_107, %add3A_133 : i32
      %lt3A_135 = arith.constant 16 : i32
      %lt3A_136 = arith.cmpi slt, %add3A_134, %lt3A_135 : i32
      %convert_element_type3A_137 = arith.extui %lt3A_136 : i1 to i32
      %cond3A_138 = arith.constant 0 : i32
      %cond3A_139 = arith.cmpi ne, %convert_element_type3A_137, %cond3A_138 : i32
      scf.if %cond3A_139 {
        %add3A_179 = arith.constant 2 : i32
        %add3A_180 = arith.addi %add3A_107, %add3A_179 : i32
        %mul3A_181 = arith.constant 128 : i32
        %mul3A_182 = arith.muli %add3A_180, %mul3A_181 : i32
        %add3A_183 = arith.addi %add3A_37, %mul3A_182 : i32
        %mul3A_184 = arith.constant 8 : i32
        %mul3A_185 = arith.muli %add3A_183, %mul3A_184 : i32
        %dma_start3A_186 = tpu.memref_slice %arg5[%mul3A_185] : memref<131072xi32, #tpu.memory_space<hbm>> -> memref<1024xi32, #tpu.memory_space<hbm>>
        %dma_start3A_187 = tpu.memref_slice %arg5[%mul3A_185] : memref<131072xi32, #tpu.memory_space<hbm>> -> memref<1024xi32, #tpu.memory_space<hbm>>
        tpu.enqueue_dma source(%dma_start3A_187 : memref<1024xi32, #tpu.memory_space<hbm>>) target(%arg10 : memref<1024xi32, #tpu.memory_space<vmem>>) target_semaphore(%arg17 : memref<!tpu.dma_semaphore, #tpu.memory_space<semaphore_mem>>)
      } else {
      }
      %mul3A_140 = arith.constant 2 : i32
      %mul3A_141 = arith.muli %mul3A_140, %scan3A_103 : i32
      %add3A_142 = arith.constant 1 : i32
      %add3A_143 = arith.addi %mul3A_141, %add3A_142 : i32
      %mul3A_144 = arith.constant 128 : i32
      %mul3A_145 = arith.muli %add3A_143, %mul3A_144 : i32
      %add3A_146 = arith.addi %add3A_37, %mul3A_145 : i32
      %mul3A_147 = arith.constant 8 : i32
      %mul3A_148 = arith.muli %add3A_146, %mul3A_147 : i32
      %dma_wait3A_149 = tpu.memref_slice %arg5[%mul3A_148] : memref<131072xi32, #tpu.memory_space<hbm>> -> memref<1024xi32, #tpu.memory_space<hbm>>
      %dma_wait3A_150 = tpu.memref_slice %arg5[%mul3A_148] : memref<131072xi32, #tpu.memory_space<hbm>> -> memref<1024xi32, #tpu.memory_space<hbm>>
      tpu.wait_dma2 semaphore(%arg18 : memref<!tpu.dma_semaphore, #tpu.memory_space<semaphore_mem>>) src(%dma_wait3A_150 : memref<1024xi32, #tpu.memory_space<hbm>>) dst(%arg11 : memref<1024xi32, #tpu.memory_space<vmem>>)
      %ge3A_151 = arith.constant 2 : i32
      %ge3A_152 = arith.cmpi sge, %add3A_143, %ge3A_151 : i32
      %convert_element_type3A_153 = arith.extui %ge3A_152 : i1 to i32
      %cond3A_154 = arith.constant 0 : i32
      %cond3A_155 = arith.cmpi ne, %convert_element_type3A_153, %cond3A_154 : i32
      scf.if %cond3A_155 {
        %sub3A_179 = arith.constant 2 : i32
        %sub3A_180 = arith.subi %add3A_143, %sub3A_179 : i32
        %mul3A_181 = arith.constant 1048576 : i32
        %mul3A_182 = arith.muli %select_n3A_11, %mul3A_181 : i32
        %mul3A_183 = arith.constant 128 : i32
        %mul3A_184 = arith.muli %sub3A_180, %mul3A_183 : i32
        %add3A_185 = arith.addi %add3A_37, %mul3A_184 : i32
        %mul3A_186 = arith.constant 64 : i32
        %mul3A_187 = arith.muli %add3A_185, %mul3A_186 : i32
        %add3A_188 = arith.addi %mul3A_182, %mul3A_187 : i32
        %dma_wait3A_189 = tpu.memref_slice %arg4[%add3A_188] : memref<4194304xf32, #tpu.memory_space<hbm>> -> memref<8192xf32, #tpu.memory_space<hbm>>
        %dma_wait3A_190 = tpu.memref_slice %arg4[%add3A_188] : memref<4194304xf32, #tpu.memory_space<hbm>> -> memref<8192xf32, #tpu.memory_space<hbm>>
        tpu.wait_dma2 semaphore(%arg20 : memref<!tpu.dma_semaphore, #tpu.memory_space<semaphore_mem>>) src(%arg13 : memref<8192xf32, #tpu.memory_space<vmem>>) dst(%dma_wait3A_190 : memref<8192xf32, #tpu.memory_space<hbm>>)
      } else {
      }
      %scan3A_156 = arith.constant 0 : i32
      %scan3A_157 = arith.constant 0 : i32
      %scan3A_158 = arith.constant 64 : i32
      %scan3A_159 = arith.addi %scan3A_157, %scan3A_158 : i32
      %scan3A_160 = arith.constant 2 : i32
      scf.for %scan3A_179 = %scan3A_157 to %scan3A_159 step %scan3A_160  : i32 {
        %mul3A_180 = arith.constant 2 : i32
        %mul3A_181 = arith.muli %scan3A_179, %mul3A_180 : i32
        %mul3A_182 = arith.constant 8 : i32
        %mul3A_183 = arith.muli %mul3A_181, %mul3A_182 : i32
        %get3A = arith.index_cast %mul3A_183 : i32 to index
        %get3A_184 = tpu.vector_load %arg11[%get3A] {strides = array<i32>} : memref<1024xi32, #tpu.memory_space<vmem>>, vector<16xi32>,
        %slice3A = vector.extract_strided_slice %get3A_184 {offsets = [0], sizes = [1], strides = [1]} : vector<16xi32> to vector<1xi32>
        %squeeze3A = vector.extract %slice3A[0] : i32 from vector<1xi32>
        %mul3A_185 = arith.constant 64 : i32
        %mul3A_186 = arith.muli %squeeze3A, %mul3A_185 : i32
        %add3A_187 = arith.constant 0 : i32
        %add3A_188 = arith.addi %mul3A_186, %add3A_187 : i32
        %get3A_189 = arith.index_cast %add3A_188 : i32 to index
        %get3A_190 = tpu.vector_load %arg6[%get3A_189] {strides = array<i32>} : memref<65536xf32, #tpu.memory_space<vmem>>, vector<16xf32>,
        %add3A_191 = arith.constant 16 : i32
        %add3A_192 = arith.addi %mul3A_186, %add3A_191 : i32
        %get3A_193 = arith.index_cast %add3A_192 : i32 to index
        %get3A_194 = tpu.vector_load %arg6[%get3A_193] {strides = array<i32>} : memref<65536xf32, #tpu.memory_space<vmem>>, vector<16xf32>,
        %add3A_195 = arith.constant 32 : i32
        %add3A_196 = arith.addi %mul3A_186, %add3A_195 : i32
        %get3A_197 = arith.index_cast %add3A_196 : i32 to index
        %get3A_198 = tpu.vector_load %arg6[%get3A_197] {strides = array<i32>} : memref<65536xf32, #tpu.memory_space<vmem>>, vector<16xf32>,
        %add3A_199 = arith.constant 48 : i32
        %add3A_200 = arith.addi %mul3A_186, %add3A_199 : i32
        %get3A_201 = arith.index_cast %add3A_200 : i32 to index
        %get3A_202 = tpu.vector_load %arg6[%get3A_201] {strides = array<i32>} : memref<65536xf32, #tpu.memory_space<vmem>>, vector<16xf32>,
        %slice3A_203 = vector.extract_strided_slice %get3A_184 {offsets = [1], sizes = [1], strides = [1]} : vector<16xi32> to vector<1xi32>
        %squeeze3A_204 = vector.extract %slice3A_203[0] : i32 from vector<1xi32>
        %mul3A_205 = arith.constant 64 : i32
        %mul3A_206 = arith.muli %squeeze3A_204, %mul3A_205 : i32
        %add3A_207 = arith.constant 0 : i32
        %add3A_208 = arith.addi %mul3A_206, %add3A_207 : i32
        %get3A_209 = arith.index_cast %add3A_208 : i32 to index
        %get3A_210 = tpu.vector_load %arg6[%get3A_209] {strides = array<i32>} : memref<65536xf32, #tpu.memory_space<vmem>>, vector<16xf32>,
        %add3A_211 = arith.addf %get3A_190, %get3A_210 : vector<16xf32>
        %add3A_212 = arith.constant 16 : i32
        %add3A_213 = arith.addi %mul3A_206, %add3A_212 : i32
        %get3A_214 = arith.index_cast %add3A_213 : i32 to index
        %get3A_215 = tpu.vector_load %arg6[%get3A_214] {strides = array<i32>} : memref<65536xf32, #tpu.memory_space<vmem>>, vector<16xf32>,
        %add3A_216 = arith.addf %get3A_194, %get3A_215 : vector<16xf32>
        %add3A_217 = arith.constant 32 : i32
        %add3A_218 = arith.addi %mul3A_206, %add3A_217 : i32
        %get3A_219 = arith.index_cast %add3A_218 : i32 to index
        %get3A_220 = tpu.vector_load %arg6[%get3A_219] {strides = array<i32>} : memref<65536xf32, #tpu.memory_space<vmem>>, vector<16xf32>,
        %add3A_221 = arith.addf %get3A_198, %get3A_220 : vector<16xf32>
        %add3A_222 = arith.constant 48 : i32
        %add3A_223 = arith.addi %mul3A_206, %add3A_222 : i32
        %get3A_224 = arith.index_cast %add3A_223 : i32 to index
        %get3A_225 = tpu.vector_load %arg6[%get3A_224] {strides = array<i32>} : memref<65536xf32, #tpu.memory_space<vmem>>, vector<16xf32>,
        %add3A_226 = arith.addf %get3A_202, %get3A_225 : vector<16xf32>
        %slice3A_227 = vector.extract_strided_slice %get3A_184 {offsets = [2], sizes = [1], strides = [1]} : vector<16xi32> to vector<1xi32>
        %squeeze3A_228 = vector.extract %slice3A_227[0] : i32 from vector<1xi32>
        %mul3A_229 = arith.constant 64 : i32
        %mul3A_230 = arith.muli %squeeze3A_228, %mul3A_229 : i32
        %add3A_231 = arith.constant 0 : i32
        %add3A_232 = arith.addi %mul3A_230, %add3A_231 : i32
        %get3A_233 = arith.index_cast %add3A_232 : i32 to index
        %get3A_234 = tpu.vector_load %arg6[%get3A_233] {strides = array<i32>} : memref<65536xf32, #tpu.memory_space<vmem>>, vector<16xf32>,
        %add3A_235 = arith.addf %add3A_211, %get3A_234 : vector<16xf32>
        %add3A_236 = arith.constant 16 : i32
        %add3A_237 = arith.addi %mul3A_230, %add3A_236 : i32
        %get3A_238 = arith.index_cast %add3A_237 : i32 to index
        %get3A_239 = tpu.vector_load %arg6[%get3A_238] {strides = array<i32>} : memref<65536xf32, #tpu.memory_space<vmem>>, vector<16xf32>,
        %add3A_240 = arith.addf %add3A_216, %get3A_239 : vector<16xf32>
        %add3A_241 = arith.constant 32 : i32
        %add3A_242 = arith.addi %mul3A_230, %add3A_241 : i32
        %get3A_243 = arith.index_cast %add3A_242 : i32 to index
        %get3A_244 = tpu.vector_load %arg6[%get3A_243] {strides = array<i32>} : memref<65536xf32, #tpu.memory_space<vmem>>, vector<16xf32>,
        %add3A_245 = arith.addf %add3A_221, %get3A_244 : vector<16xf32>
        %add3A_246 = arith.constant 48 : i32
        %add3A_247 = arith.addi %mul3A_230, %add3A_246 : i32
        %get3A_248 = arith.index_cast %add3A_247 : i32 to index
        %get3A_249 = tpu.vector_load %arg6[%get3A_248] {strides = array<i32>} : memref<65536xf32, #tpu.memory_space<vmem>>, vector<16xf32>,
        %add3A_250 = arith.addf %add3A_226, %get3A_249 : vector<16xf32>
        %slice3A_251 = vector.extract_strided_slice %get3A_184 {offsets = [3], sizes = [1], strides = [1]} : vector<16xi32> to vector<1xi32>
        %squeeze3A_252 = vector.extract %slice3A_251[0] : i32 from vector<1xi32>
        %mul3A_253 = arith.constant 64 : i32
        %mul3A_254 = arith.muli %squeeze3A_252, %mul3A_253 : i32
        %add3A_255 = arith.constant 0 : i32
        %add3A_256 = arith.addi %mul3A_254, %add3A_255 : i32
        %get3A_257 = arith.index_cast %add3A_256 : i32 to index
        %get3A_258 = tpu.vector_load %arg6[%get3A_257] {strides = array<i32>} : memref<65536xf32, #tpu.memory_space<vmem>>, vector<16xf32>,
        %add3A_259 = arith.addf %add3A_235, %get3A_258 : vector<16xf32>
        %add3A_260 = arith.constant 16 : i32
        %add3A_261 = arith.addi %mul3A_254, %add3A_260 : i32
        %get3A_262 = arith.index_cast %add3A_261 : i32 to index
        %get3A_263 = tpu.vector_load %arg6[%get3A_262] {strides = array<i32>} : memref<65536xf32, #tpu.memory_space<vmem>>, vector<16xf32>,
        %add3A_264 = arith.addf %add3A_240, %get3A_263 : vector<16xf32>
        %add3A_265 = arith.constant 32 : i32
        %add3A_266 = arith.addi %mul3A_254, %add3A_265 : i32
        %get3A_267 = arith.index_cast %add3A_266 : i32 to index
        %get3A_268 = tpu.vector_load %arg6[%get3A_267] {strides = array<i32>} : memref<65536xf32, #tpu.memory_space<vmem>>, vector<16xf32>,
        %add3A_269 = arith.addf %add3A_245, %get3A_268 : vector<16xf32>
        %add3A_270 = arith.constant 48 : i32
        %add3A_271 = arith.addi %mul3A_254, %add3A_270 : i32
        %get3A_272 = arith.index_cast %add3A_271 : i32 to index
        %get3A_273 = tpu.vector_load %arg6[%get3A_272] {strides = array<i32>} : memref<65536xf32, #tpu.memory_space<vmem>>, vector<16xf32>,
        %add3A_274 = arith.addf %add3A_250, %get3A_273 : vector<16xf32>
        %slice3A_275 = vector.extract_strided_slice %get3A_184 {offsets = [4], sizes = [1], strides = [1]} : vector<16xi32> to vector<1xi32>
        %squeeze3A_276 = vector.extract %slice3A_275[0] : i32 from vector<1xi32>
        %mul3A_277 = arith.constant 64 : i32
        %mul3A_278 = arith.muli %squeeze3A_276, %mul3A_277 : i32
        %add3A_279 = arith.constant 0 : i32
        %add3A_280 = arith.addi %mul3A_278, %add3A_279 : i32
        %get3A_281 = arith.index_cast %add3A_280 : i32 to index
        %get3A_282 = tpu.vector_load %arg6[%get3A_281] {strides = array<i32>} : memref<65536xf32, #tpu.memory_space<vmem>>, vector<16xf32>,
        %add3A_283 = arith.addf %add3A_259, %get3A_282 : vector<16xf32>
        %add3A_284 = arith.constant 16 : i32
        %add3A_285 = arith.addi %mul3A_278, %add3A_284 : i32
        %get3A_286 = arith.index_cast %add3A_285 : i32 to index
        %get3A_287 = tpu.vector_load %arg6[%get3A_286] {strides = array<i32>} : memref<65536xf32, #tpu.memory_space<vmem>>, vector<16xf32>,
        %add3A_288 = arith.addf %add3A_264, %get3A_287 : vector<16xf32>
        %add3A_289 = arith.constant 32 : i32
        %add3A_290 = arith.addi %mul3A_278, %add3A_289 : i32
        %get3A_291 = arith.index_cast %add3A_290 : i32 to index
        %get3A_292 = tpu.vector_load %arg6[%get3A_291] {strides = array<i32>} : memref<65536xf32, #tpu.memory_space<vmem>>, vector<16xf32>,
        %add3A_293 = arith.addf %add3A_269, %get3A_292 : vector<16xf32>
        %add3A_294 = arith.constant 48 : i32
        %add3A_295 = arith.addi %mul3A_278, %add3A_294 : i32
        %get3A_296 = arith.index_cast %add3A_295 : i32 to index
        %get3A_297 = tpu.vector_load %arg6[%get3A_296] {strides = array<i32>} : memref<65536xf32, #tpu.memory_space<vmem>>, vector<16xf32>,
        %add3A_298 = arith.addf %add3A_274, %get3A_297 : vector<16xf32>
        %slice3A_299 = vector.extract_strided_slice %get3A_184 {offsets = [5], sizes = [1], strides = [1]} : vector<16xi32> to vector<1xi32>
        %squeeze3A_300 = vector.extract %slice3A_299[0] : i32 from vector<1xi32>
        %mul3A_301 = arith.constant 64 : i32
        %mul3A_302 = arith.muli %squeeze3A_300, %mul3A_301 : i32
        %add3A_303 = arith.constant 0 : i32
        %add3A_304 = arith.addi %mul3A_302, %add3A_303 : i32
        %get3A_305 = arith.index_cast %add3A_304 : i32 to index
        %get3A_306 = tpu.vector_load %arg6[%get3A_305] {strides = array<i32>} : memref<65536xf32, #tpu.memory_space<vmem>>, vector<16xf32>,
        %add3A_307 = arith.addf %add3A_283, %get3A_306 : vector<16xf32>
        %add3A_308 = arith.constant 16 : i32
        %add3A_309 = arith.addi %mul3A_302, %add3A_308 : i32
        %get3A_310 = arith.index_cast %add3A_309 : i32 to index
        %get3A_311 = tpu.vector_load %arg6[%get3A_310] {strides = array<i32>} : memref<65536xf32, #tpu.memory_space<vmem>>, vector<16xf32>,
        %add3A_312 = arith.addf %add3A_288, %get3A_311 : vector<16xf32>
        %add3A_313 = arith.constant 32 : i32
        %add3A_314 = arith.addi %mul3A_302, %add3A_313 : i32
        %get3A_315 = arith.index_cast %add3A_314 : i32 to index
        %get3A_316 = tpu.vector_load %arg6[%get3A_315] {strides = array<i32>} : memref<65536xf32, #tpu.memory_space<vmem>>, vector<16xf32>,
        %add3A_317 = arith.addf %add3A_293, %get3A_316 : vector<16xf32>
        %add3A_318 = arith.constant 48 : i32
        %add3A_319 = arith.addi %mul3A_302, %add3A_318 : i32
        %get3A_320 = arith.index_cast %add3A_319 : i32 to index
        %get3A_321 = tpu.vector_load %arg6[%get3A_320] {strides = array<i32>} : memref<65536xf32, #tpu.memory_space<vmem>>, vector<16xf32>,
        %add3A_322 = arith.addf %add3A_298, %get3A_321 : vector<16xf32>
        %slice3A_323 = vector.extract_strided_slice %get3A_184 {offsets = [6], sizes = [1], strides = [1]} : vector<16xi32> to vector<1xi32>
        %squeeze3A_324 = vector.extract %slice3A_323[0] : i32 from vector<1xi32>
        %mul3A_325 = arith.constant 64 : i32
        %mul3A_326 = arith.muli %squeeze3A_324, %mul3A_325 : i32
        %add3A_327 = arith.constant 0 : i32
        %add3A_328 = arith.addi %mul3A_326, %add3A_327 : i32
        %get3A_329 = arith.index_cast %add3A_328 : i32 to index
        %get3A_330 = tpu.vector_load %arg6[%get3A_329] {strides = array<i32>} : memref<65536xf32, #tpu.memory_space<vmem>>, vector<16xf32>,
        %add3A_331 = arith.addf %add3A_307, %get3A_330 : vector<16xf32>
        %add3A_332 = arith.constant 16 : i32
        %add3A_333 = arith.addi %mul3A_326, %add3A_332 : i32
        %get3A_334 = arith.index_cast %add3A_333 : i32 to index
        %get3A_335 = tpu.vector_load %arg6[%get3A_334] {strides = array<i32>} : memref<65536xf32, #tpu.memory_space<vmem>>, vector<16xf32>,
        %add3A_336 = arith.addf %add3A_312, %get3A_335 : vector<16xf32>
        %add3A_337 = arith.constant 32 : i32
        %add3A_338 = arith.addi %mul3A_326, %add3A_337 : i32
        %get3A_339 = arith.index_cast %add3A_338 : i32 to index
        %get3A_340 = tpu.vector_load %arg6[%get3A_339] {strides = array<i32>} : memref<65536xf32, #tpu.memory_space<vmem>>, vector<16xf32>,
        %add3A_341 = arith.addf %add3A_317, %get3A_340 : vector<16xf32>
        %add3A_342 = arith.constant 48 : i32
        %add3A_343 = arith.addi %mul3A_326, %add3A_342 : i32
        %get3A_344 = arith.index_cast %add3A_343 : i32 to index
        %get3A_345 = tpu.vector_load %arg6[%get3A_344] {strides = array<i32>} : memref<65536xf32, #tpu.memory_space<vmem>>, vector<16xf32>,
        %add3A_346 = arith.addf %add3A_322, %get3A_345 : vector<16xf32>
        %slice3A_347 = vector.extract_strided_slice %get3A_184 {offsets = [7], sizes = [1], strides = [1]} : vector<16xi32> to vector<1xi32>
        %squeeze3A_348 = vector.extract %slice3A_347[0] : i32 from vector<1xi32>
        %mul3A_349 = arith.constant 64 : i32
        %mul3A_350 = arith.muli %squeeze3A_348, %mul3A_349 : i32
        %add3A_351 = arith.constant 0 : i32
        %add3A_352 = arith.addi %mul3A_350, %add3A_351 : i32
        %get3A_353 = arith.index_cast %add3A_352 : i32 to index
        %get3A_354 = tpu.vector_load %arg6[%get3A_353] {strides = array<i32>} : memref<65536xf32, #tpu.memory_space<vmem>>, vector<16xf32>,
        %add3A_355 = arith.addf %add3A_331, %get3A_354 : vector<16xf32>
        %add3A_356 = arith.constant 16 : i32
        %add3A_357 = arith.addi %mul3A_350, %add3A_356 : i32
        %get3A_358 = arith.index_cast %add3A_357 : i32 to index
        %get3A_359 = tpu.vector_load %arg6[%get3A_358] {strides = array<i32>} : memref<65536xf32, #tpu.memory_space<vmem>>, vector<16xf32>,
        %add3A_360 = arith.addf %add3A_336, %get3A_359 : vector<16xf32>
        %add3A_361 = arith.constant 32 : i32
        %add3A_362 = arith.addi %mul3A_350, %add3A_361 : i32
        %get3A_363 = arith.index_cast %add3A_362 : i32 to index
        %get3A_364 = tpu.vector_load %arg6[%get3A_363] {strides = array<i32>} : memref<65536xf32, #tpu.memory_space<vmem>>, vector<16xf32>,
        %add3A_365 = arith.addf %add3A_341, %get3A_364 : vector<16xf32>
        %add3A_366 = arith.constant 48 : i32
        %add3A_367 = arith.addi %mul3A_350, %add3A_366 : i32
        %get3A_368 = arith.index_cast %add3A_367 : i32 to index
        %get3A_369 = tpu.vector_load %arg6[%get3A_368] {strides = array<i32>} : memref<65536xf32, #tpu.memory_space<vmem>>, vector<16xf32>,
        %add3A_370 = arith.addf %add3A_346, %get3A_369 : vector<16xf32>
        %mul3A_371 = arith.constant 2 : i32
        %mul3A_372 = arith.muli %scan3A_179, %mul3A_371 : i32
        %add3A_373 = arith.constant 0 : i32
        %add3A_374 = arith.addi %mul3A_372, %add3A_373 : i32
        %mul3A_375 = arith.constant 64 : i32
        %mul3A_376 = arith.muli %add3A_374, %mul3A_375 : i32
        %add3A_377 = arith.constant 0 : i32
        %add3A_378 = arith.addi %mul3A_376, %add3A_377 : i32
        %swap3A = arith.index_cast %add3A_378 : i32 to index
        %swap3A_379 = tpu.vector_load %arg13[%swap3A] {strides = array<i32>} : memref<8192xf32, #tpu.memory_space<vmem>>, vector<16xf32>,
        tpu.vector_store %arg13[%swap3A], %add3A_355 {strides = array<i32>} : memref<8192xf32, #tpu.memory_space<vmem>>, vector<16xf32>,
        %mul3A_380 = arith.constant 2 : i32
        %mul3A_381 = arith.muli %scan3A_179, %mul3A_380 : i32
        %add3A_382 = arith.constant 0 : i32
        %add3A_383 = arith.addi %mul3A_381, %add3A_382 : i32
        %mul3A_384 = arith.constant 64 : i32
        %mul3A_385 = arith.muli %add3A_383, %mul3A_384 : i32
        %add3A_386 = arith.constant 16 : i32
        %add3A_387 = arith.addi %mul3A_385, %add3A_386 : i32
        %swap3A_388 = arith.index_cast %add3A_387 : i32 to index
        %swap3A_389 = tpu.vector_load %arg13[%swap3A_388] {strides = array<i32>} : memref<8192xf32, #tpu.memory_space<vmem>>, vector<16xf32>,
        tpu.vector_store %arg13[%swap3A_388], %add3A_360 {strides = array<i32>} : memref<8192xf32, #tpu.memory_space<vmem>>, vector<16xf32>,
        %mul3A_390 = arith.constant 2 : i32
        %mul3A_391 = arith.muli %scan3A_179, %mul3A_390 : i32
        %add3A_392 = arith.constant 0 : i32
        %add3A_393 = arith.addi %mul3A_391, %add3A_392 : i32
        %mul3A_394 = arith.constant 64 : i32
        %mul3A_395 = arith.muli %add3A_393, %mul3A_394 : i32
        %add3A_396 = arith.constant 32 : i32
        %add3A_397 = arith.addi %mul3A_395, %add3A_396 : i32
        %swap3A_398 = arith.index_cast %add3A_397 : i32 to index
        %swap3A_399 = tpu.vector_load %arg13[%swap3A_398] {strides = array<i32>} : memref<8192xf32, #tpu.memory_space<vmem>>, vector<16xf32>,
        tpu.vector_store %arg13[%swap3A_398], %add3A_365 {strides = array<i32>} : memref<8192xf32, #tpu.memory_space<vmem>>, vector<16xf32>,
        %mul3A_400 = arith.constant 2 : i32
        %mul3A_401 = arith.muli %scan3A_179, %mul3A_400 : i32
        %add3A_402 = arith.constant 0 : i32
        %add3A_403 = arith.addi %mul3A_401, %add3A_402 : i32
        %mul3A_404 = arith.constant 64 : i32
        %mul3A_405 = arith.muli %add3A_403, %mul3A_404 : i32
        %add3A_406 = arith.constant 48 : i32
        %add3A_407 = arith.addi %mul3A_405, %add3A_406 : i32
        %swap3A_408 = arith.index_cast %add3A_407 : i32 to index
        %swap3A_409 = tpu.vector_load %arg13[%swap3A_408] {strides = array<i32>} : memref<8192xf32, #tpu.memory_space<vmem>>, vector<16xf32>,
        tpu.vector_store %arg13[%swap3A_408], %add3A_370 {strides = array<i32>} : memref<8192xf32, #tpu.memory_space<vmem>>, vector<16xf32>,
        %slice3A_410 = vector.extract_strided_slice %get3A_184 {offsets = [8], sizes = [1], strides = [1]} : vector<16xi32> to vector<1xi32>
        %squeeze3A_411 = vector.extract %slice3A_410[0] : i32 from vector<1xi32>
        %mul3A_412 = arith.constant 64 : i32
        %mul3A_413 = arith.muli %squeeze3A_411, %mul3A_412 : i32
        %add3A_414 = arith.constant 0 : i32
        %add3A_415 = arith.addi %mul3A_413, %add3A_414 : i32
        %get3A_416 = arith.index_cast %add3A_415 : i32 to index
        %get3A_417 = tpu.vector_load %arg6[%get3A_416] {strides = array<i32>} : memref<65536xf32, #tpu.memory_space<vmem>>, vector<16xf32>,
        %add3A_418 = arith.constant 16 : i32
        %add3A_419 = arith.addi %mul3A_413, %add3A_418 : i32
        %get3A_420 = arith.index_cast %add3A_419 : i32 to index
        %get3A_421 = tpu.vector_load %arg6[%get3A_420] {strides = array<i32>} : memref<65536xf32, #tpu.memory_space<vmem>>, vector<16xf32>,
        %add3A_422 = arith.constant 32 : i32
        %add3A_423 = arith.addi %mul3A_413, %add3A_422 : i32
        %get3A_424 = arith.index_cast %add3A_423 : i32 to index
        %get3A_425 = tpu.vector_load %arg6[%get3A_424] {strides = array<i32>} : memref<65536xf32, #tpu.memory_space<vmem>>, vector<16xf32>,
        %add3A_426 = arith.constant 48 : i32
        %add3A_427 = arith.addi %mul3A_413, %add3A_426 : i32
        %get3A_428 = arith.index_cast %add3A_427 : i32 to index
        %get3A_429 = tpu.vector_load %arg6[%get3A_428] {strides = array<i32>} : memref<65536xf32, #tpu.memory_space<vmem>>, vector<16xf32>,
        %slice3A_430 = vector.extract_strided_slice %get3A_184 {offsets = [9], sizes = [1], strides = [1]} : vector<16xi32> to vector<1xi32>
        %squeeze3A_431 = vector.extract %slice3A_430[0] : i32 from vector<1xi32>
        %mul3A_432 = arith.constant 64 : i32
        %mul3A_433 = arith.muli %squeeze3A_431, %mul3A_432 : i32
        %add3A_434 = arith.constant 0 : i32
        %add3A_435 = arith.addi %mul3A_433, %add3A_434 : i32
        %get3A_436 = arith.index_cast %add3A_435 : i32 to index
        %get3A_437 = tpu.vector_load %arg6[%get3A_436] {strides = array<i32>} : memref<65536xf32, #tpu.memory_space<vmem>>, vector<16xf32>,
        %add3A_438 = arith.addf %get3A_417, %get3A_437 : vector<16xf32>
        %add3A_439 = arith.constant 16 : i32
        %add3A_440 = arith.addi %mul3A_433, %add3A_439 : i32
        %get3A_441 = arith.index_cast %add3A_440 : i32 to index
        %get3A_442 = tpu.vector_load %arg6[%get3A_441] {strides = array<i32>} : memref<65536xf32, #tpu.memory_space<vmem>>, vector<16xf32>,
        %add3A_443 = arith.addf %get3A_421, %get3A_442 : vector<16xf32>
        %add3A_444 = arith.constant 32 : i32
        %add3A_445 = arith.addi %mul3A_433, %add3A_444 : i32
        %get3A_446 = arith.index_cast %add3A_445 : i32 to index
        %get3A_447 = tpu.vector_load %arg6[%get3A_446] {strides = array<i32>} : memref<65536xf32, #tpu.memory_space<vmem>>, vector<16xf32>,
        %add3A_448 = arith.addf %get3A_425, %get3A_447 : vector<16xf32>
        %add3A_449 = arith.constant 48 : i32
        %add3A_450 = arith.addi %mul3A_433, %add3A_449 : i32
        %get3A_451 = arith.index_cast %add3A_450 : i32 to index
        %get3A_452 = tpu.vector_load %arg6[%get3A_451] {strides = array<i32>} : memref<65536xf32, #tpu.memory_space<vmem>>, vector<16xf32>,
        %add3A_453 = arith.addf %get3A_429, %get3A_452 : vector<16xf32>
        %slice3A_454 = vector.extract_strided_slice %get3A_184 {offsets = [10], sizes = [1], strides = [1]} : vector<16xi32> to vector<1xi32>
        %squeeze3A_455 = vector.extract %slice3A_454[0] : i32 from vector<1xi32>
        %mul3A_456 = arith.constant 64 : i32
        %mul3A_457 = arith.muli %squeeze3A_455, %mul3A_456 : i32
        %add3A_458 = arith.constant 0 : i32
        %add3A_459 = arith.addi %mul3A_457, %add3A_458 : i32
        %get3A_460 = arith.index_cast %add3A_459 : i32 to index
        %get3A_461 = tpu.vector_load %arg6[%get3A_460] {strides = array<i32>} : memref<65536xf32, #tpu.memory_space<vmem>>, vector<16xf32>,
        %add3A_462 = arith.addf %add3A_438, %get3A_461 : vector<16xf32>
        %add3A_463 = arith.constant 16 : i32
        %add3A_464 = arith.addi %mul3A_457, %add3A_463 : i32
        %get3A_465 = arith.index_cast %add3A_464 : i32 to index
        %get3A_466 = tpu.vector_load %arg6[%get3A_465] {strides = array<i32>} : memref<65536xf32, #tpu.memory_space<vmem>>, vector<16xf32>,
        %add3A_467 = arith.addf %add3A_443, %get3A_466 : vector<16xf32>
        %add3A_468 = arith.constant 32 : i32
        %add3A_469 = arith.addi %mul3A_457, %add3A_468 : i32
        %get3A_470 = arith.index_cast %add3A_469 : i32 to index
        %get3A_471 = tpu.vector_load %arg6[%get3A_470] {strides = array<i32>} : memref<65536xf32, #tpu.memory_space<vmem>>, vector<16xf32>,
        %add3A_472 = arith.addf %add3A_448, %get3A_471 : vector<16xf32>
        %add3A_473 = arith.constant 48 : i32
        %add3A_474 = arith.addi %mul3A_457, %add3A_473 : i32
        %get3A_475 = arith.index_cast %add3A_474 : i32 to index
        %get3A_476 = tpu.vector_load %arg6[%get3A_475] {strides = array<i32>} : memref<65536xf32, #tpu.memory_space<vmem>>, vector<16xf32>,
        %add3A_477 = arith.addf %add3A_453, %get3A_476 : vector<16xf32>
        %slice3A_478 = vector.extract_strided_slice %get3A_184 {offsets = [11], sizes = [1], strides = [1]} : vector<16xi32> to vector<1xi32>
        %squeeze3A_479 = vector.extract %slice3A_478[0] : i32 from vector<1xi32>
        %mul3A_480 = arith.constant 64 : i32
        %mul3A_481 = arith.muli %squeeze3A_479, %mul3A_480 : i32
        %add3A_482 = arith.constant 0 : i32
        %add3A_483 = arith.addi %mul3A_481, %add3A_482 : i32
        %get3A_484 = arith.index_cast %add3A_483 : i32 to index
        %get3A_485 = tpu.vector_load %arg6[%get3A_484] {strides = array<i32>} : memref<65536xf32, #tpu.memory_space<vmem>>, vector<16xf32>,
        %add3A_486 = arith.addf %add3A_462, %get3A_485 : vector<16xf32>
        %add3A_487 = arith.constant 16 : i32
        %add3A_488 = arith.addi %mul3A_481, %add3A_487 : i32
        %get3A_489 = arith.index_cast %add3A_488 : i32 to index
        %get3A_490 = tpu.vector_load %arg6[%get3A_489] {strides = array<i32>} : memref<65536xf32, #tpu.memory_space<vmem>>, vector<16xf32>,
        %add3A_491 = arith.addf %add3A_467, %get3A_490 : vector<16xf32>
        %add3A_492 = arith.constant 32 : i32
        %add3A_493 = arith.addi %mul3A_481, %add3A_492 : i32
        %get3A_494 = arith.index_cast %add3A_493 : i32 to index
        %get3A_495 = tpu.vector_load %arg6[%get3A_494] {strides = array<i32>} : memref<65536xf32, #tpu.memory_space<vmem>>, vector<16xf32>,
        %add3A_496 = arith.addf %add3A_472, %get3A_495 : vector<16xf32>
        %add3A_497 = arith.constant 48 : i32
        %add3A_498 = arith.addi %mul3A_481, %add3A_497 : i32
        %get3A_499 = arith.index_cast %add3A_498 : i32 to index
        %get3A_500 = tpu.vector_load %arg6[%get3A_499] {strides = array<i32>} : memref<65536xf32, #tpu.memory_space<vmem>>, vector<16xf32>,
        %add3A_501 = arith.addf %add3A_477, %get3A_500 : vector<16xf32>
        %slice3A_502 = vector.extract_strided_slice %get3A_184 {offsets = [12], sizes = [1], strides = [1]} : vector<16xi32> to vector<1xi32>
        %squeeze3A_503 = vector.extract %slice3A_502[0] : i32 from vector<1xi32>
        %mul3A_504 = arith.constant 64 : i32
        %mul3A_505 = arith.muli %squeeze3A_503, %mul3A_504 : i32
        %add3A_506 = arith.constant 0 : i32
        %add3A_507 = arith.addi %mul3A_505, %add3A_506 : i32
        %get3A_508 = arith.index_cast %add3A_507 : i32 to index
        %get3A_509 = tpu.vector_load %arg6[%get3A_508] {strides = array<i32>} : memref<65536xf32, #tpu.memory_space<vmem>>, vector<16xf32>,
        %add3A_510 = arith.addf %add3A_486, %get3A_509 : vector<16xf32>
        %add3A_511 = arith.constant 16 : i32
        %add3A_512 = arith.addi %mul3A_505, %add3A_511 : i32
        %get3A_513 = arith.index_cast %add3A_512 : i32 to index
        %get3A_514 = tpu.vector_load %arg6[%get3A_513] {strides = array<i32>} : memref<65536xf32, #tpu.memory_space<vmem>>, vector<16xf32>,
        %add3A_515 = arith.addf %add3A_491, %get3A_514 : vector<16xf32>
        %add3A_516 = arith.constant 32 : i32
        %add3A_517 = arith.addi %mul3A_505, %add3A_516 : i32
        %get3A_518 = arith.index_cast %add3A_517 : i32 to index
        %get3A_519 = tpu.vector_load %arg6[%get3A_518] {strides = array<i32>} : memref<65536xf32, #tpu.memory_space<vmem>>, vector<16xf32>,
        %add3A_520 = arith.addf %add3A_496, %get3A_519 : vector<16xf32>
        %add3A_521 = arith.constant 48 : i32
        %add3A_522 = arith.addi %mul3A_505, %add3A_521 : i32
        %get3A_523 = arith.index_cast %add3A_522 : i32 to index
        %get3A_524 = tpu.vector_load %arg6[%get3A_523] {strides = array<i32>} : memref<65536xf32, #tpu.memory_space<vmem>>, vector<16xf32>,
        %add3A_525 = arith.addf %add3A_501, %get3A_524 : vector<16xf32>
        %slice3A_526 = vector.extract_strided_slice %get3A_184 {offsets = [13], sizes = [1], strides = [1]} : vector<16xi32> to vector<1xi32>
        %squeeze3A_527 = vector.extract %slice3A_526[0] : i32 from vector<1xi32>
        %mul3A_528 = arith.constant 64 : i32
        %mul3A_529 = arith.muli %squeeze3A_527, %mul3A_528 : i32
        %add3A_530 = arith.constant 0 : i32
        %add3A_531 = arith.addi %mul3A_529, %add3A_530 : i32
        %get3A_532 = arith.index_cast %add3A_531 : i32 to index
        %get3A_533 = tpu.vector_load %arg6[%get3A_532] {strides = array<i32>} : memref<65536xf32, #tpu.memory_space<vmem>>, vector<16xf32>,
        %add3A_534 = arith.addf %add3A_510, %get3A_533 : vector<16xf32>
        %add3A_535 = arith.constant 16 : i32
        %add3A_536 = arith.addi %mul3A_529, %add3A_535 : i32
        %get3A_537 = arith.index_cast %add3A_536 : i32 to index
        %get3A_538 = tpu.vector_load %arg6[%get3A_537] {strides = array<i32>} : memref<65536xf32, #tpu.memory_space<vmem>>, vector<16xf32>,
        %add3A_539 = arith.addf %add3A_515, %get3A_538 : vector<16xf32>
        %add3A_540 = arith.constant 32 : i32
        %add3A_541 = arith.addi %mul3A_529, %add3A_540 : i32
        %get3A_542 = arith.index_cast %add3A_541 : i32 to index
        %get3A_543 = tpu.vector_load %arg6[%get3A_542] {strides = array<i32>} : memref<65536xf32, #tpu.memory_space<vmem>>, vector<16xf32>,
        %add3A_544 = arith.addf %add3A_520, %get3A_543 : vector<16xf32>
        %add3A_545 = arith.constant 48 : i32
        %add3A_546 = arith.addi %mul3A_529, %add3A_545 : i32
        %get3A_547 = arith.index_cast %add3A_546 : i32 to index
        %get3A_548 = tpu.vector_load %arg6[%get3A_547] {strides = array<i32>} : memref<65536xf32, #tpu.memory_space<vmem>>, vector<16xf32>,
        %add3A_549 = arith.addf %add3A_525, %get3A_548 : vector<16xf32>
        %slice3A_550 = vector.extract_strided_slice %get3A_184 {offsets = [14], sizes = [1], strides = [1]} : vector<16xi32> to vector<1xi32>
        %squeeze3A_551 = vector.extract %slice3A_550[0] : i32 from vector<1xi32>
        %mul3A_552 = arith.constant 64 : i32
        %mul3A_553 = arith.muli %squeeze3A_551, %mul3A_552 : i32
        %add3A_554 = arith.constant 0 : i32
        %add3A_555 = arith.addi %mul3A_553, %add3A_554 : i32
        %get3A_556 = arith.index_cast %add3A_555 : i32 to index
        %get3A_557 = tpu.vector_load %arg6[%get3A_556] {strides = array<i32>} : memref<65536xf32, #tpu.memory_space<vmem>>, vector<16xf32>,
        %add3A_558 = arith.addf %add3A_534, %get3A_557 : vector<16xf32>
        %add3A_559 = arith.constant 16 : i32
        %add3A_560 = arith.addi %mul3A_553, %add3A_559 : i32
        %get3A_561 = arith.index_cast %add3A_560 : i32 to index
        %get3A_562 = tpu.vector_load %arg6[%get3A_561] {strides = array<i32>} : memref<65536xf32, #tpu.memory_space<vmem>>, vector<16xf32>,
        %add3A_563 = arith.addf %add3A_539, %get3A_562 : vector<16xf32>
        %add3A_564 = arith.constant 32 : i32
        %add3A_565 = arith.addi %mul3A_553, %add3A_564 : i32
        %get3A_566 = arith.index_cast %add3A_565 : i32 to index
        %get3A_567 = tpu.vector_load %arg6[%get3A_566] {strides = array<i32>} : memref<65536xf32, #tpu.memory_space<vmem>>, vector<16xf32>,
        %add3A_568 = arith.addf %add3A_544, %get3A_567 : vector<16xf32>
        %add3A_569 = arith.constant 48 : i32
        %add3A_570 = arith.addi %mul3A_553, %add3A_569 : i32
        %get3A_571 = arith.index_cast %add3A_570 : i32 to index
        %get3A_572 = tpu.vector_load %arg6[%get3A_571] {strides = array<i32>} : memref<65536xf32, #tpu.memory_space<vmem>>, vector<16xf32>,
        %add3A_573 = arith.addf %add3A_549, %get3A_572 : vector<16xf32>
        %slice3A_574 = vector.extract_strided_slice %get3A_184 {offsets = [15], sizes = [1], strides = [1]} : vector<16xi32> to vector<1xi32>
        %squeeze3A_575 = vector.extract %slice3A_574[0] : i32 from vector<1xi32>
        %mul3A_576 = arith.constant 64 : i32
        %mul3A_577 = arith.muli %squeeze3A_575, %mul3A_576 : i32
        %add3A_578 = arith.constant 0 : i32
        %add3A_579 = arith.addi %mul3A_577, %add3A_578 : i32
        %get3A_580 = arith.index_cast %add3A_579 : i32 to index
        %get3A_581 = tpu.vector_load %arg6[%get3A_580] {strides = array<i32>} : memref<65536xf32, #tpu.memory_space<vmem>>, vector<16xf32>,
        %add3A_582 = arith.addf %add3A_558, %get3A_581 : vector<16xf32>
        %add3A_583 = arith.constant 16 : i32
        %add3A_584 = arith.addi %mul3A_577, %add3A_583 : i32
        %get3A_585 = arith.index_cast %add3A_584 : i32 to index
        %get3A_586 = tpu.vector_load %arg6[%get3A_585] {strides = array<i32>} : memref<65536xf32, #tpu.memory_space<vmem>>, vector<16xf32>,
        %add3A_587 = arith.addf %add3A_563, %get3A_586 : vector<16xf32>
        %add3A_588 = arith.constant 32 : i32
        %add3A_589 = arith.addi %mul3A_577, %add3A_588 : i32
        %get3A_590 = arith.index_cast %add3A_589 : i32 to index
        %get3A_591 = tpu.vector_load %arg6[%get3A_590] {strides = array<i32>} : memref<65536xf32, #tpu.memory_space<vmem>>, vector<16xf32>,
        %add3A_592 = arith.addf %add3A_568, %get3A_591 : vector<16xf32>
        %add3A_593 = arith.constant 48 : i32
        %add3A_594 = arith.addi %mul3A_577, %add3A_593 : i32
        %get3A_595 = arith.index_cast %add3A_594 : i32 to index
        %get3A_596 = tpu.vector_load %arg6[%get3A_595] {strides = array<i32>} : memref<65536xf32, #tpu.memory_space<vmem>>, vector<16xf32>,
        %add3A_597 = arith.addf %add3A_573, %get3A_596 : vector<16xf32>
        %mul3A_598 = arith.constant 2 : i32
        %mul3A_599 = arith.muli %scan3A_179, %mul3A_598 : i32
        %add3A_600 = arith.constant 1 : i32
        %add3A_601 = arith.addi %mul3A_599, %add3A_600 : i32
        %mul3A_602 = arith.constant 64 : i32
        %mul3A_603 = arith.muli %add3A_601, %mul3A_602 : i32
        %add3A_604 = arith.constant 0 : i32
        %add3A_605 = arith.addi %mul3A_603, %add3A_604 : i32
        %swap3A_606 = arith.index_cast %add3A_605 : i32 to index
        %swap3A_607 = tpu.vector_load %arg13[%swap3A_606] {strides = array<i32>} : memref<8192xf32, #tpu.memory_space<vmem>>, vector<16xf32>,
        tpu.vector_store %arg13[%swap3A_606], %add3A_582 {strides = array<i32>} : memref<8192xf32, #tpu.memory_space<vmem>>, vector<16xf32>,
        %mul3A_608 = arith.constant 2 : i32
        %mul3A_609 = arith.muli %scan3A_179, %mul3A_608 : i32
        %add3A_610 = arith.constant 1 : i32
        %add3A_611 = arith.addi %mul3A_609, %add3A_610 : i32
        %mul3A_612 = arith.constant 64 : i32
        %mul3A_613 = arith.muli %add3A_611, %mul3A_612 : i32
        %add3A_614 = arith.constant 16 : i32
        %add3A_615 = arith.addi %mul3A_613, %add3A_614 : i32
        %swap3A_616 = arith.index_cast %add3A_615 : i32 to index
        %swap3A_617 = tpu.vector_load %arg13[%swap3A_616] {strides = array<i32>} : memref<8192xf32, #tpu.memory_space<vmem>>, vector<16xf32>,
        tpu.vector_store %arg13[%swap3A_616], %add3A_587 {strides = array<i32>} : memref<8192xf32, #tpu.memory_space<vmem>>, vector<16xf32>,
        %mul3A_618 = arith.constant 2 : i32
        %mul3A_619 = arith.muli %scan3A_179, %mul3A_618 : i32
        %add3A_620 = arith.constant 1 : i32
        %add3A_621 = arith.addi %mul3A_619, %add3A_620 : i32
        %mul3A_622 = arith.constant 64 : i32
        %mul3A_623 = arith.muli %add3A_621, %mul3A_622 : i32
        %add3A_624 = arith.constant 32 : i32
        %add3A_625 = arith.addi %mul3A_623, %add3A_624 : i32
        %swap3A_626 = arith.index_cast %add3A_625 : i32 to index
        %swap3A_627 = tpu.vector_load %arg13[%swap3A_626] {strides = array<i32>} : memref<8192xf32, #tpu.memory_space<vmem>>, vector<16xf32>,
        tpu.vector_store %arg13[%swap3A_626], %add3A_592 {strides = array<i32>} : memref<8192xf32, #tpu.memory_space<vmem>>, vector<16xf32>,
        %mul3A_628 = arith.constant 2 : i32
        %mul3A_629 = arith.muli %scan3A_179, %mul3A_628 : i32
        %add3A_630 = arith.constant 1 : i32
        %add3A_631 = arith.addi %mul3A_629, %add3A_630 : i32
        %mul3A_632 = arith.constant 64 : i32
        %mul3A_633 = arith.muli %add3A_631, %mul3A_632 : i32
        %add3A_634 = arith.constant 48 : i32
        %add3A_635 = arith.addi %mul3A_633, %add3A_634 : i32
        %swap3A_636 = arith.index_cast %add3A_635 : i32 to index
        %swap3A_637 = tpu.vector_load %arg13[%swap3A_636] {strides = array<i32>} : memref<8192xf32, #tpu.memory_space<vmem>>, vector<16xf32>,
        tpu.vector_store %arg13[%swap3A_636], %add3A_597 {strides = array<i32>} : memref<8192xf32, #tpu.memory_space<vmem>>, vector<16xf32>,
        %scan3A_638 = arith.constant 1 : i32
        %scan3A_639 = arith.addi %scan3A_179, %scan3A_638 : i32
        %mul3A_640 = arith.constant 2 : i32
        %mul3A_641 = arith.muli %scan3A_639, %mul3A_640 : i32
        %mul3A_642 = arith.constant 8 : i32
        %mul3A_643 = arith.muli %mul3A_641, %mul3A_642 : i32
        %get3A_644 = arith.index_cast %mul3A_643 : i32 to index
        %get3A_645 = tpu.vector_load %arg11[%get3A_644] {strides = array<i32>} : memref<1024xi32, #tpu.memory_space<vmem>>, vector<16xi32>,
        %slice3A_646 = vector.extract_strided_slice %get3A_645 {offsets = [0], sizes = [1], strides = [1]} : vector<16xi32> to vector<1xi32>
        %squeeze3A_647 = vector.extract %slice3A_646[0] : i32 from vector<1xi32>
        %mul3A_648 = arith.constant 64 : i32
        %mul3A_649 = arith.muli %squeeze3A_647, %mul3A_648 : i32
        %add3A_650 = arith.constant 0 : i32
        %add3A_651 = arith.addi %mul3A_649, %add3A_650 : i32
        %get3A_652 = arith.index_cast %add3A_651 : i32 to index
        %get3A_653 = tpu.vector_load %arg6[%get3A_652] {strides = array<i32>} : memref<65536xf32, #tpu.memory_space<vmem>>, vector<16xf32>,
        %add3A_654 = arith.constant 16 : i32
        %add3A_655 = arith.addi %mul3A_649, %add3A_654 : i32
        %get3A_656 = arith.index_cast %add3A_655 : i32 to index
        %get3A_657 = tpu.vector_load %arg6[%get3A_656] {strides = array<i32>} : memref<65536xf32, #tpu.memory_space<vmem>>, vector<16xf32>,
        %add3A_658 = arith.constant 32 : i32
        %add3A_659 = arith.addi %mul3A_649, %add3A_658 : i32
        %get3A_660 = arith.index_cast %add3A_659 : i32 to index
        %get3A_661 = tpu.vector_load %arg6[%get3A_660] {strides = array<i32>} : memref<65536xf32, #tpu.memory_space<vmem>>, vector<16xf32>,
        %add3A_662 = arith.constant 48 : i32
        %add3A_663 = arith.addi %mul3A_649, %add3A_662 : i32
        %get3A_664 = arith.index_cast %add3A_663 : i32 to index
        %get3A_665 = tpu.vector_load %arg6[%get3A_664] {strides = array<i32>} : memref<65536xf32, #tpu.memory_space<vmem>>, vector<16xf32>,
        %slice3A_666 = vector.extract_strided_slice %get3A_645 {offsets = [1], sizes = [1], strides = [1]} : vector<16xi32> to vector<1xi32>
        %squeeze3A_667 = vector.extract %slice3A_666[0] : i32 from vector<1xi32>
        %mul3A_668 = arith.constant 64 : i32
        %mul3A_669 = arith.muli %squeeze3A_667, %mul3A_668 : i32
        %add3A_670 = arith.constant 0 : i32
        %add3A_671 = arith.addi %mul3A_669, %add3A_670 : i32
        %get3A_672 = arith.index_cast %add3A_671 : i32 to index
        %get3A_673 = tpu.vector_load %arg6[%get3A_672] {strides = array<i32>} : memref<65536xf32, #tpu.memory_space<vmem>>, vector<16xf32>,
        %add3A_674 = arith.addf %get3A_653, %get3A_673 : vector<16xf32>
        %add3A_675 = arith.constant 16 : i32
        %add3A_676 = arith.addi %mul3A_669, %add3A_675 : i32
        %get3A_677 = arith.index_cast %add3A_676 : i32 to index
        %get3A_678 = tpu.vector_load %arg6[%get3A_677] {strides = array<i32>} : memref<65536xf32, #tpu.memory_space<vmem>>, vector<16xf32>,
        %add3A_679 = arith.addf %get3A_657, %get3A_678 : vector<16xf32>
        %add3A_680 = arith.constant 32 : i32
        %add3A_681 = arith.addi %mul3A_669, %add3A_680 : i32
        %get3A_682 = arith.index_cast %add3A_681 : i32 to index
        %get3A_683 = tpu.vector_load %arg6[%get3A_682] {strides = array<i32>} : memref<65536xf32, #tpu.memory_space<vmem>>, vector<16xf32>,
        %add3A_684 = arith.addf %get3A_661, %get3A_683 : vector<16xf32>
        %add3A_685 = arith.constant 48 : i32
        %add3A_686 = arith.addi %mul3A_669, %add3A_685 : i32
        %get3A_687 = arith.index_cast %add3A_686 : i32 to index
        %get3A_688 = tpu.vector_load %arg6[%get3A_687] {strides = array<i32>} : memref<65536xf32, #tpu.memory_space<vmem>>, vector<16xf32>,
        %add3A_689 = arith.addf %get3A_665, %get3A_688 : vector<16xf32>
        %slice3A_690 = vector.extract_strided_slice %get3A_645 {offsets = [2], sizes = [1], strides = [1]} : vector<16xi32> to vector<1xi32>
        %squeeze3A_691 = vector.extract %slice3A_690[0] : i32 from vector<1xi32>
        %mul3A_692 = arith.constant 64 : i32
        %mul3A_693 = arith.muli %squeeze3A_691, %mul3A_692 : i32
        %add3A_694 = arith.constant 0 : i32
        %add3A_695 = arith.addi %mul3A_693, %add3A_694 : i32
        %get3A_696 = arith.index_cast %add3A_695 : i32 to index
        %get3A_697 = tpu.vector_load %arg6[%get3A_696] {strides = array<i32>} : memref<65536xf32, #tpu.memory_space<vmem>>, vector<16xf32>,
        %add3A_698 = arith.addf %add3A_674, %get3A_697 : vector<16xf32>
        %add3A_699 = arith.constant 16 : i32
        %add3A_700 = arith.addi %mul3A_693, %add3A_699 : i32
        %get3A_701 = arith.index_cast %add3A_700 : i32 to index
        %get3A_702 = tpu.vector_load %arg6[%get3A_701] {strides = array<i32>} : memref<65536xf32, #tpu.memory_space<vmem>>, vector<16xf32>,
        %add3A_703 = arith.addf %add3A_679, %get3A_702 : vector<16xf32>
        %add3A_704 = arith.constant 32 : i32
        %add3A_705 = arith.addi %mul3A_693, %add3A_704 : i32
        %get3A_706 = arith.index_cast %add3A_705 : i32 to index
        %get3A_707 = tpu.vector_load %arg6[%get3A_706] {strides = array<i32>} : memref<65536xf32, #tpu.memory_space<vmem>>, vector<16xf32>,
        %add3A_708 = arith.addf %add3A_684, %get3A_707 : vector<16xf32>
        %add3A_709 = arith.constant 48 : i32
        %add3A_710 = arith.addi %mul3A_693, %add3A_709 : i32
        %get3A_711 = arith.index_cast %add3A_710 : i32 to index
        %get3A_712 = tpu.vector_load %arg6[%get3A_711] {strides = array<i32>} : memref<65536xf32, #tpu.memory_space<vmem>>, vector<16xf32>,
        %add3A_713 = arith.addf %add3A_689, %get3A_712 : vector<16xf32>
        %slice3A_714 = vector.extract_strided_slice %get3A_645 {offsets = [3], sizes = [1], strides = [1]} : vector<16xi32> to vector<1xi32>
        %squeeze3A_715 = vector.extract %slice3A_714[0] : i32 from vector<1xi32>
        %mul3A_716 = arith.constant 64 : i32
        %mul3A_717 = arith.muli %squeeze3A_715, %mul3A_716 : i32
        %add3A_718 = arith.constant 0 : i32
        %add3A_719 = arith.addi %mul3A_717, %add3A_718 : i32
        %get3A_720 = arith.index_cast %add3A_719 : i32 to index
        %get3A_721 = tpu.vector_load %arg6[%get3A_720] {strides = array<i32>} : memref<65536xf32, #tpu.memory_space<vmem>>, vector<16xf32>,
        %add3A_722 = arith.addf %add3A_698, %get3A_721 : vector<16xf32>
        %add3A_723 = arith.constant 16 : i32
        %add3A_724 = arith.addi %mul3A_717, %add3A_723 : i32
        %get3A_725 = arith.index_cast %add3A_724 : i32 to index
        %get3A_726 = tpu.vector_load %arg6[%get3A_725] {strides = array<i32>} : memref<65536xf32, #tpu.memory_space<vmem>>, vector<16xf32>,
        %add3A_727 = arith.addf %add3A_703, %get3A_726 : vector<16xf32>
        %add3A_728 = arith.constant 32 : i32
        %add3A_729 = arith.addi %mul3A_717, %add3A_728 : i32
        %get3A_730 = arith.index_cast %add3A_729 : i32 to index
        %get3A_731 = tpu.vector_load %arg6[%get3A_730] {strides = array<i32>} : memref<65536xf32, #tpu.memory_space<vmem>>, vector<16xf32>,
        %add3A_732 = arith.addf %add3A_708, %get3A_731 : vector<16xf32>
        %add3A_733 = arith.constant 48 : i32
        %add3A_734 = arith.addi %mul3A_717, %add3A_733 : i32
        %get3A_735 = arith.index_cast %add3A_734 : i32 to index
        %get3A_736 = tpu.vector_load %arg6[%get3A_735] {strides = array<i32>} : memref<65536xf32, #tpu.memory_space<vmem>>, vector<16xf32>,
        %add3A_737 = arith.addf %add3A_713, %get3A_736 : vector<16xf32>
        %slice3A_738 = vector.extract_strided_slice %get3A_645 {offsets = [4], sizes = [1], strides = [1]} : vector<16xi32> to vector<1xi32>
        %squeeze3A_739 = vector.extract %slice3A_738[0] : i32 from vector<1xi32>
        %mul3A_740 = arith.constant 64 : i32
        %mul3A_741 = arith.muli %squeeze3A_739, %mul3A_740 : i32
        %add3A_742 = arith.constant 0 : i32
        %add3A_743 = arith.addi %mul3A_741, %add3A_742 : i32
        %get3A_744 = arith.index_cast %add3A_743 : i32 to index
        %get3A_745 = tpu.vector_load %arg6[%get3A_744] {strides = array<i32>} : memref<65536xf32, #tpu.memory_space<vmem>>, vector<16xf32>,
        %add3A_746 = arith.addf %add3A_722, %get3A_745 : vector<16xf32>
        %add3A_747 = arith.constant 16 : i32
        %add3A_748 = arith.addi %mul3A_741, %add3A_747 : i32
        %get3A_749 = arith.index_cast %add3A_748 : i32 to index
        %get3A_750 = tpu.vector_load %arg6[%get3A_749] {strides = array<i32>} : memref<65536xf32, #tpu.memory_space<vmem>>, vector<16xf32>,
        %add3A_751 = arith.addf %add3A_727, %get3A_750 : vector<16xf32>
        %add3A_752 = arith.constant 32 : i32
        %add3A_753 = arith.addi %mul3A_741, %add3A_752 : i32
        %get3A_754 = arith.index_cast %add3A_753 : i32 to index
        %get3A_755 = tpu.vector_load %arg6[%get3A_754] {strides = array<i32>} : memref<65536xf32, #tpu.memory_space<vmem>>, vector<16xf32>,
        %add3A_756 = arith.addf %add3A_732, %get3A_755 : vector<16xf32>
        %add3A_757 = arith.constant 48 : i32
        %add3A_758 = arith.addi %mul3A_741, %add3A_757 : i32
        %get3A_759 = arith.index_cast %add3A_758 : i32 to index
        %get3A_760 = tpu.vector_load %arg6[%get3A_759] {strides = array<i32>} : memref<65536xf32, #tpu.memory_space<vmem>>, vector<16xf32>,
        %add3A_761 = arith.addf %add3A_737, %get3A_760 : vector<16xf32>
        %slice3A_762 = vector.extract_strided_slice %get3A_645 {offsets = [5], sizes = [1], strides = [1]} : vector<16xi32> to vector<1xi32>
        %squeeze3A_763 = vector.extract %slice3A_762[0] : i32 from vector<1xi32>
        %mul3A_764 = arith.constant 64 : i32
        %mul3A_765 = arith.muli %squeeze3A_763, %mul3A_764 : i32
        %add3A_766 = arith.constant 0 : i32
        %add3A_767 = arith.addi %mul3A_765, %add3A_766 : i32
        %get3A_768 = arith.index_cast %add3A_767 : i32 to index
        %get3A_769 = tpu.vector_load %arg6[%get3A_768] {strides = array<i32>} : memref<65536xf32, #tpu.memory_space<vmem>>, vector<16xf32>,
        %add3A_770 = arith.addf %add3A_746, %get3A_769 : vector<16xf32>
        %add3A_771 = arith.constant 16 : i32
        %add3A_772 = arith.addi %mul3A_765, %add3A_771 : i32
        %get3A_773 = arith.index_cast %add3A_772 : i32 to index
        %get3A_774 = tpu.vector_load %arg6[%get3A_773] {strides = array<i32>} : memref<65536xf32, #tpu.memory_space<vmem>>, vector<16xf32>,
        %add3A_775 = arith.addf %add3A_751, %get3A_774 : vector<16xf32>
        %add3A_776 = arith.constant 32 : i32
        %add3A_777 = arith.addi %mul3A_765, %add3A_776 : i32
        %get3A_778 = arith.index_cast %add3A_777 : i32 to index
        %get3A_779 = tpu.vector_load %arg6[%get3A_778] {strides = array<i32>} : memref<65536xf32, #tpu.memory_space<vmem>>, vector<16xf32>,
        %add3A_780 = arith.addf %add3A_756, %get3A_779 : vector<16xf32>
        %add3A_781 = arith.constant 48 : i32
        %add3A_782 = arith.addi %mul3A_765, %add3A_781 : i32
        %get3A_783 = arith.index_cast %add3A_782 : i32 to index
        %get3A_784 = tpu.vector_load %arg6[%get3A_783] {strides = array<i32>} : memref<65536xf32, #tpu.memory_space<vmem>>, vector<16xf32>,
        %add3A_785 = arith.addf %add3A_761, %get3A_784 : vector<16xf32>
        %slice3A_786 = vector.extract_strided_slice %get3A_645 {offsets = [6], sizes = [1], strides = [1]} : vector<16xi32> to vector<1xi32>
        %squeeze3A_787 = vector.extract %slice3A_786[0] : i32 from vector<1xi32>
        %mul3A_788 = arith.constant 64 : i32
        %mul3A_789 = arith.muli %squeeze3A_787, %mul3A_788 : i32
        %add3A_790 = arith.constant 0 : i32
        %add3A_791 = arith.addi %mul3A_789, %add3A_790 : i32
        %get3A_792 = arith.index_cast %add3A_791 : i32 to index
        %get3A_793 = tpu.vector_load %arg6[%get3A_792] {strides = array<i32>} : memref<65536xf32, #tpu.memory_space<vmem>>, vector<16xf32>,
        %add3A_794 = arith.addf %add3A_770, %get3A_793 : vector<16xf32>
        %add3A_795 = arith.constant 16 : i32
        %add3A_796 = arith.addi %mul3A_789, %add3A_795 : i32
        %get3A_797 = arith.index_cast %add3A_796 : i32 to index
        %get3A_798 = tpu.vector_load %arg6[%get3A_797] {strides = array<i32>} : memref<65536xf32, #tpu.memory_space<vmem>>, vector<16xf32>,
        %add3A_799 = arith.addf %add3A_775, %get3A_798 : vector<16xf32>
        %add3A_800 = arith.constant 32 : i32
        %add3A_801 = arith.addi %mul3A_789, %add3A_800 : i32
        %get3A_802 = arith.index_cast %add3A_801 : i32 to index
        %get3A_803 = tpu.vector_load %arg6[%get3A_802] {strides = array<i32>} : memref<65536xf32, #tpu.memory_space<vmem>>, vector<16xf32>,
        %add3A_804 = arith.addf %add3A_780, %get3A_803 : vector<16xf32>
        %add3A_805 = arith.constant 48 : i32
        %add3A_806 = arith.addi %mul3A_789, %add3A_805 : i32
        %get3A_807 = arith.index_cast %add3A_806 : i32 to index
        %get3A_808 = tpu.vector_load %arg6[%get3A_807] {strides = array<i32>} : memref<65536xf32, #tpu.memory_space<vmem>>, vector<16xf32>,
        %add3A_809 = arith.addf %add3A_785, %get3A_808 : vector<16xf32>
        %slice3A_810 = vector.extract_strided_slice %get3A_645 {offsets = [7], sizes = [1], strides = [1]} : vector<16xi32> to vector<1xi32>
        %squeeze3A_811 = vector.extract %slice3A_810[0] : i32 from vector<1xi32>
        %mul3A_812 = arith.constant 64 : i32
        %mul3A_813 = arith.muli %squeeze3A_811, %mul3A_812 : i32
        %add3A_814 = arith.constant 0 : i32
        %add3A_815 = arith.addi %mul3A_813, %add3A_814 : i32
        %get3A_816 = arith.index_cast %add3A_815 : i32 to index
        %get3A_817 = tpu.vector_load %arg6[%get3A_816] {strides = array<i32>} : memref<65536xf32, #tpu.memory_space<vmem>>, vector<16xf32>,
        %add3A_818 = arith.addf %add3A_794, %get3A_817 : vector<16xf32>
        %add3A_819 = arith.constant 16 : i32
        %add3A_820 = arith.addi %mul3A_813, %add3A_819 : i32
        %get3A_821 = arith.index_cast %add3A_820 : i32 to index
        %get3A_822 = tpu.vector_load %arg6[%get3A_821] {strides = array<i32>} : memref<65536xf32, #tpu.memory_space<vmem>>, vector<16xf32>,
        %add3A_823 = arith.addf %add3A_799, %get3A_822 : vector<16xf32>
        %add3A_824 = arith.constant 32 : i32
        %add3A_825 = arith.addi %mul3A_813, %add3A_824 : i32
        %get3A_826 = arith.index_cast %add3A_825 : i32 to index
        %get3A_827 = tpu.vector_load %arg6[%get3A_826] {strides = array<i32>} : memref<65536xf32, #tpu.memory_space<vmem>>, vector<16xf32>,
        %add3A_828 = arith.addf %add3A_804, %get3A_827 : vector<16xf32>
        %add3A_829 = arith.constant 48 : i32
        %add3A_830 = arith.addi %mul3A_813, %add3A_829 : i32
        %get3A_831 = arith.index_cast %add3A_830 : i32 to index
        %get3A_832 = tpu.vector_load %arg6[%get3A_831] {strides = array<i32>} : memref<65536xf32, #tpu.memory_space<vmem>>, vector<16xf32>,
        %add3A_833 = arith.addf %add3A_809, %get3A_832 : vector<16xf32>
        %mul3A_834 = arith.constant 2 : i32
        %mul3A_835 = arith.muli %scan3A_639, %mul3A_834 : i32
        %add3A_836 = arith.constant 0 : i32
        %add3A_837 = arith.addi %mul3A_835, %add3A_836 : i32
        %mul3A_838 = arith.constant 64 : i32
        %mul3A_839 = arith.muli %add3A_837, %mul3A_838 : i32
        %add3A_840 = arith.constant 0 : i32
        %add3A_841 = arith.addi %mul3A_839, %add3A_840 : i32
        %swap3A_842 = arith.index_cast %add3A_841 : i32 to index
        %swap3A_843 = tpu.vector_load %arg13[%swap3A_842] {strides = array<i32>} : memref<8192xf32, #tpu.memory_space<vmem>>, vector<16xf32>,
        tpu.vector_store %arg13[%swap3A_842], %add3A_818 {strides = array<i32>} : memref<8192xf32, #tpu.memory_space<vmem>>, vector<16xf32>,
        %mul3A_844 = arith.constant 2 : i32
        %mul3A_845 = arith.muli %scan3A_639, %mul3A_844 : i32
        %add3A_846 = arith.constant 0 : i32
        %add3A_847 = arith.addi %mul3A_845, %add3A_846 : i32
        %mul3A_848 = arith.constant 64 : i32
        %mul3A_849 = arith.muli %add3A_847, %mul3A_848 : i32
        %add3A_850 = arith.constant 16 : i32
        %add3A_851 = arith.addi %mul3A_849, %add3A_850 : i32
        %swap3A_852 = arith.index_cast %add3A_851 : i32 to index
        %swap3A_853 = tpu.vector_load %arg13[%swap3A_852] {strides = array<i32>} : memref<8192xf32, #tpu.memory_space<vmem>>, vector<16xf32>,
        tpu.vector_store %arg13[%swap3A_852], %add3A_823 {strides = array<i32>} : memref<8192xf32, #tpu.memory_space<vmem>>, vector<16xf32>,
        %mul3A_854 = arith.constant 2 : i32
        %mul3A_855 = arith.muli %scan3A_639, %mul3A_854 : i32
        %add3A_856 = arith.constant 0 : i32
        %add3A_857 = arith.addi %mul3A_855, %add3A_856 : i32
        %mul3A_858 = arith.constant 64 : i32
        %mul3A_859 = arith.muli %add3A_857, %mul3A_858 : i32
        %add3A_860 = arith.constant 32 : i32
        %add3A_861 = arith.addi %mul3A_859, %add3A_860 : i32
        %swap3A_862 = arith.index_cast %add3A_861 : i32 to index
        %swap3A_863 = tpu.vector_load %arg13[%swap3A_862] {strides = array<i32>} : memref<8192xf32, #tpu.memory_space<vmem>>, vector<16xf32>,
        tpu.vector_store %arg13[%swap3A_862], %add3A_828 {strides = array<i32>} : memref<8192xf32, #tpu.memory_space<vmem>>, vector<16xf32>,
        %mul3A_864 = arith.constant 2 : i32
        %mul3A_865 = arith.muli %scan3A_639, %mul3A_864 : i32
        %add3A_866 = arith.constant 0 : i32
        %add3A_867 = arith.addi %mul3A_865, %add3A_866 : i32
        %mul3A_868 = arith.constant 64 : i32
        %mul3A_869 = arith.muli %add3A_867, %mul3A_868 : i32
        %add3A_870 = arith.constant 48 : i32
        %add3A_871 = arith.addi %mul3A_869, %add3A_870 : i32
        %swap3A_872 = arith.index_cast %add3A_871 : i32 to index
        %swap3A_873 = tpu.vector_load %arg13[%swap3A_872] {strides = array<i32>} : memref<8192xf32, #tpu.memory_space<vmem>>, vector<16xf32>,
        tpu.vector_store %arg13[%swap3A_872], %add3A_833 {strides = array<i32>} : memref<8192xf32, #tpu.memory_space<vmem>>, vector<16xf32>,
        %slice3A_874 = vector.extract_strided_slice %get3A_645 {offsets = [8], sizes = [1], strides = [1]} : vector<16xi32> to vector<1xi32>
        %squeeze3A_875 = vector.extract %slice3A_874[0] : i32 from vector<1xi32>
        %mul3A_876 = arith.constant 64 : i32
        %mul3A_877 = arith.muli %squeeze3A_875, %mul3A_876 : i32
        %add3A_878 = arith.constant 0 : i32
        %add3A_879 = arith.addi %mul3A_877, %add3A_878 : i32
        %get3A_880 = arith.index_cast %add3A_879 : i32 to index
        %get3A_881 = tpu.vector_load %arg6[%get3A_880] {strides = array<i32>} : memref<65536xf32, #tpu.memory_space<vmem>>, vector<16xf32>,
        %add3A_882 = arith.constant 16 : i32
        %add3A_883 = arith.addi %mul3A_877, %add3A_882 : i32
        %get3A_884 = arith.index_cast %add3A_883 : i32 to index
        %get3A_885 = tpu.vector_load %arg6[%get3A_884] {strides = array<i32>} : memref<65536xf32, #tpu.memory_space<vmem>>, vector<16xf32>,
        %add3A_886 = arith.constant 32 : i32
        %add3A_887 = arith.addi %mul3A_877, %add3A_886 : i32
        %get3A_888 = arith.index_cast %add3A_887 : i32 to index
        %get3A_889 = tpu.vector_load %arg6[%get3A_888] {strides = array<i32>} : memref<65536xf32, #tpu.memory_space<vmem>>, vector<16xf32>,
        %add3A_890 = arith.constant 48 : i32
        %add3A_891 = arith.addi %mul3A_877, %add3A_890 : i32
        %get3A_892 = arith.index_cast %add3A_891 : i32 to index
        %get3A_893 = tpu.vector_load %arg6[%get3A_892] {strides = array<i32>} : memref<65536xf32, #tpu.memory_space<vmem>>, vector<16xf32>,
        %slice3A_894 = vector.extract_strided_slice %get3A_645 {offsets = [9], sizes = [1], strides = [1]} : vector<16xi32> to vector<1xi32>
        %squeeze3A_895 = vector.extract %slice3A_894[0] : i32 from vector<1xi32>
        %mul3A_896 = arith.constant 64 : i32
        %mul3A_897 = arith.muli %squeeze3A_895, %mul3A_896 : i32
        %add3A_898 = arith.constant 0 : i32
        %add3A_899 = arith.addi %mul3A_897, %add3A_898 : i32
        %get3A_900 = arith.index_cast %add3A_899 : i32 to index
        %get3A_901 = tpu.vector_load %arg6[%get3A_900] {strides = array<i32>} : memref<65536xf32, #tpu.memory_space<vmem>>, vector<16xf32>,
        %add3A_902 = arith.addf %get3A_881, %get3A_901 : vector<16xf32>
        %add3A_903 = arith.constant 16 : i32
        %add3A_904 = arith.addi %mul3A_897, %add3A_903 : i32
        %get3A_905 = arith.index_cast %add3A_904 : i32 to index
        %get3A_906 = tpu.vector_load %arg6[%get3A_905] {strides = array<i32>} : memref<65536xf32, #tpu.memory_space<vmem>>, vector<16xf32>,
        %add3A_907 = arith.addf %get3A_885, %get3A_906 : vector<16xf32>
        %add3A_908 = arith.constant 32 : i32
        %add3A_909 = arith.addi %mul3A_897, %add3A_908 : i32
        %get3A_910 = arith.index_cast %add3A_909 : i32 to index
        %get3A_911 = tpu.vector_load %arg6[%get3A_910] {strides = array<i32>} : memref<65536xf32, #tpu.memory_space<vmem>>, vector<16xf32>,
        %add3A_912 = arith.addf %get3A_889, %get3A_911 : vector<16xf32>
        %add3A_913 = arith.constant 48 : i32
        %add3A_914 = arith.addi %mul3A_897, %add3A_913 : i32
        %get3A_915 = arith.index_cast %add3A_914 : i32 to index
        %get3A_916 = tpu.vector_load %arg6[%get3A_915] {strides = array<i32>} : memref<65536xf32, #tpu.memory_space<vmem>>, vector<16xf32>,
        %add3A_917 = arith.addf %get3A_893, %get3A_916 : vector<16xf32>
        %slice3A_918 = vector.extract_strided_slice %get3A_645 {offsets = [10], sizes = [1], strides = [1]} : vector<16xi32> to vector<1xi32>
        %squeeze3A_919 = vector.extract %slice3A_918[0] : i32 from vector<1xi32>
        %mul3A_920 = arith.constant 64 : i32
        %mul3A_921 = arith.muli %squeeze3A_919, %mul3A_920 : i32
        %add3A_922 = arith.constant 0 : i32
        %add3A_923 = arith.addi %mul3A_921, %add3A_922 : i32
        %get3A_924 = arith.index_cast %add3A_923 : i32 to index
        %get3A_925 = tpu.vector_load %arg6[%get3A_924] {strides = array<i32>} : memref<65536xf32, #tpu.memory_space<vmem>>, vector<16xf32>,
        %add3A_926 = arith.addf %add3A_902, %get3A_925 : vector<16xf32>
        %add3A_927 = arith.constant 16 : i32
        %add3A_928 = arith.addi %mul3A_921, %add3A_927 : i32
        %get3A_929 = arith.index_cast %add3A_928 : i32 to index
        %get3A_930 = tpu.vector_load %arg6[%get3A_929] {strides = array<i32>} : memref<65536xf32, #tpu.memory_space<vmem>>, vector<16xf32>,
        %add3A_931 = arith.addf %add3A_907, %get3A_930 : vector<16xf32>
        %add3A_932 = arith.constant 32 : i32
        %add3A_933 = arith.addi %mul3A_921, %add3A_932 : i32
        %get3A_934 = arith.index_cast %add3A_933 : i32 to index
        %get3A_935 = tpu.vector_load %arg6[%get3A_934] {strides = array<i32>} : memref<65536xf32, #tpu.memory_space<vmem>>, vector<16xf32>,
        %add3A_936 = arith.addf %add3A_912, %get3A_935 : vector<16xf32>
        %add3A_937 = arith.constant 48 : i32
        %add3A_938 = arith.addi %mul3A_921, %add3A_937 : i32
        %get3A_939 = arith.index_cast %add3A_938 : i32 to index
        %get3A_940 = tpu.vector_load %arg6[%get3A_939] {strides = array<i32>} : memref<65536xf32, #tpu.memory_space<vmem>>, vector<16xf32>,
        %add3A_941 = arith.addf %add3A_917, %get3A_940 : vector<16xf32>
        %slice3A_942 = vector.extract_strided_slice %get3A_645 {offsets = [11], sizes = [1], strides = [1]} : vector<16xi32> to vector<1xi32>
        %squeeze3A_943 = vector.extract %slice3A_942[0] : i32 from vector<1xi32>
        %mul3A_944 = arith.constant 64 : i32
        %mul3A_945 = arith.muli %squeeze3A_943, %mul3A_944 : i32
        %add3A_946 = arith.constant 0 : i32
        %add3A_947 = arith.addi %mul3A_945, %add3A_946 : i32
        %get3A_948 = arith.index_cast %add3A_947 : i32 to index
        %get3A_949 = tpu.vector_load %arg6[%get3A_948] {strides = array<i32>} : memref<65536xf32, #tpu.memory_space<vmem>>, vector<16xf32>,
        %add3A_950 = arith.addf %add3A_926, %get3A_949 : vector<16xf32>
        %add3A_951 = arith.constant 16 : i32
        %add3A_952 = arith.addi %mul3A_945, %add3A_951 : i32
        %get3A_953 = arith.index_cast %add3A_952 : i32 to index
        %get3A_954 = tpu.vector_load %arg6[%get3A_953] {strides = array<i32>} : memref<65536xf32, #tpu.memory_space<vmem>>, vector<16xf32>,
        %add3A_955 = arith.addf %add3A_931, %get3A_954 : vector<16xf32>
        %add3A_956 = arith.constant 32 : i32
        %add3A_957 = arith.addi %mul3A_945, %add3A_956 : i32
        %get3A_958 = arith.index_cast %add3A_957 : i32 to index
        %get3A_959 = tpu.vector_load %arg6[%get3A_958] {strides = array<i32>} : memref<65536xf32, #tpu.memory_space<vmem>>, vector<16xf32>,
        %add3A_960 = arith.addf %add3A_936, %get3A_959 : vector<16xf32>
        %add3A_961 = arith.constant 48 : i32
        %add3A_962 = arith.addi %mul3A_945, %add3A_961 : i32
        %get3A_963 = arith.index_cast %add3A_962 : i32 to index
        %get3A_964 = tpu.vector_load %arg6[%get3A_963] {strides = array<i32>} : memref<65536xf32, #tpu.memory_space<vmem>>, vector<16xf32>,
        %add3A_965 = arith.addf %add3A_941, %get3A_964 : vector<16xf32>
        %slice3A_966 = vector.extract_strided_slice %get3A_645 {offsets = [12], sizes = [1], strides = [1]} : vector<16xi32> to vector<1xi32>
        %squeeze3A_967 = vector.extract %slice3A_966[0] : i32 from vector<1xi32>
        %mul3A_968 = arith.constant 64 : i32
        %mul3A_969 = arith.muli %squeeze3A_967, %mul3A_968 : i32
        %add3A_970 = arith.constant 0 : i32
        %add3A_971 = arith.addi %mul3A_969, %add3A_970 : i32
        %get3A_972 = arith.index_cast %add3A_971 : i32 to index
        %get3A_973 = tpu.vector_load %arg6[%get3A_972] {strides = array<i32>} : memref<65536xf32, #tpu.memory_space<vmem>>, vector<16xf32>,
        %add3A_974 = arith.addf %add3A_950, %get3A_973 : vector<16xf32>
        %add3A_975 = arith.constant 16 : i32
        %add3A_976 = arith.addi %mul3A_969, %add3A_975 : i32
        %get3A_977 = arith.index_cast %add3A_976 : i32 to index
        %get3A_978 = tpu.vector_load %arg6[%get3A_977] {strides = array<i32>} : memref<65536xf32, #tpu.memory_space<vmem>>, vector<16xf32>,
        %add3A_979 = arith.addf %add3A_955, %get3A_978 : vector<16xf32>
        %add3A_980 = arith.constant 32 : i32
        %add3A_981 = arith.addi %mul3A_969, %add3A_980 : i32
        %get3A_982 = arith.index_cast %add3A_981 : i32 to index
        %get3A_983 = tpu.vector_load %arg6[%get3A_982] {strides = array<i32>} : memref<65536xf32, #tpu.memory_space<vmem>>, vector<16xf32>,
        %add3A_984 = arith.addf %add3A_960, %get3A_983 : vector<16xf32>
        %add3A_985 = arith.constant 48 : i32
        %add3A_986 = arith.addi %mul3A_969, %add3A_985 : i32
        %get3A_987 = arith.index_cast %add3A_986 : i32 to index
        %get3A_988 = tpu.vector_load %arg6[%get3A_987] {strides = array<i32>} : memref<65536xf32, #tpu.memory_space<vmem>>, vector<16xf32>,
        %add3A_989 = arith.addf %add3A_965, %get3A_988 : vector<16xf32>
        %slice3A_990 = vector.extract_strided_slice %get3A_645 {offsets = [13], sizes = [1], strides = [1]} : vector<16xi32> to vector<1xi32>
        %squeeze3A_991 = vector.extract %slice3A_990[0] : i32 from vector<1xi32>
        %mul3A_992 = arith.constant 64 : i32
        %mul3A_993 = arith.muli %squeeze3A_991, %mul3A_992 : i32
        %add3A_994 = arith.constant 0 : i32
        %add3A_995 = arith.addi %mul3A_993, %add3A_994 : i32
        %get3A_996 = arith.index_cast %add3A_995 : i32 to index
        %get3A_997 = tpu.vector_load %arg6[%get3A_996] {strides = array<i32>} : memref<65536xf32, #tpu.memory_space<vmem>>, vector<16xf32>,
        %add3A_998 = arith.addf %add3A_974, %get3A_997 : vector<16xf32>
        %add3A_999 = arith.constant 16 : i32
        %add3A_1000 = arith.addi %mul3A_993, %add3A_999 : i32
        %get3A_1001 = arith.index_cast %add3A_1000 : i32 to index
        %get3A_1002 = tpu.vector_load %arg6[%get3A_1001] {strides = array<i32>} : memref<65536xf32, #tpu.memory_space<vmem>>, vector<16xf32>,
        %add3A_1003 = arith.addf %add3A_979, %get3A_1002 : vector<16xf32>
        %add3A_1004 = arith.constant 32 : i32
        %add3A_1005 = arith.addi %mul3A_993, %add3A_1004 : i32
        %get3A_1006 = arith.index_cast %add3A_1005 : i32 to index
        %get3A_1007 = tpu.vector_load %arg6[%get3A_1006] {strides = array<i32>} : memref<65536xf32, #tpu.memory_space<vmem>>, vector<16xf32>,
        %add3A_1008 = arith.addf %add3A_984, %get3A_1007 : vector<16xf32>
        %add3A_1009 = arith.constant 48 : i32
        %add3A_1010 = arith.addi %mul3A_993, %add3A_1009 : i32
        %get3A_1011 = arith.index_cast %add3A_1010 : i32 to index
        %get3A_1012 = tpu.vector_load %arg6[%get3A_1011] {strides = array<i32>} : memref<65536xf32, #tpu.memory_space<vmem>>, vector<16xf32>,
        %add3A_1013 = arith.addf %add3A_989, %get3A_1012 : vector<16xf32>
        %slice3A_1014 = vector.extract_strided_slice %get3A_645 {offsets = [14], sizes = [1], strides = [1]} : vector<16xi32> to vector<1xi32>
        %squeeze3A_1015 = vector.extract %slice3A_1014[0] : i32 from vector<1xi32>
        %mul3A_1016 = arith.constant 64 : i32
        %mul3A_1017 = arith.muli %squeeze3A_1015, %mul3A_1016 : i32
        %add3A_1018 = arith.constant 0 : i32
        %add3A_1019 = arith.addi %mul3A_1017, %add3A_1018 : i32
        %get3A_1020 = arith.index_cast %add3A_1019 : i32 to index
        %get3A_1021 = tpu.vector_load %arg6[%get3A_1020] {strides = array<i32>} : memref<65536xf32, #tpu.memory_space<vmem>>, vector<16xf32>,
        %add3A_1022 = arith.addf %add3A_998, %get3A_1021 : vector<16xf32>
        %add3A_1023 = arith.constant 16 : i32
        %add3A_1024 = arith.addi %mul3A_1017, %add3A_1023 : i32
        %get3A_1025 = arith.index_cast %add3A_1024 : i32 to index
        %get3A_1026 = tpu.vector_load %arg6[%get3A_1025] {strides = array<i32>} : memref<65536xf32, #tpu.memory_space<vmem>>, vector<16xf32>,
        %add3A_1027 = arith.addf %add3A_1003, %get3A_1026 : vector<16xf32>
        %add3A_1028 = arith.constant 32 : i32
        %add3A_1029 = arith.addi %mul3A_1017, %add3A_1028 : i32
        %get3A_1030 = arith.index_cast %add3A_1029 : i32 to index
        %get3A_1031 = tpu.vector_load %arg6[%get3A_1030] {strides = array<i32>} : memref<65536xf32, #tpu.memory_space<vmem>>, vector<16xf32>,
        %add3A_1032 = arith.addf %add3A_1008, %get3A_1031 : vector<16xf32>
        %add3A_1033 = arith.constant 48 : i32
        %add3A_1034 = arith.addi %mul3A_1017, %add3A_1033 : i32
        %get3A_1035 = arith.index_cast %add3A_1034 : i32 to index
        %get3A_1036 = tpu.vector_load %arg6[%get3A_1035] {strides = array<i32>} : memref<65536xf32, #tpu.memory_space<vmem>>, vector<16xf32>,
        %add3A_1037 = arith.addf %add3A_1013, %get3A_1036 : vector<16xf32>
        %slice3A_1038 = vector.extract_strided_slice %get3A_645 {offsets = [15], sizes = [1], strides = [1]} : vector<16xi32> to vector<1xi32>
        %squeeze3A_1039 = vector.extract %slice3A_1038[0] : i32 from vector<1xi32>
        %mul3A_1040 = arith.constant 64 : i32
        %mul3A_1041 = arith.muli %squeeze3A_1039, %mul3A_1040 : i32
        %add3A_1042 = arith.constant 0 : i32
        %add3A_1043 = arith.addi %mul3A_1041, %add3A_1042 : i32
        %get3A_1044 = arith.index_cast %add3A_1043 : i32 to index
        %get3A_1045 = tpu.vector_load %arg6[%get3A_1044] {strides = array<i32>} : memref<65536xf32, #tpu.memory_space<vmem>>, vector<16xf32>,
        %add3A_1046 = arith.addf %add3A_1022, %get3A_1045 : vector<16xf32>
        %add3A_1047 = arith.constant 16 : i32
        %add3A_1048 = arith.addi %mul3A_1041, %add3A_1047 : i32
        %get3A_1049 = arith.index_cast %add3A_1048 : i32 to index
        %get3A_1050 = tpu.vector_load %arg6[%get3A_1049] {strides = array<i32>} : memref<65536xf32, #tpu.memory_space<vmem>>, vector<16xf32>,
        %add3A_1051 = arith.addf %add3A_1027, %get3A_1050 : vector<16xf32>
        %add3A_1052 = arith.constant 32 : i32
        %add3A_1053 = arith.addi %mul3A_1041, %add3A_1052 : i32
        %get3A_1054 = arith.index_cast %add3A_1053 : i32 to index
        %get3A_1055 = tpu.vector_load %arg6[%get3A_1054] {strides = array<i32>} : memref<65536xf32, #tpu.memory_space<vmem>>, vector<16xf32>,
        %add3A_1056 = arith.addf %add3A_1032, %get3A_1055 : vector<16xf32>
        %add3A_1057 = arith.constant 48 : i32
        %add3A_1058 = arith.addi %mul3A_1041, %add3A_1057 : i32
        %get3A_1059 = arith.index_cast %add3A_1058 : i32 to index
        %get3A_1060 = tpu.vector_load %arg6[%get3A_1059] {strides = array<i32>} : memref<65536xf32, #tpu.memory_space<vmem>>, vector<16xf32>,
        %add3A_1061 = arith.addf %add3A_1037, %get3A_1060 : vector<16xf32>
        %mul3A_1062 = arith.constant 2 : i32
        %mul3A_1063 = arith.muli %scan3A_639, %mul3A_1062 : i32
        %add3A_1064 = arith.constant 1 : i32
        %add3A_1065 = arith.addi %mul3A_1063, %add3A_1064 : i32
        %mul3A_1066 = arith.constant 64 : i32
        %mul3A_1067 = arith.muli %add3A_1065, %mul3A_1066 : i32
        %add3A_1068 = arith.constant 0 : i32
        %add3A_1069 = arith.addi %mul3A_1067, %add3A_1068 : i32
        %swap3A_1070 = arith.index_cast %add3A_1069 : i32 to index
        %swap3A_1071 = tpu.vector_load %arg13[%swap3A_1070] {strides = array<i32>} : memref<8192xf32, #tpu.memory_space<vmem>>, vector<16xf32>,
        tpu.vector_store %arg13[%swap3A_1070], %add3A_1046 {strides = array<i32>} : memref<8192xf32, #tpu.memory_space<vmem>>, vector<16xf32>,
        %mul3A_1072 = arith.constant 2 : i32
        %mul3A_1073 = arith.muli %scan3A_639, %mul3A_1072 : i32
        %add3A_1074 = arith.constant 1 : i32
        %add3A_1075 = arith.addi %mul3A_1073, %add3A_1074 : i32
        %mul3A_1076 = arith.constant 64 : i32
        %mul3A_1077 = arith.muli %add3A_1075, %mul3A_1076 : i32
        %add3A_1078 = arith.constant 16 : i32
        %add3A_1079 = arith.addi %mul3A_1077, %add3A_1078 : i32
        %swap3A_1080 = arith.index_cast %add3A_1079 : i32 to index
        %swap3A_1081 = tpu.vector_load %arg13[%swap3A_1080] {strides = array<i32>} : memref<8192xf32, #tpu.memory_space<vmem>>, vector<16xf32>,
        tpu.vector_store %arg13[%swap3A_1080], %add3A_1051 {strides = array<i32>} : memref<8192xf32, #tpu.memory_space<vmem>>, vector<16xf32>,
        %mul3A_1082 = arith.constant 2 : i32
        %mul3A_1083 = arith.muli %scan3A_639, %mul3A_1082 : i32
        %add3A_1084 = arith.constant 1 : i32
        %add3A_1085 = arith.addi %mul3A_1083, %add3A_1084 : i32
        %mul3A_1086 = arith.constant 64 : i32
        %mul3A_1087 = arith.muli %add3A_1085, %mul3A_1086 : i32
        %add3A_1088 = arith.constant 32 : i32
        %add3A_1089 = arith.addi %mul3A_1087, %add3A_1088 : i32
        %swap3A_1090 = arith.index_cast %add3A_1089 : i32 to index
        %swap3A_1091 = tpu.vector_load %arg13[%swap3A_1090] {strides = array<i32>} : memref<8192xf32, #tpu.memory_space<vmem>>, vector<16xf32>,
        tpu.vector_store %arg13[%swap3A_1090], %add3A_1056 {strides = array<i32>} : memref<8192xf32, #tpu.memory_space<vmem>>, vector<16xf32>,
        %mul3A_1092 = arith.constant 2 : i32
        %mul3A_1093 = arith.muli %scan3A_639, %mul3A_1092 : i32
        %add3A_1094 = arith.constant 1 : i32
        %add3A_1095 = arith.addi %mul3A_1093, %add3A_1094 : i32
        %mul3A_1096 = arith.constant 64 : i32
        %mul3A_1097 = arith.muli %add3A_1095, %mul3A_1096 : i32
        %add3A_1098 = arith.constant 48 : i32
        %add3A_1099 = arith.addi %mul3A_1097, %add3A_1098 : i32
        %swap3A_1100 = arith.index_cast %add3A_1099 : i32 to index
        %swap3A_1101 = tpu.vector_load %arg13[%swap3A_1100] {strides = array<i32>} : memref<8192xf32, #tpu.memory_space<vmem>>, vector<16xf32>,
        tpu.vector_store %arg13[%swap3A_1100], %add3A_1061 {strides = array<i32>} : memref<8192xf32, #tpu.memory_space<vmem>>, vector<16xf32>,
      }
      %scan3A_161 = arith.constant 64 : i32
      %mul3A_162 = arith.constant 1048576 : i32
      %mul3A_163 = arith.muli %select_n3A_11, %mul3A_162 : i32
      %mul3A_164 = arith.constant 128 : i32
      %mul3A_165 = arith.muli %add3A_143, %mul3A_164 : i32
      %add3A_166 = arith.addi %add3A_37, %mul3A_165 : i32
      %mul3A_167 = arith.constant 64 : i32
      %mul3A_168 = arith.muli %add3A_166, %mul3A_167 : i32
      %add3A_169 = arith.addi %mul3A_163, %mul3A_168 : i32
      %dma_start3A_170 = tpu.memref_slice %arg4[%add3A_169] : memref<4194304xf32, #tpu.memory_space<hbm>> -> memref<8192xf32, #tpu.memory_space<hbm>>
      %dma_start3A_171 = tpu.memref_slice %arg4[%add3A_169] : memref<4194304xf32, #tpu.memory_space<hbm>> -> memref<8192xf32, #tpu.memory_space<hbm>>
      tpu.enqueue_dma source(%arg13 : memref<8192xf32, #tpu.memory_space<vmem>>) target(%dma_start3A_171 : memref<8192xf32, #tpu.memory_space<hbm>>) target_semaphore(%arg20 : memref<!tpu.dma_semaphore, #tpu.memory_space<semaphore_mem>>)
      %add3A_172 = arith.constant 2 : i32
      %add3A_173 = arith.addi %add3A_143, %add3A_172 : i32
      %lt3A_174 = arith.constant 16 : i32
      %lt3A_175 = arith.cmpi slt, %add3A_173, %lt3A_174 : i32
      %convert_element_type3A_176 = arith.extui %lt3A_175 : i1 to i32
      %cond3A_177 = arith.constant 0 : i32
      %cond3A_178 = arith.cmpi ne, %convert_element_type3A_176, %cond3A_177 : i32
      scf.if %cond3A_178 {
        %add3A_179 = arith.constant 2 : i32
        %add3A_180 = arith.addi %add3A_143, %add3A_179 : i32
        %mul3A_181 = arith.constant 128 : i32
        %mul3A_182 = arith.muli %add3A_180, %mul3A_181 : i32
        %add3A_183 = arith.addi %add3A_37, %mul3A_182 : i32
        %mul3A_184 = arith.constant 8 : i32
        %mul3A_185 = arith.muli %add3A_183, %mul3A_184 : i32
        %dma_start3A_186 = tpu.memref_slice %arg5[%mul3A_185] : memref<131072xi32, #tpu.memory_space<hbm>> -> memref<1024xi32, #tpu.memory_space<hbm>>
        %dma_start3A_187 = tpu.memref_slice %arg5[%mul3A_185] : memref<131072xi32, #tpu.memory_space<hbm>> -> memref<1024xi32, #tpu.memory_space<hbm>>
        tpu.enqueue_dma source(%dma_start3A_187 : memref<1024xi32, #tpu.memory_space<hbm>>) target(%arg11 : memref<1024xi32, #tpu.memory_space<vmem>>) target_semaphore(%arg18 : memref<!tpu.dma_semaphore, #tpu.memory_space<semaphore_mem>>)
      } else {
      }
    }
    %scan3A_84 = arith.constant 8 : i32
    %mul3A_85 = arith.constant 1048576 : i32
    %mul3A_86 = arith.muli %select_n3A_11, %mul3A_85 : i32
    %add3A_87 = arith.constant 1792 : i32
    %add3A_88 = arith.addi %add3A_37, %add3A_87 : i32
    %mul3A_89 = arith.constant 64 : i32
    %mul3A_90 = arith.muli %add3A_88, %mul3A_89 : i32
    %add3A_91 = arith.addi %mul3A_86, %mul3A_90 : i32
    %dma_wait3A_92 = tpu.memref_slice %arg4[%add3A_91] : memref<4194304xf32, #tpu.memory_space<hbm>> -> memref<8192xf32, #tpu.memory_space<hbm>>
    %dma_wait3A_93 = tpu.memref_slice %arg4[%add3A_91] : memref<4194304xf32, #tpu.memory_space<hbm>> -> memref<8192xf32, #tpu.memory_space<hbm>>
    tpu.wait_dma2 semaphore(%arg19 : memref<!tpu.dma_semaphore, #tpu.memory_space<semaphore_mem>>) src(%arg12 : memref<8192xf32, #tpu.memory_space<vmem>>) dst(%dma_wait3A_93 : memref<8192xf32, #tpu.memory_space<hbm>>)
    %mul3A_94 = arith.constant 1048576 : i32
    %mul3A_95 = arith.muli %select_n3A_11, %mul3A_94 : i32
    %add3A_96 = arith.constant 1920 : i32
    %add3A_97 = arith.addi %add3A_37, %add3A_96 : i32
    %mul3A_98 = arith.constant 64 : i32
    %mul3A_99 = arith.muli %add3A_97, %mul3A_98 : i32
    %add3A_100 = arith.addi %mul3A_95, %mul3A_99 : i32
    %dma_wait3A_101 = tpu.memref_slice %arg4[%add3A_100] : memref<4194304xf32, #tpu.memory_space<hbm>> -> memref<8192xf32, #tpu.memory_space<hbm>>
    %dma_wait3A_102 = tpu.memref_slice %arg4[%add3A_100] : memref<4194304xf32, #tpu.memory_space<hbm>> -> memref<8192xf32, #tpu.memory_space<hbm>>
    tpu.wait_dma2 semaphore(%arg20 : memref<!tpu.dma_semaphore, #tpu.memory_space<semaphore_mem>>) src(%arg13 : memref<8192xf32, #tpu.memory_space<vmem>>) dst(%dma_wait3A_102 : memref<8192xf32, #tpu.memory_space<hbm>>)
    return
  }
}

module attributes {stable_mosaic.version = 14 : i64} {
  func.func @_asm_body(%arg0: i32, %arg1: memref<4x1024x64xf32, #tpu.memory_space<vmem>>, %arg2: memref<1024x256xf32, #tpu.memory_space<vmem>>) attributes {dimension_semantics = [#tpu.dimension_semantics<arbitrary>], iteration_bounds = array<i64: 16>, scalar_prefetch = 0 : i64, scratch_operands = 0 : i64, tpu.core_type = #tpu.core_type<tc>, window_params = [{transform_indices = @transform_0, window_bounds = array<i64: 4, 1024, 64>}, {transform_indices = @transform_1, window_bounds = array<i64: 1024, 256>}]} {
    %get3A = arith.constant 0 : index
    %get3A_0 = arith.constant 0 : index
    %get3A_1 = arith.constant 0 : index
    %get3A_2 = vector.load %arg1[%get3A, %get3A_0, %get3A_1] : memref<4x1024x64xf32, #tpu.memory_space<vmem>>, vector<1x1024x64xf32>
    %get3A_3 = vector.shape_cast %get3A_2 : vector<1x1024x64xf32> to vector<1024x64xf32>
    %get3A_4 = arith.constant 1 : index
    %get3A_5 = arith.constant 0 : index
    %get3A_6 = arith.constant 0 : index
    %get3A_7 = vector.load %arg1[%get3A_4, %get3A_5, %get3A_6] : memref<4x1024x64xf32, #tpu.memory_space<vmem>>, vector<1x1024x64xf32>
    %get3A_8 = vector.shape_cast %get3A_7 : vector<1x1024x64xf32> to vector<1024x64xf32>
    %get3A_9 = arith.constant 2 : index
    %get3A_10 = arith.constant 0 : index
    %get3A_11 = arith.constant 0 : index
    %get3A_12 = vector.load %arg1[%get3A_9, %get3A_10, %get3A_11] : memref<4x1024x64xf32, #tpu.memory_space<vmem>>, vector<1x1024x64xf32>
    %get3A_13 = vector.shape_cast %get3A_12 : vector<1x1024x64xf32> to vector<1024x64xf32>
    %get3A_14 = arith.constant 3 : index
    %get3A_15 = arith.constant 0 : index
    %get3A_16 = arith.constant 0 : index
    %get3A_17 = vector.load %arg1[%get3A_14, %get3A_15, %get3A_16] : memref<4x1024x64xf32, #tpu.memory_space<vmem>>, vector<1x1024x64xf32>
    %get3A_18 = vector.shape_cast %get3A_17 : vector<1x1024x64xf32> to vector<1024x64xf32>
    %concatenate3A = tpu.concatenate %get3A_3, %get3A_8, %get3A_13, %get3A_18 in 1 : vector<1024x64xf32>, vector<1024x64xf32>, vector<1024x64xf32>, vector<1024x64xf32> -> vector<1024x256xf32>
    %swap3A = arith.constant 0 : index
    %swap3A_19 = arith.constant 0 : index
    %swap3A_20 = vector.load %arg2[%swap3A, %swap3A_19] : memref<1024x256xf32, #tpu.memory_space<vmem>>, vector<1024x256xf32>
    tpu.vector_store %arg2[%swap3A, %swap3A_19], %concatenate3A {strides = array<i32>} : memref<1024x256xf32, #tpu.memory_space<vmem>>, vector<1024x256xf32>,
    return
  }
  func.func @transform_0(%arg0: i32) -> (i32, i32, i32) {
    %c0_i32 = arith.constant 0 : i32
    %c0_i32_0 = arith.constant 0 : i32
    %c0_i32_1 = arith.constant 0 : i32
    return %c0_i32, %arg0, %c0_i32_0 : i32, i32, i32
  }
  func.func @transform_1(%arg0: i32) -> (i32, i32) {
    %c0_i32 = arith.constant 0 : i32
    %c0_i32_0 = arith.constant 0 : i32
    return %arg0, %c0_i32 : i32, i32
  }
}

module attributes {stable_mosaic.version = 14 : i64} {
  func.func @_prep_body(%arg0: memref<256x1024xf32, #tpu.memory_space<vmem>>, %arg1: memref<4x1024x64xf32, #tpu.memory_space<vmem>>) attributes {dimension_semantics = [], scalar_prefetch = 0 : i64, scratch_operands = 0 : i64, tpu.core_type = #tpu.core_type<tc>} {
    %get3A = arith.constant 0 : index
    %get3A_0 = arith.constant 0 : index
    %get3A_1 = vector.load %arg0[%get3A, %get3A_0] : memref<256x1024xf32, #tpu.memory_space<vmem>>, vector<64x1024xf32>
    %transpose3A = tpu.transpose %get3A_1, [1, 0] : vector<64x1024xf32> -> vector<1024x64xf32>
    %swap3A = arith.constant 0 : index
    %swap3A_2 = arith.constant 0 : index
    %swap3A_3 = arith.constant 0 : index
    %swap3A_4 = vector.load %arg1[%swap3A, %swap3A_2, %swap3A_3] : memref<4x1024x64xf32, #tpu.memory_space<vmem>>, vector<1x1024x64xf32>
    %swap3A_5 = vector.shape_cast %swap3A_4 : vector<1x1024x64xf32> to vector<1024x64xf32>
    %swap3A_6 = vector.shape_cast %transpose3A : vector<1024x64xf32> to vector<1x1024x64xf32>
    tpu.vector_store %arg1[%swap3A, %swap3A_2, %swap3A_3], %swap3A_6 {strides = array<i32>} : memref<4x1024x64xf32, #tpu.memory_space<vmem>>, vector<1x1024x64xf32>,
    %get3A_7 = arith.constant 64 : index
    %get3A_8 = arith.constant 0 : index
    %get3A_9 = vector.load %arg0[%get3A_7, %get3A_8] : memref<256x1024xf32, #tpu.memory_space<vmem>>, vector<64x1024xf32>
    %transpose3A_10 = tpu.transpose %get3A_9, [1, 0] : vector<64x1024xf32> -> vector<1024x64xf32>
    %swap3A_11 = arith.constant 1 : index
    %swap3A_12 = arith.constant 0 : index
    %swap3A_13 = arith.constant 0 : index
    %swap3A_14 = vector.load %arg1[%swap3A_11, %swap3A_12, %swap3A_13] : memref<4x1024x64xf32, #tpu.memory_space<vmem>>, vector<1x1024x64xf32>
    %swap3A_15 = vector.shape_cast %swap3A_14 : vector<1x1024x64xf32> to vector<1024x64xf32>
    %swap3A_16 = vector.shape_cast %transpose3A_10 : vector<1024x64xf32> to vector<1x1024x64xf32>
    tpu.vector_store %arg1[%swap3A_11, %swap3A_12, %swap3A_13], %swap3A_16 {strides = array<i32>} : memref<4x1024x64xf32, #tpu.memory_space<vmem>>, vector<1x1024x64xf32>,
    %get3A_17 = arith.constant 128 : index
    %get3A_18 = arith.constant 0 : index
    %get3A_19 = vector.load %arg0[%get3A_17, %get3A_18] : memref<256x1024xf32, #tpu.memory_space<vmem>>, vector<64x1024xf32>
    %transpose3A_20 = tpu.transpose %get3A_19, [1, 0] : vector<64x1024xf32> -> vector<1024x64xf32>
    %swap3A_21 = arith.constant 2 : index
    %swap3A_22 = arith.constant 0 : index
    %swap3A_23 = arith.constant 0 : index
    %swap3A_24 = vector.load %arg1[%swap3A_21, %swap3A_22, %swap3A_23] : memref<4x1024x64xf32, #tpu.memory_space<vmem>>, vector<1x1024x64xf32>
    %swap3A_25 = vector.shape_cast %swap3A_24 : vector<1x1024x64xf32> to vector<1024x64xf32>
    %swap3A_26 = vector.shape_cast %transpose3A_20 : vector<1024x64xf32> to vector<1x1024x64xf32>
    tpu.vector_store %arg1[%swap3A_21, %swap3A_22, %swap3A_23], %swap3A_26 {strides = array<i32>} : memref<4x1024x64xf32, #tpu.memory_space<vmem>>, vector<1x1024x64xf32>,
    %get3A_27 = arith.constant 192 : index
    %get3A_28 = arith.constant 0 : index
    %get3A_29 = vector.load %arg0[%get3A_27, %get3A_28] : memref<256x1024xf32, #tpu.memory_space<vmem>>, vector<64x1024xf32>
    %transpose3A_30 = tpu.transpose %get3A_29, [1, 0] : vector<64x1024xf32> -> vector<1024x64xf32>
    %swap3A_31 = arith.constant 3 : index
    %swap3A_32 = arith.constant 0 : index
    %swap3A_33 = arith.constant 0 : index
    %swap3A_34 = vector.load %arg1[%swap3A_31, %swap3A_32, %swap3A_33] : memref<4x1024x64xf32, #tpu.memory_space<vmem>>, vector<1x1024x64xf32>
    %swap3A_35 = vector.shape_cast %swap3A_34 : vector<1x1024x64xf32> to vector<1024x64xf32>
    %swap3A_36 = vector.shape_cast %transpose3A_30 : vector<1024x64xf32> to vector<1x1024x64xf32>
    tpu.vector_store %arg1[%swap3A_31, %swap3A_32, %swap3A_33], %swap3A_36 {strides = array<i32>} : memref<4x1024x64xf32, #tpu.memory_space<vmem>>, vector<1x1024x64xf32>,
    return
  }
}

</mosaic_0001>

<sc_bundles>
// kernel: kernel.5.cloned.1.call-start
scs
__scs_entry_jumppad:
0x0: {  	(pc) =	sbr.rel $0x88, $3  }
0x1: {  	(tag) =	ssettag $0x0;
	lr =	simm.s32 $0x1  }
0x2: {  	[smem:$0x3F9F] =	sst lr;
	_ =	strace $0xD0000000  }
0x3: {  	_ = 	snop  }
0x4: {  	_ = 	snop  }
0x5: {  	_ = 	snop  }
0x6: {  	_ = 	snop  }
0x7: {  	_ = 	snop  }
__scs_overlays_trampoline_lowered:
0x8: {  	[smem:$0x3FAE] =	sst s0  }
0x9: {  	[smem:$0x3FAF] =	sst s1  }
0xa: {  	[smem:$0x3FB0] =	sst s2  }
0xb: {  	[smem:$0x3FB1] =	sst s3  }
0xc: {  	[smem:$0x3FB2] =	sst s4  }
0xd: {  	[smem:$0x3FB3] =	sst s5  }
0xe: {  	[smem:$0x3FB4] =	sst s6  }
0xf: {  	[smem:$0x3FB5] =	sst s7  }
0x10: {  	[smem:$0x3FB6] =	sst s8  }
0x11: {  	[smem:$0x3FB7] =	sst s9;
	s0 =	simm.s32 @!p0 $0x0  }
0x12: {  	s1 =	sld [smem:$0x3F9D];
	s0 =	simm.s32 @p0 $0x1  }
0x13: {  	[smem:$0x3FB8] =	sst s0;
	s0 =	simm.s32 @!p1 $0x0  }
0x14: {  	s2 =	sld [smem:$0x3F9C];
	s0 =	simm.s32 @p1 $0x1  }
0x15: {  	[smem:$0x3FB9] =	sst s0;
	s0 =	simm.s32 @!p2 $0x0  }
0x16: {  	s3 =	sld [smem:$0x3FDB];
	s0 =	simm.s32 @p2 $0x1  }
0x17: {  	s4 =	simm.s32 $0x1BF5;
	[smem:$0x3FBB] =	sst s0  }
0x18: {  	s0 =	sld [smem:$0x3F9E];
	_ =	swait.ge [sflag:s4], $0x0  }
0x19: {  	s7 =	sld [smem:$0x3F9F]  }
0x1a: {  	s8 =	sadd.s32 $0xFFFFE003, lr  }
0x1b: {  	s9 =	sadd.s32 $0xFFFFFEF7, lr;
	s5 =	simm.s32 $0xFFFFFFFF;
	p2 =	slt.u32 s8, $0xFFFFF086  }
0x1c: {  	p1 =	slt.u32 s9, $0xF7A;
	s5 =	simm.s32 @!p2 $0x0  }
0x1d: {  	s5 =	simm.s32 @p1 $0x1;
	p0 =	seq.s32 s7, s2  }
0x1e: {  	s7 =	smul.u32 @!p0 $0xF7A, s2;
	p2 =	seq.s32 @!p0 s5, $0x0  }
0x1f: {  	s9 =	smul.u32 $0xF7A, s1;
	s8 =	simm.s32 @!p0 $0x1BF5;
	p2 =	por !p2, p0  }
0x20: {  	[sflag:s8] =	ssyncset.s32 @!p0 $0xFFFFF086;
	s6 =	sadd.s32 @!p0 s3, s7;
	s7 =	simm.s32 @!p0 $0x108  }
0x21: {  	s3 =	sadd.s32 s3, s9;
	s6 =	sadd.s32 @!p0 $0x88, s6;
	s7 =	simm.s32 @p2 $0x1082  }
0x22: {  	[simem:s7], [sflag:s8] =	dma.local @!p0 [hbm:s6], $0xF7A  }
0x23: {  	s9 =	sor.u32 $0xD0000000, s2;
	s6 =	simm.s32 $0x108;
	_ =	swait.ge @!p0 [sflag:s8], $0x0  }
0x24: {  	s3 =	sadd.s32 $0x88, s3;
	s6 =	simm.s32 @!p1 $0x1082;
	[sflag:s4] =	ssyncset.s32 $0xFFFFF086  }
0x25: {  	[simem:s6], [sflag:s4] =	dma.local [hbm:s3], $0xF7A  }
0x26: {  	[smem:$0x3F9F] =	sst s1;
	(tag) =	ssettag s2;
	_ =	strace s9  }
0x27: {  	s1 =	sld [smem:$0x3FAF]  }
0x28: {  	s2 =	sld [smem:$0x3FB0]  }
0x29: {  	s4 =	sld [smem:$0x3FB2]  }
0x2a: {  	p0 =	seq.s32 s5, $0x0;
	s5 =	sld [smem:$0x3FB3]  }
0x2b: {  	s6 =	sld [smem:$0x3FB4]  }
0x2c: {  	s7 =	sld [smem:$0x3FB5]  }
0x2d: {  	s3 =	simm.s32 $0x108;
	s8 =	sld [smem:$0x3FB6]  }
0x2e: {  	s3 =	simm.s32 @!p0 $0x1082;
	s9 =	sld [smem:$0x3FB7]  }
0x2f: {  	lr =	sadd.s32 s0, s3;
	s0 =	sld [smem:$0x3FAE]  }
0x30: {  	s3 =	sld [smem:$0x3FB1]  }
0x31: {  	[smem:$0x3FBA] =	sst s10  }
0x32: {  	s10 =	sld [smem:$0x3FB8];
	_ =	sdelay $0x3  }
0x33: {  	p0 =	seq.s32 s10, $0x1;
	s10 =	sld [smem:$0x3FBA];
	_ =	sdelay $0x3  }
0x34: {  	[smem:$0x3FBA] =	sst s10  }
0x35: {  	s10 =	sld [smem:$0x3FB9];
	_ =	sdelay $0x3  }
0x36: {  	p1 =	seq.s32 s10, $0x1;
	s10 =	sld [smem:$0x3FBA];
	_ =	sdelay $0x3  }
0x37: {  	[smem:$0x3FBA] =	sst s10  }
0x38: {  	s10 =	sld [smem:$0x3FBB]  }
0x39: {  	_ = 	snop;
	(pc) =	sbr.ind lr, $3  }
0x3a: {  	_ = 	snop  }
0x3b: {  	_ = 	snop  }
0x3c: {  	p2 =	seq.s32 s10, $0x1;
	s10 =	sld [smem:$0x3FBA]  }
0x3d: {  	_ =	shalt  }
0x3e: {  	_ =	shalt  }
0x3f: {  	_ =	shalt  }
0x40: {  	_ =	shalt  }
0x41: {  	_ =	shalt  }
0x42: {  	_ =	shalt  }
0x43: {  	_ =	shalt  }
0x44: {  	_ =	shalt  }
0x45: {  	_ =	shalt  }
0x46: {  	_ =	shalt  }
0x47: {  	_ =	shalt  }
0x48: {  	_ =	shalt  }
0x49: {  	_ =	shalt  }
0x4a: {  	_ =	shalt  }
0x4b: {  	_ =	shalt  }
0x4c: {  	_ =	shalt  }
0x4d: {  	_ =	shalt  }
0x4e: {  	_ =	shalt  }
0x4f: {  	_ =	shalt  }
0x50: {  	_ =	shalt  }
0x51: {  	_ =	shalt  }
0x52: {  	_ =	shalt  }
0x53: {  	_ =	shalt  }
0x54: {  	_ =	shalt  }
0x55: {  	_ =	shalt  }
0x56: {  	_ =	shalt  }
0x57: {  	_ =	shalt  }
0x58: {  	_ =	shalt  }
0x59: {  	_ =	shalt  }
0x5a: {  	_ =	shalt  }
0x5b: {  	_ =	shalt  }
0x5c: {  	_ =	shalt  }
0x5d: {  	_ =	shalt  }
0x5e: {  	_ =	shalt  }
0x5f: {  	_ =	shalt  }
0x60: {  	_ =	shalt  }
0x61: {  	_ =	shalt  }
0x62: {  	_ =	shalt  }
0x63: {  	_ =	shalt  }
0x64: {  	_ =	shalt  }
0x65: {  	_ =	shalt  }
0x66: {  	_ =	shalt  }
0x67: {  	_ =	shalt  }
0x68: {  	_ =	shalt  }
0x69: {  	_ =	shalt  }
0x6a: {  	_ =	shalt  }
0x6b: {  	_ =	shalt  }
0x6c: {  	_ =	shalt  }
0x6d: {  	_ =	shalt  }
0x6e: {  	_ =	shalt  }
0x6f: {  	_ =	shalt  }
0x70: {  	_ =	shalt  }
0x71: {  	_ =	shalt  }
0x72: {  	_ =	shalt  }
0x73: {  	_ =	shalt  }
0x74: {  	_ =	shalt  }
0x75: {  	_ =	shalt  }
0x76: {  	_ =	shalt  }
0x77: {  	_ =	shalt  }
0x78: {  	_ =	shalt  }
0x79: {  	_ =	shalt  }
0x7a: {  	_ =	shalt  }
0x7b: {  	_ =	shalt  }
0x7c: {  	_ =	shalt  }
0x7d: {  	_ =	shalt  }
0x7e: {  	_ =	shalt  }
0x7f: {  	_ =	shalt  }
0x80: {  	_ =	shalt  }
0x81: {  	_ =	shalt  }
0x82: {  	_ =	shalt  }
0x83: {  	_ =	shalt  }
0x84: {  	_ =	shalt  }
0x85: {  	_ =	shalt  }
0x86: {  	_ =	shalt  }
0x87: {  	_ =	shalt  }
.Lfunc_end0:
.L_simem_size_0:
called_computation_lowered:
.L_overlay_start_0:
0x88: {  	s2 =	sld [smem:$0x3FD9]  }
0x89: {  	s3 =	sld [smem:$0x3FFE];
	_ =	sdelay $0x1  }
0x8a: {  	s1 =	srdreg.scid  }
0x8b: {  	s0 =	sand.u32 $0x1, s1  }
0x8c: {  	s17 =	sshll.u32 s0, $0xA;
	s2 =	sadd.s32 s3, s2  }
0x8d: {  	s2 =	sadd.s32 s2, s17  }
0x8e: {  	[smem:$0x3FC6] =	sst s2  }
0x8f: {  	_ = 	snop  }
0x90: {  	s2 =	sld [smem:$0x3FC9]  }
0x91: {  	s18 =	sld [smem:$0x3FD0];
	(tm) =	ssettm $0x1  }
0x92: {  	s4 =	sld [smem:$0x3FFB];
	_ =	sdelay $0x3  }
0x93: {  	_ =	strace s4  }
0x94: {  	s4 =	sld [smem:$0x3FFC];
	_ =	sdelay $0x3  }
0x95: {  	_ =	strace s4  }
0x96: {  	s4 =	sld [smem:$0x3FFD];
	_ =	sdelay $0x3  }
0x97: {  	_ =	strace s4  }
0x98: {  	_ =	strace $0x8FFFFFFF  }
0x99: {  	s19 =	sld [smem:$0x3FDB];
	_ =	sdelay $0x1  }
0x9a: {  	s5 =	simm.s32 $_scs_section_size  }
0x9b: {  	s6 =	simm.s32 $_size__tile_overlayer_lowered;
	s7 =	simm.s32 $_tile_overlayer_lowered  }
0x9c: {  	s22 =	simm.s32 $0x1BFF;
	s21 =	sshll.u32 s7, $0x1;
	s4 =	sadd.s32 s5, s19  }
0x9d: {  	s8 =	simm.s32 $0x0;
	s20 =	sshll.u32 s6, $0x1;
	s6 =	sadd.s32 s21, s4  }
0x9e: {  	[timem:s8], [sflag:s22] =	dma.local [hbm:s6], s20  }
0x9f: {  	_ =	swait.ge [sflag:s22], s20  }
0xa0: {  	s5 =	ssub.s32 $0x0, s20;
	[sflag:s22] =	ssyncset.done $0x0  }
0xa1: {  	[sflag:s22] =	ssyncadd.s32 s5;
	_ =	sdelay $0x1  }
0xa2: {  	s23 =	simm.s32 $0x1B8B  }
0xa3: {  	_ =	swait.ge [sflag:s23], $0x1  }
0xa4: {  	[sflag:s23] =	ssyncset.done $0x0  }
0xa5: {  	s25 =	simm.s32 $0x1B8E;
	s24 =	sld [smem:$0x3FFE];
	[sflag:s23] =	ssyncadd.s32 $0xFFFFFFFF  }
0xa6: {  	s26 =	simm.s32 $execute0_lowered;
	[smem:$0x3FD2] =	sst s25  }
0xa7: {  	s6 =	sshll.u32 s26, $0x1;
	_ =	strace $0x80000046;
	[dreg:$0x1] =	wrdreg $0xFFFFFFFF  }
0xa8: {  	s28 =	simm.s32 $_size_execute0_lowered;
	s4 =	sadd.s32 s4, s6;
	[dreg:$0x0] =	wrdreg $0x0  }
0xa9: {  	s6 =	sshll.u32 s28, $0x1;
	[dreg:$0x2] =	wrdreg s4  }
0xaa: {  	[dreg:$0x3] =	wrdreg s6  }
0xab: {  	[dreg:$0x4] =	wrdreg $0xC0  }
0xac: {  	_ =	task [dreg:s8], $0x5FFFF  }
0xad: {  	[dreg:$0x1] =	wrdreg $0xFFFFFFFF  }
0xae: {  	[dreg:$0x0] =	wrdreg $0x60  }
0xaf: {  	[dreg:$0x2] =	wrdreg s2  }
0xb0: {  	[dreg:$0x3] =	wrdreg s24  }
0xb1: {  	[dreg:$0x4] =	wrdreg s18  }
0xb2: {  	[dreg:$0x5] =	wrdreg $0x9  }
0xb3: {  	_ =	task.clear_ibuf [dreg:s8], $0x6FFFF;
	_ =	strace $0x90000046  }
0xb4: {  	s29 =	simm.s32 $0x9;
	_ =	strace $0x80000048  }
0xb5: {  	_ =	swait.ge [sflag:s29], $0x1  }
0xb6: {  	[sflag:s29] =	ssyncadd.s32 $0xFFFFFFFF  }
0xb7: {  	_ =	strace $0x90000048  }
0xb8: {  	_ =	sfence  }
0xb9: {  	s30 =	sld [smem:$0x0];
	_ =	sdelay $0x2  }
0xba: {  	s31 =	sshll.u32 s1, $0xD;
	s1 =	sshrl.u32 s1, $0x2  }
0xbb: {  	s3 =	sand.u32 $0x4000, s31;
	s1 =	sadd.s32 s1, s30  }
0xbc: {  	s0 =	sor.u32 s3, s0;
	s1 =	sshll.u32 s1, $0x11  }
0xbd: {  	s0 =	sor.u32 s1, s0  }
0xbe: {  	s0 =	sadd.s32 $0x8F2B, s0  }
0xbf: {  	[sflag:s0] =	ssyncadd.remote.s32 $0x1  }
0xc0: {  	_ =	sfence.sel $0xFFFF  }
0xc1: {  	[dreg:$0x0] =	wrdreg $0xFFFFFFFF;
	(pc) =	sbr.abs _section_cstart, $3  }
0xc2: {  	[dreg:$0x1] =	wrdreg $0xFFFFFFFF  }
0xc3: {  	_ =	task.clear_ibuf [dreg:s8], $0x2FFFF;
	_ =	strace $0x9FFFFFFF  }
0xc4: {  	(tm) =	ssettm $0x7FFFFFFF  }
0xc5: {  	_ =	shalt  }
tec
execute0_lowered:
.L_overlay_start_1:
0x0: {  	(tag) =	ssettag $0x1  }
0x1: {  	s1 =	rddreg [dreg:$0x0]  }
0x2: {  	s0 =	rddreg [dreg:$0x1]  }
0x3: {  	s3 =	rddreg [dreg:$0x2];
	s4 =	simm.s32 $0x0;
	s8 =	stileid.u32  }
0x4: {  	s5 =	srdreg.scid;
	s21 =	simm.s32 $0x1;
	s22 =	simm.s32 $0x14000  }
0x5: {  	s31 =	simm.s32 $0x2;
	s14 =	simm.s32 $0x14070;
	s18 =	simm.s32 $0x14078  }
0x6: {  	[smem:$0x7FF] =	sst s4;
	s2 =	sand.u32 $0x3, s8;
	s5 =	sand.u32 $0x1, s5  }
0x7: {  	s8 =	sshll.u32 s8, $0x9;
	_ =	strace $0x80000047;
	s6 =	sshll.u32 s2, $0xD  }
0x8: {  	s7 =	sshll.u32 s5, $0xD;
	s5 =	ssub.s32 $0x2, s5;
	s13 =	sshll.u32 s2, $0x14  }
0x9: {  	s6 =	sadd.s32 s6, s0;
	s0 =	sadd.s32 $0x8A00, s0;
	s11 =	sor.u32 s8, s7  }
0xa: {  	s9 =	sshrl.u32 s5, $0x1;
	s8 =	sand.u32 $0x1800, s8;
	s10 =	sshll.u32 s11, $0x7  }
0xb: {  	s12 =	ssub.s32 s5, s9;
	s5 =	sor.u32 s7, s8;
	s6 =	sadd.s32 $0xA00, s6  }
0xc: {  	s25 =	sshrl.u32 s11, $0x3;
	s11 =	sadd.s32 s0, s11;
	s7 =	simm.s32 $0x0  }
0xd: {  	s23 =	sadd.s32 s1, s10;
	[dreg:$0x5] =	wrdreg s6;
	s9 =	sor.u32 $0x2, s25  }
0xe: {  	s10 =	sor.u32 $0x3, s25;
	s26 =	sadd.s32 s0, s5;
	s28 =	sshll.u32 s5, $0x6  }
0xf: {  	s30 =	smax.u32 s12, $0x1;
	s6 =	simm.s32 $0x8;
	s12 =	simm.s32 $0x14500  }
.Ltmp0:
0x10: {  	s25 =	simm.s32 $0x5;
	[dreg:$0x4] =	wrdreg s23;
	(pc) =	sbr.rel .LBB2_1-.Ltmp0, $4  }
0x11: {  	s24 =	sadd.s32 $0x400, s23;
	s29 =	sadd.s32 $0x80, s26;
	[dreg:$0x7] =	wrdreg s26  }
0x12: {  	s15 =	sor.u32 s13, s28;
	s16 =	sadd.s32 $0x100, s26;
	[dreg:$0x9] =	wrdreg s30  }
0x13: {  	s17 =	sadd.s32 $0x180, s26;
	s23 =	simm.s32 $0x4;
	[dreg:$0x6] =	wrdreg s24  }
0x14: {  	v0 =	vlaneseq.u32;
	s26 =	simm.s32 $0x16900;
	[dreg:$0x8] =	wrdreg s29;
	s24 =	simm.s32 $0x14900  }
.LBB2_14:
0x15: {  	s0 =	simm.s32 $0x6  }
0x16: {  	_ =	swait.ge [sflag:s0], $0x2000  }
0x17: {  	[sflag:s0] =	ssyncset.done $0x0  }
0x18: {  	s2 =	simm.s32 $0x7;
	[sflag:s0] =	ssyncadd.s32 $0xFFFFE000  }
0x19: {  	_ =	swait.ge [sflag:s2], $0x2000  }
0x1a: {  	s7 =	rddreg [dreg:$0xa]  }
0x1b: {  	s30 =	rddreg [dreg:$0x9];
	s7 =	sadd.s32 $0x1, s7  }
0x1c: {  	p0 =	sne.s32 s7, s30  }
.Ltmp1:
0x1d: {  	_ = 	snop;
	(pc) =	sbr.rel @!p0 .LBB2_15-.Ltmp1, $3  }
0x1e: {  	_ =	sdelay $0x1  }
0x1f: {  	[sflag:s2] =	ssyncset.done $0x0  }
0x20: {  	[sflag:s2] =	ssyncadd.s32 $0xFFFFE000  }
.LBB2_1:
0x21: {  	[dreg:$0xa] =	wrdreg s7  }
0x22: {  	s0 =	rddreg [dreg:$0x5]  }
0x23: {  	[tilespmem:s4], [sflag:$0x3] =	stream.linear.gather [hbm4b:s0+s4], $0x10000, $0x38;
	[tilespmem:$0x18900] =	vst v63  }
0x24: {  	s20 =	rddreg [dreg:$0x4];
	s2 =	simm.s32 $0x10000  }
0x25: {  	[tilespmem:s2], [sflag:$0x1] =	stream.linear.gather [hbm4b:s20+s4], $0x2000, $0x38;
	[tilespmem:$0x18900] =	vst v63  }
0x26: {  	s29 =	rddreg [dreg:$0x6];
	s30 =	simm.s32 $0x12000;
	s28 =	simm.s32 $0x0  }
0x27: {  	[tilespmem:s30], [sflag:$0x2] =	stream.linear.gather [hbm4b:s29+s4], $0x2000, $0x38;
	[tilespmem:$0x18900] =	vst v63  }
.LBB2_2:
0x28: {  	_ =	swait.ge [sflag:s21], $0x2000;
	s0 =	simm.s32 $0x0  }
0x29: {  	[sflag:s21] =	ssyncset.done $0x0;
	s2 =	sor.u32 s0, s0;
	s19 =	sand.u32 $0x70, s0  }
0x2a: {  	s29 =	sand.u32 $0x1C00, s0;
	[sflag:s21] =	ssyncadd.s32 $0xFFFFE000;
	s2 =	sor.u32 $0x380, s2  }
0x2b: {  	s29 =	sor.u32 s19, s29;
	v1 =	vld [tilespmem:s2+$0x10000]  }
0x2c: {  	v2 =	vld [tilespmem:s29+$0x10000]  }
0x2d: {  	v3 =	vld [tilespmem:s29+$0x10300]  }
0x2e: {  	v4 =	vld [tilespmem:s29+$0x10180]  }
0x2f: {  	v5 =	vor.u32 s0, v0  }
0x30: {  	(xrf1) =	vsort.ascd.msk.f32 $0xffff, v1, v5  }
0x31: {  	(xrf1) =	vsort.ascd.msk.f32 $0xffff, v2, v5  }
0x32: {  	(xrf1) =	vsort.ascd.msk.f32 $0xffff, v3, v5  }
0x33: {  	(xrf1) =	vsort.ascd.msk.f32 $0xffff, v4, v5;
	_ =	sdelay $0x3  }
0x34: {  	s8 =	simm.s32 $0x10;
	s20 =	simm.s32 $0x80  }
0x35: {  	s7 =	sor.u32 s20, s8  }
0x36: {  	s30 =	sand.u32 $0x70, s8;
	s0 =	sand.u32 $0x1C00, s20;
	s19 =	sor.u32 $0x380, s7;
	v1 =	vld [tilespmem:s29+$0x10100]  }
0x37: {  	s0 =	sor.u32 s30, s0;
	v2 =	vld [tilespmem:s19+$0x10000]  }
0x38: {  	v3 =	vld [tilespmem:s0+$0x10000]  }
0x39: {  	v4 =	vld [tilespmem:s0+$0x10300]  }
0x3a: {  	v6 =	vld [tilespmem:s0+$0x10180]  }
0x3b: {  	v11 =	vor.u32 s8, v0;
	v9 =	vld [tilespmem:s29+$0x10280];
	(xrf1) =	vsort.ascd.msk.f32 $0xffff, v1, v5;
	v1, v10, _ =	vpop (xrf1)  }
0x3c: {  	(xrf1) =	vsort.ascd.msk.f32 $0xffff, v2, v11;
	v8, v7, _ =	vpop (xrf1)  }
0x3d: {  	(xrf1) =	vsort.ascd.msk.f32 $0xffff, v3, v11;
	v14, v13, _ =	vpop (xrf1)  }
0x3e: {  	v15 =	vimm.f32 $-Inf;
	(xrf1) =	vsort.ascd.msk.f32 $0xffff, v4, v11;
	v2, v3, _ =	vpop (xrf1)  }
0x3f: {  	v17 =	vimm.s32 $0x0;
	(xrf1) =	vsort.ascd.msk.f32 $0xffff, v6, v11;
	vm0 =	vge.f32 v15, v2  }
0x40: {  	(xrf1) =	vsort.ascd.msk.f32 $0xffff, v9, v5;
	v2 =	vsel vm0, v15, v2;
	v3 =	vsel vm0, v17, v3  }
0x41: {  	v4 =	vld [tilespmem:s0+$0x10100];
	(xrf1) =	vsort.dscd.msk.f32 $0xffff, v2, v3;
	_ =	sdelay $0x1  }
0x42: {  	s8 =	simm.s32 $0x100;
	s2 =	simm.s32 $0x20  }
0x43: {  	s7 =	sor.u32 s8, s2  }
0x44: {  	s20 =	sand.u32 $0x70, s2;
	s30 =	sor.u32 $0x380, s7;
	s19 =	sand.u32 $0x1C00, s8;
	vm10 =	vge.f32 v15, v1;
	v2 =	vld [tilespmem:s29+$0x10200]  }
0x45: {  	s19 =	sor.u32 s20, s19;
	v1 =	vsel vm10, v15, v1;
	v3 =	vsel vm10, v17, v10;
	(xrf1) =	vsort.ascd.msk.f32 $0xffff, v4, v11;
	v4 =	vld [tilespmem:s30+$0x10000]  }
0x46: {  	(xrf1) =	vsort.dscd.msk.f32 $0xffff, v1, v3;
	v1 =	vld [tilespmem:s19+$0x10000]  }
0x47: {  	v3 =	vld [tilespmem:s29+$0x10080]  }
0x48: {  	v6, v9, _ =	vpop (xrf1);
	v10 =	vld [tilespmem:s19+$0x10300]  }
0x49: {  	v23 =	vor.u32 s2, v0;
	v12, v16, _ =	vpop (xrf1);
	(xrf1) =	vsort.ascd.msk.f32 $0xffff, v2, v5;
	v2 =	vld [tilespmem:s19+$0x10180]  }
0x4a: {  	v21, v18, _ =	vpop (xrf1);
	(xrf1) =	vsort.ascd.msk.f32 $0xffff, v4, v23  }
0x4b: {  	(xrf1) =	vsort.ascd.msk.f32 $0xffff, v1, v23;
	v1, v4, _ =	vpop (xrf1)  }
0x4c: {  	v20, v22, _ =	vpop (xrf1);
	(xrf1) =	vsort.ascd.msk.f32 $0xffff, v3, v5  }
0x4d: {  	v19 =	vld [tilespmem:s0+$0x10280];
	vm11 =	vge.f32 v15, v6;
	(xrf1) =	vsort.ascd.msk.f32 $0xffff, v10, v23;
	v3, v5, _ =	vpop (xrf1)  }
0x4e: {  	(xrf1) =	vsort.ascd.msk.f32 $0xffff, v2, v23;
	v2 =	vsel vm11, v15, v6;
	v6 =	vsel vm11, v17, v9;
	v9, v10, _ =	vpop (xrf1)  }
0x4f: {  	vm12 =	vge.f32 v9, v20  }
0x50: {  	(xrf1) =	vsort.dscd.msk.f32 $0xffff, v2, v6;
	v6 =	vsel vm12, v9, v20;
	v9 =	vsel vm12, v10, v22  }
0x51: {  	v2 =	vld [tilespmem:s19+$0x10100]  }
0x52: {  	(xrf1) =	vsort.ascd.msk.f32 $0xffff, v19, v11  }
0x53: {  	(xrf1) =	vsort.dscd.msk.f32 $0xffff, v6, v9;
	v9, v10, _ =	vpop (xrf1)  }
0x54: {  	v19, v20, _ =	vpop (xrf1)  }
0x55: {  	s8 =	simm.s32 $0x30;
	s30 =	simm.s32 $0x180;
	vm13 =	vge.f32 v19, v12  }
0x56: {  	s29 =	sor.u32 s30, s8;
	v6 =	vld [tilespmem:s0+$0x10200];
	(xrf1) =	vsort.ascd.msk.f32 $0xffff, v2, v23;
	v2 =	vsel vm13, v19, v12;
	v12 =	vsel vm13, v20, v16  }
0x57: {  	s29 =	sor.u32 $0x380, s29  }
0x58: {  	v24 =	vld [tilespmem:s29+$0x10000]  }
0x59: {  	vm14 =	vge.f32 v15, v3  }
0x5a: {  	s2 =	sand.u32 $0x1C00, s30;
	s29 =	sand.u32 $0x70, s8;
	v3 =	vsel vm14, v15, v3;
	(xrf1) =	vsort.dscd.msk.f32 $0xffff, v2, v12;
	v2, v12, _ =	vpop (xrf1)  }
0x5b: {  	s2 =	sor.u32 s29, s2;
	v5 =	vsel vm14, v17, v5;
	(xrf1) =	vsort.ascd.msk.f32 $0xffff, v6, v11;
	vm15 =	vge.f32 v15, v2  }
0x5c: {  	v22 =	vor.u32 s8, v0;
	v16 =	vld [tilespmem:s2+$0x10000];
	(xrf1) =	vsort.dscd.msk.f32 $0xffff, v3, v5;
	v2 =	vsel vm15, v15, v2  }
0x5d: {  	v6 =	vld [tilespmem:s0+$0x10080];
	(xrf1) =	vsort.ascd.msk.f32 $0xffff, v24, v22;
	v25, v26, _ =	vpop (xrf1);
	v3 =	vsel vm15, v17, v12  }
0x5e: {  	v5 =	vld [tilespmem:s2+$0x10300];
	v20, v19, _ =	vpop (xrf1);
	(xrf1) =	vsort.dscd.msk.f32 $0xffff, v2, v3  }
0x5f: {  	v12 =	vld [tilespmem:s2+$0x10180];
	v24, v27, _ =	vpop (xrf1)  }
0x60: {  	v3, v2, _ =	vpop (xrf1)  }
0x61: {  	(xrf1) =	vsort.ascd.msk.f32 $0xffff, v16, v22;
	v16, v29, _ =	vpop (xrf1)  }
0x62: {  	v28 =	vld [tilespmem:s19+$0x10280];
	(xrf1) =	vsort.ascd.msk.f32 $0xffff, v6, v11;
	v6, v11, _ =	vpop (xrf1)  }
0x63: {  	(xrf1) =	vsort.ascd.msk.f32 $0xffff, v5, v22;
	vm4 =	vge.f32 v6, v9  }
0x64: {  	(xrf1) =	vsort.ascd.msk.f32 $0xffff, v12, v22;
	v5, v30, _ =	vpop (xrf1);
	v6 =	vsel vm4, v6, v9;
	v9 =	vsel vm4, v11, v10  }
0x65: {  	v10, v11, _ =	vpop (xrf1);
	(xrf1) =	vsort.dscd.msk.f32 $0xffff, v6, v9;
	v6 =	vld [tilespmem:s2+$0x10100]  }
0x66: {  	vm6 =	vge.f32 v15, v24;
	vm5 =	vge.f32 v10, v16  }
0x67: {  	s7 =	simm.s32 $0x40;
	s8 =	simm.s32 $0x200;
	v9 =	vsel vm5, v10, v16;
	v10 =	vsel vm5, v11, v29;
	(xrf1) =	vsort.ascd.msk.f32 $0xffff, v28, v23;
	v11, v12, _ =	vpop (xrf1)  }
0x68: {  	s29 =	sor.u32 s8, s7;
	v16 =	vsel vm6, v17, v27;
	(xrf1) =	vsort.dscd.msk.f32 $0xffff, v9, v10;
	v9 =	vld [tilespmem:s19+$0x10200];
	v10 =	vsel vm6, v15, v24;
	v24, v27, _ =	vpop (xrf1)  }
0x69: {  	s29 =	sor.u32 $0x380, s29;
	(xrf1) =	vsort.dscd.msk.f32 $0xffff, v10, v16;
	vm7 =	vge.f32 v24, v25;
	v28, v29, _ =	vpop (xrf1)  }
0x6a: {  	s0 =	sand.u32 $0x1C00, s8;
	v16 =	vld [tilespmem:s29+$0x10000];
	s29 =	sand.u32 $0x70, s7;
	(xrf1) =	vsort.ascd.msk.f32 $0xffff, v6, v22;
	v6 =	vsel vm7, v24, v25;
	v24, v25, _ =	vpop (xrf1)  }
0x6b: {  	s0 =	sor.u32 s29, s0;
	v10 =	vsel vm7, v27, v26;
	v27, v31, _ =	vpop (xrf1);
	vm8 =	vge.f32 v24, v5  }
0x6c: {  	v26 =	vld [tilespmem:s0+$0x10000];
	(xrf1) =	vsort.dscd.msk.f32 $0xffff, v6, v10;
	v5 =	vsel vm8, v24, v5;
	v6 =	vsel vm8, v25, v30;
	v24, v30, _ =	vpop (xrf1)  }
0x6d: {  	v32 =	vld [tilespmem:s19+$0x10080];
	(xrf1) =	vsort.ascd.msk.f32 $0xffff, v9, v23;
	vm9 =	vge.f32 v24, v28  }
0x6e: {  	v25 =	vor.u32 s7, v0;
	(xrf1) =	vsort.dscd.msk.f32 $0xffff, v5, v6;
	v6 =	vsel vm9, v30, v29  }
0x6f: {  	v9, v10, _ =	vpop (xrf1);
	(xrf1) =	vsort.ascd.msk.f32 $0xffff, v16, v25;
	v5 =	vsel vm9, v24, v28  }
0x70: {  	vm10 =	vge.f32 v15, v8;
	v33 =	vld [tilespmem:s0+$0x10300];
	v24, v28, _ =	vpop (xrf1);
	(xrf1) =	vsort.dscd.msk.f32 $0xffff, v5, v6  }
0x71: {  	v8 =	vsel vm10, v15, v8;
	v16 =	vld [tilespmem:s0+$0x10180];
	(xrf1) =	vsort.ascd.msk.f32 $0xffff, v26, v25  }
0x72: {  	v7 =	vsel vm10, v17, v7;
	(xrf1) =	vsort.ascd.msk.f32 $0xffff, v32, v23;
	v5, v6, _ =	vpop (xrf1)  }
0x73: {  	v26 =	vld [tilespmem:s2+$0x10280];
	(xrf1) =	vsort.dscd.msk.f32 $0xffff, v8, v7;
	v29, v30, _ =	vpop (xrf1)  }
0x74: {  	v23, v32, _ =	vpop (xrf1)  }
0x75: {  	(xrf1) =	vsort.ascd.msk.f32 $0xffff, v33, v25;
	vm11 =	vge.f32 v23, v11;
	v7, v8, _ =	vpop (xrf1)  }
0x76: {  	(xrf1) =	vsort.ascd.msk.f32 $0xffff, v16, v25;
	v11 =	vsel vm11, v23, v11;
	v12 =	vsel vm11, v32, v12;
	v16, v23, _ =	vpop (xrf1)  }
0x77: {  	vm12 =	vge.f32 v16, v29;
	(xrf1) =	vsort.dscd.msk.f32 $0xffff, v11, v12;
	v11 =	vld [tilespmem:s0+$0x10100]  }
0x78: {  	s30 =	simm.s32 $0x50;
	s7 =	simm.s32 $0x280;
	v12 =	vsel vm12, v16, v29;
	v16 =	vsel vm12, v23, v30;
	(xrf1) =	vsort.ascd.msk.f32 $0xffff, v26, v22;
	v23, v26, _ =	vpop (xrf1)  }
0x79: {  	s29 =	sor.u32 s7, s30;
	(xrf1) =	vsort.dscd.msk.f32 $0xffff, v12, v16;
	vm13 =	vge.f32 v23, v24;
	v12 =	vld [tilespmem:s2+$0x10200];
	v29, v30, _ =	vpop (xrf1)  }
0x7a: {  	s29 =	sor.u32 $0x380, s29;
	v16 =	vsel vm13, v23, v24;
	v23 =	vsel vm13, v26, v28;
	v24, v26, _ =	vpop (xrf1)  }
0x7b: {  	(xrf1) =	vsort.dscd.msk.f32 $0xffff, v16, v23;
	v23 =	vld [tilespmem:s29+$0x10000];
	vm14 =	vge.f32 v24, v27;
	v28, v52, _ =	vpop (xrf1)  }
0x7c: {  	(xrf1) =	vsort.ascd.msk.f32 $0xffff, v11, v25;
	v11 =	vsel vm14, v24, v27;
	v16 =	vsel vm14, v26, v31;
	v24, v26, _ =	vpop (xrf1)  }
0x7d: {  	s19 =	sand.u32 $0x1C00, s7;
	s29 =	sand.u32 $0x70, s30;
	v31, v53, _ =	vpop (xrf1);
	(xrf1) =	vsort.dscd.msk.f32 $0xffff, v11, v16;
	vm15 =	vge.f32 v24, v7  }
0x7e: {  	s19 =	sor.u32 s29, s19;
	(xrf1) =	vsort.ascd.msk.f32 $0xffff, v12, v22;
	v7 =	vsel vm15, v24, v7;
	v8 =	vsel vm15, v26, v8;
	v24, v26, _ =	vpop (xrf1)  }
0x7f: {  	v27 =	vld [tilespmem:s19+$0x10000];
	v16 =	vor.u32 s30, v0;
	v11, v12, _ =	vpop (xrf1);
	vm4 =	vge.f32 v24, v28;
	(xrf1) =	vsort.dscd.msk.f32 $0xffff, v7, v8  }
0x80: {  	v34 =	vld [tilespmem:s2+$0x10080];
	(xrf1) =	vsort.ascd.msk.f32 $0xffff, v23, v16;
	v7 =	vsel vm4, v24, v28;
	v23, v24, _ =	vpop (xrf1)  }
0x81: {  	v8 =	vsel vm4, v26, v52;
	v28, v54, _ =	vpop (xrf1)  }
0x82: {  	v35 =	vld [tilespmem:s19+$0x10300];
	vm5 =	vge.f32 v28, v21  }
0x83: {  	v26 =	vld [tilespmem:s19+$0x10180];
	(xrf1) =	vsort.dscd.msk.f32 $0xffff, v7, v8;
	v21 =	vsel vm5, v28, v21  }
0x84: {  	(xrf1) =	vsort.ascd.msk.f32 $0xffff, v27, v16;
	v18 =	vsel vm5, v54, v18;
	v8, v7, _ =	vpop (xrf1)  }
0x85: {  	v27 =	vld [tilespmem:s0+$0x10280];
	(xrf1) =	vsort.ascd.msk.f32 $0xffff, v34, v22;
	v36, v37, _ =	vpop (xrf1)  }
0x86: {  	(xrf1) =	vsort.dscd.msk.f32 $0xffff, v21, v18;
	v22, v28, _ =	vpop (xrf1)  }
0x87: {  	(xrf1) =	vsort.ascd.msk.f32 $0xffff, v35, v16;
	vm6 =	vge.f32 v22, v29;
	v18, v21, _ =	vpop (xrf1)  }
0x88: {  	(xrf1) =	vsort.ascd.msk.f32 $0xffff, v26, v16;
	v22 =	vsel vm6, v22, v29;
	v26 =	vsel vm6, v28, v30;
	v28, v29, _ =	vpop (xrf1)  }
0x89: {  	vm7 =	vge.f32 v28, v36;
	(xrf1) =	vsort.dscd.msk.f32 $0xffff, v22, v26  }
0x8a: {  	v26 =	vsel vm7, v28, v36;
	v28 =	vsel vm7, v29, v37;
	(xrf1) =	vsort.ascd.msk.f32 $0xffff, v27, v25;
	v27, v29, _ =	vpop (xrf1)  }
0x8b: {  	v22 =	vld [tilespmem:s19+$0x10100];
	vm8 =	vge.f32 v27, v23  }
0x8c: {  	v24 =	vsel vm8, v29, v24  }
0x8d: {  	s8 =	simm.s32 $0x60;
	vm9 =	vge.f32 v15, v14;
	s30 =	simm.s32 $0x300;
	(xrf1) =	vsort.dscd.msk.f32 $0xffff, v26, v28;
	v26 =	vld [tilespmem:s0+$0x10200];
	v56, v55, _ =	vpop (xrf1);
	v23 =	vsel vm8, v27, v23  }
0x8e: {  	v14 =	vsel vm9, v15, v14;
	v13 =	vsel vm9, v17, v13;
	s29 =	sor.u32 s30, s8;
	v27, v28, _ =	vpop (xrf1);
	(xrf1) =	vsort.dscd.msk.f32 $0xffff, v23, v24  }
0x8f: {  	s29 =	sor.u32 $0x380, s29;
	vm10 =	vge.f32 v27, v31;
	v24, v29, _ =	vpop (xrf1);
	(xrf1) =	vsort.dscd.msk.f32 $0xffff, v14, v13  }
0x90: {  	v17 =	vld [tilespmem:s29+$0x10000];
	(xrf1) =	vsort.ascd.msk.f32 $0xffff, v22, v16;
	v13 =	vsel vm10, v27, v31;
	v14 =	vsel vm10, v28, v53;
	v15, v27, _ =	vpop (xrf1)  }
0x91: {  	v23, v22, _ =	vpop (xrf1);
	(xrf1) =	vsort.dscd.msk.f32 $0xffff, v13, v14;
	vm11 =	vge.f32 v15, v18  }
0x92: {  	s20 =	sand.u32 $0x1C00, s30;
	s29 =	sand.u32 $0x70, s8;
	(xrf1) =	vsort.ascd.msk.f32 $0xffff, v26, v25;
	v21 =	vsel vm11, v27, v21;
	v26, v27, _ =	vpop (xrf1)  }
0x93: {  	s20 =	sor.u32 s29, s20;
	v13 =	vsel vm11, v15, v18;
	vm12 =	vge.f32 v26, v24  }
0x94: {  	v28 =	vld [tilespmem:s20+$0x10000];
	v18 =	vor.u32 s8, v0;
	v15, v14, _ =	vpop (xrf1);
	(xrf1) =	vsort.dscd.msk.f32 $0xffff, v13, v21;
	v13 =	vsel vm12, v26, v24  }
0x95: {  	v31 =	vld [tilespmem:s0+$0x10080];
	(xrf1) =	vsort.ascd.msk.f32 $0xffff, v17, v18;
	v17 =	vsel vm12, v27, v29  }
0x96: {  	v30, v29, _ =	vpop (xrf1)  }
0x97: {  	v21 =	vld [tilespmem:s20+$0x10300];
	v26, v57, _ =	vpop (xrf1)  }
0x98: {  	(xrf1) =	vsort.dscd.msk.f32 $0xffff, v13, v17;
	v17, v13, _ =	vpop (xrf1)  }
0x99: {  	v27 =	vld [tilespmem:s20+$0x10180];
	(xrf1) =	vsort.ascd.msk.f32 $0xffff, v28, v18;
	vm13 =	vge.f32 v26, v20;
	v59, v60, _ =	vpop (xrf1)  }
0x9a: {  	v58 =	vld [tilespmem:s19+$0x10280];
	(xrf1) =	vsort.ascd.msk.f32 $0xffff, v31, v25;
	v20 =	vsel vm13, v26, v20;
	v19 =	vsel vm13, v57, v19;
	v31, v61, _ =	vpop (xrf1)  }
0x9b: {  	v24 =	vld [tilespmem:s19+$0x10200];
	(xrf1) =	vsort.dscd.msk.f32 $0xffff, v20, v19;
	vm14 =	vge.f32 v31, v56  }
0x9c: {  	v25 =	vld [tilespmem:s19+$0x10080];
	(xrf1) =	vsort.ascd.msk.f32 $0xffff, v21, v18;
	v21 =	vsel vm14, v31, v56;
	v31 =	vsel vm14, v61, v55  }
0x9d: {  	v20 =	vld [tilespmem:s20+$0x10280];
	v28, v26, _ =	vpop (xrf1)  }
0x9e: {  	v19 =	vld [tilespmem:s20+$0x10200];
	(xrf1) =	vsort.ascd.msk.f32 $0xffff, v27, v18;
	v62, v63, _ =	vpop (xrf1)  }
0x9f: {  	v27 =	vld [tilespmem:s20+$0x10100];
	vm15 =	vge.f32 v62, v59;
	(xrf1) =	vsort.dscd.msk.f32 $0xffff, v21, v31  }
0xa0: {  	s29 =	simm.s32 $0x70;
	s0 =	simm.s32 $0x380;
	v21 =	vld [tilespmem:s20+$0x10080];
	v33 =	vsel vm15, v62, v59;
	v34 =	vsel vm15, v63, v60;
	(xrf1) =	vsort.ascd.msk.f32 $0xffff, v58, v16;
	v32, v31, _ =	vpop (xrf1)  }
.LBB2_3:
0xa1: {  	s2 =	sand.u32 $0x70, s29  }
0xa2: {  	s19 =	sand.u32 $0x1C00, s0;
	s20 =	sor.u32 s0, s29;
	(xrf1) =	vsort.dscd.msk.f32 $0xffff, v33, v34;
	vm0 =	vge.f32 v32, v30;
	v33, v34, _ =	vpop (xrf1);
	s30 =	smov.u32 s29  }
0xa3: {  	s19 =	sor.u32 s2, s19;
	s20 =	sor.u32 $0x380, s20;
	s2 =	sadd.s32 $0x10, s29;
	v35, v36, _ =	vpop (xrf1);
	v30 =	vsel vm0, v32, v30;
	v29 =	vsel vm0, v31, v29;
	vm0 =	vge.f32 v33, v1  }
0xa4: {  	v32, v37, _ =	vpop (xrf1);
	(xrf1) =	vsort.dscd.msk.f32 $0xffff, v30, v29;
	v29 =	vsel vm0, v33, v1  }
0xa5: {  	p0 =	sne.s32 s29, $0x3F0;
	v31 =	vld [tilespmem:s19+$0x10300];
	v4 =	vsel vm0, v34, v4;
	v1 =	vmov v3  }
0xa6: {  	v3 =	vmov v5;
	v5 =	vmov v8;
	v30 =	vld [tilespmem:s20+$0x10000];
	vm0 =	vge.f32 v32, v23;
	v33, v34, _ =	vpop (xrf1);
	(xrf1) =	vsort.dscd.msk.f32 $0xffff, v29, v4  }
0xa7: {  	v8 =	vmov v17;
	v38 =	vld [tilespmem:s19+$0x10000];
	(xrf1) =	vsort.ascd.msk.f32 $0xffff, v27, v18;
	v39 =	vsel vm0, v32, v23;
	v27 =	vsel vm0, v37, v22;
	v29, v32, _ =	vpop (xrf1)  }
0xa8: {  	v4 =	vmov v2;
	v2 =	vmov v6;
	v37 =	vld [tilespmem:s19+$0x10280];
	v23, v22, _ =	vpop (xrf1);
	(xrf1) =	vsort.dscd.msk.f32 $0xffff, v39, v27;
	vm0 =	vge.f32 v29, v28  }
0xa9: {  	v27 =	vsel vm0, v29, v28;
	v17 =	vsel vm0, v32, v26;
	v26, v28, _ =	vpop (xrf1)  }
0xaa: {  	vm0 =	vge.f32 v26, v33  }
0xab: {  	(xrf1) =	vsort.ascd.msk.f32 $0xffff, v24, v16;
	v24 =	vmov v19;
	v19 =	vld [tilespmem:s19+$0x10200];
	v42 =	vsel vm0, v26, v33;
	v26 =	vsel vm0, v28, v34  }
0xac: {  	v6 =	vmov v7;
	v32 =	vor.u32 s30, v0;
	v39 =	vld [tilespmem:s19+$0x10180];
	v40, v41, _ =	vpop (xrf1);
	(xrf1) =	vsort.dscd.msk.f32 $0xffff, v27, v17  }
0xad: {  	v7 =	vmov v13;
	v27 =	vld [tilespmem:s19+$0x10100];
	(xrf1) =	vsort.ascd.msk.f32 $0xffff, v30, v32;
	v30, v29, _ =	vpop (xrf1)  }
0xae: {  	v33 =	vmov v21;
	(xrf1) =	vsort.dscd.msk.f32 $0xffff, v42, v26;
	v26, v28, _ =	vpop (xrf1)  }
0xaf: {  	(xrf1) =	vsort.ascd.msk.f32 $0xffff, v38, v32;
	v17, v13, _ =	vpop (xrf1);
	vm0 =	vge.f32 v26, v9  }
0xb0: {  	v34, v38, _ =	vpop (xrf1);
	(xrf1) =	vsort.ascd.msk.f32 $0xffff, v25, v16;
	v21 =	vsel vm0, v26, v9;
	v43 =	vsel vm0, v28, v10;
	v16 =	vmov v18  }
.Ltmp2:
0xb1: {  	v18 =	vmov v32;
	v9 =	vmov v11;
	v11 =	vmov v15;
	v25, v42, _ =	vpop (xrf1);
	(xrf1) =	vsort.dscd.msk.f32 $0xffff, v21, v43;
	(pc) =	sbr.rel @p0 .LBB2_3-.Ltmp2, $4  }
0xb2: {  	v15 =	vmov v40;
	v10 =	vmov v12;
	(xrf1) =	vsort.ascd.msk.f32 $0xffff, v31, v18;
	vm0 =	vge.f32 v25, v35;
	v28, v26, _ =	vpop (xrf1)  }
0xb3: {  	v12 =	vmov v14;
	v21 =	vld [tilespmem:s19+$0x10080];
	(xrf1) =	vsort.ascd.msk.f32 $0xffff, v39, v18;
	v39 =	vsel vm0, v25, v35;
	v36 =	vsel vm0, v42, v36;
	v32, v35, _ =	vpop (xrf1)  }
0xb4: {  	v14 =	vmovc v41;
	v25 =	vmov v33;
	vm0 =	vge.f32 v32, v34;
	(xrf1) =	vsort.dscd.msk.f32 $0xffff, v39, v36  }
0xb5: {  	s0 =	sadd.s32 $0x80, s0;
	s29 =	smov.u32 s2;
	v33 =	vsel vm0, v32, v34;
	v34 =	vsel vm0, v35, v38;
	(xrf1) =	vsort.ascd.msk.f32 $0xffff, v20, v16;
	v32, v31, _ =	vpop (xrf1);
	v20 =	vmov v37  }
0xb6: {  	(xrf1) =	vsort.dscd.msk.f32 $0xffff, v33, v34;
	vm0 =	vge.f32 v32, v30;
	v33, v34, _ =	vpop (xrf1)  }
0xb7: {  	v30 =	vsel vm0, v32, v30;
	vm9 =	vge.f32 v33, v1  }
0xb8: {  	v29 =	vsel vm0, v31, v29;
	v4 =	vsel vm9, v34, v4  }
0xb9: {  	v35, v36, _ =	vpop (xrf1);
	v1 =	vsel vm9, v33, v1  }
0xba: {  	v31, v43, _ =	vpop (xrf1);
	(xrf1) =	vsort.dscd.msk.f32 $0xffff, v30, v29  }
0xbb: {  	(xrf1) =	vsort.dscd.msk.f32 $0xffff, v1, v4;
	vm10 =	vge.f32 v31, v23;
	v29, v30, _ =	vpop (xrf1)  }
0xbc: {  	(xrf1) =	vsort.ascd.msk.f32 $0xffff, v27, v18;
	v23 =	vsel vm10, v31, v23;
	v22 =	vsel vm10, v43, v22;
	v1, v4, _ =	vpop (xrf1)  }
0xbd: {  	(xrf1) =	vsort.dscd.msk.f32 $0xffff, v23, v22;
	v44, v45, _ =	vpop (xrf1)  }
0xbe: {  	vm11 =	vge.f32 v1, v28;
	v27, v31, _ =	vpop (xrf1);
	(xrf1) =	vsort.ascd.msk.f32 $0xffff, v24, v16  }
0xbf: {  	v1 =	vsel vm11, v1, v28;
	v4 =	vsel vm11, v4, v26;
	vm12 =	vge.f32 v27, v29  }
0xc0: {  	v22, v23, _ =	vpop (xrf1);
	(xrf1) =	vsort.dscd.msk.f32 $0xffff, v1, v4;
	v4 =	vsel vm12, v31, v30  }
0xc1: {  	v24, v46, _ =	vpop (xrf1);
	v1 =	vsel vm12, v27, v29  }
0xc2: {  	v26, v28, _ =	vpop (xrf1)  }
0xc3: {  	v27, v29, _ =	vpop (xrf1)  }
0xc4: {  	(xrf1) =	vsort.dscd.msk.f32 $0xffff, v1, v4;
	v1, v4, _ =	vpop (xrf1)  }
0xc5: {  	vm13 =	vge.f32 v26, v9;
	(xrf1) =	vsort.ascd.msk.f32 $0xffff, v25, v16;
	v16, v25, _ =	vpop (xrf1)  }
0xc6: {  	v9 =	vsel vm13, v26, v9;
	v10 =	vsel vm13, v28, v10;
	vm14 =	vge.f32 v16, v35;
	v26, v28, _ =	vpop (xrf1)  }
0xc7: {  	(xrf1) =	vsort.dscd.msk.f32 $0xffff, v9, v10;
	v9 =	vsel vm14, v16, v35;
	v10 =	vsel vm14, v25, v36;
	v16, v25, _ =	vpop (xrf1)  }
0xc8: {  	vm15 =	vge.f32 v16, v1  }
0xc9: {  	v4 =	vsel vm15, v25, v4  }
0xca: {  	v1 =	vsel vm15, v16, v1  }
0xcb: {  	(xrf1) =	vsort.dscd.msk.f32 $0xffff, v9, v10  }
0xcc: {  	(xrf1) =	vsort.ascd.msk.f32 $0xffff, v20, v18;
	v9, v10, _ =	vpop (xrf1)  }
0xcd: {  	(xrf1) =	vsort.dscd.msk.f32 $0xffff, v1, v4;
	v1, v4, _ =	vpop (xrf1)  }
0xce: {  	vm5 =	vge.f32 v1, v3  }
0xcf: {  	v2 =	vsel vm5, v4, v2  }
0xd0: {  	vm4 =	vge.f32 v9, v24;
	v1 =	vsel vm5, v1, v3  }
0xd1: {  	v9 =	vsel vm4, v9, v24;
	v10 =	vsel vm4, v10, v46  }
0xd2: {  	(xrf1) =	vsort.dscd.msk.f32 $0xffff, v9, v10  }
0xd3: {  	(xrf1) =	vsort.dscd.msk.f32 $0xffff, v1, v2;
	v1, v2, _ =	vpop (xrf1)  }
0xd4: {  	v3, v4, _ =	vpop (xrf1)  }
0xd5: {  	vm6 =	vge.f32 v3, v44  }
0xd6: {  	v4 =	vsel vm6, v4, v45  }
0xd7: {  	v3 =	vsel vm6, v3, v44  }
0xd8: {  	v9, v10, _ =	vpop (xrf1)  }
0xd9: {  	v16, v20, _ =	vpop (xrf1)  }
0xda: {  	(xrf1) =	vsort.dscd.msk.f32 $0xffff, v3, v4;
	v3, v4, _ =	vpop (xrf1)  }
0xdb: {  	vm8 =	vge.f32 v3, v9  }
0xdc: {  	v4 =	vsel vm8, v4, v10  }
0xdd: {  	vm7 =	vge.f32 v16, v26;
	v3 =	vsel vm8, v3, v9  }
0xde: {  	(xrf1) =	vsort.ascd.msk.f32 $0xffff, v19, v18;
	v16 =	vsel vm7, v16, v26;
	v19 =	vsel vm7, v20, v28;
	v20, v24, _ =	vpop (xrf1)  }
0xdf: {  	(xrf1) =	vsort.dscd.msk.f32 $0xffff, v16, v19;
	v9, v10, _ =	vpop (xrf1)  }
0xe0: {  	(xrf1) =	vsort.dscd.msk.f32 $0xffff, v3, v4;
	v3, v4, _ =	vpop (xrf1)  }
0xe1: {  	vm10 =	vge.f32 v3, v1  }
0xe2: {  	v2 =	vsel vm10, v4, v2  }
0xe3: {  	vm9 =	vge.f32 v9, v11;
	(xrf1) =	vsort.ascd.msk.f32 $0xffff, v21, v18;
	v16, v18, _ =	vpop (xrf1);
	v1 =	vsel vm10, v3, v1  }
0xe4: {  	v9 =	vsel vm9, v9, v11;
	v10 =	vsel vm9, v10, v12;
	v11, v12, _ =	vpop (xrf1)  }
0xe5: {  	(xrf1) =	vsort.dscd.msk.f32 $0xffff, v9, v10;
	v3, v4, _ =	vpop (xrf1)  }
0xe6: {  	(xrf1) =	vsort.dscd.msk.f32 $0xffff, v1, v2;
	v1, v2, _ =	vpop (xrf1)  }
0xe7: {  	vm12 =	vge.f32 v1, v5  }
0xe8: {  	vm11 =	vge.f32 v3, v20;
	v2 =	vsel vm12, v2, v6  }
0xe9: {  	v3 =	vsel vm11, v3, v20;
	v1 =	vsel vm12, v1, v5  }
0xea: {  	v4 =	vsel vm11, v4, v24  }
0xeb: {  	(xrf1) =	vsort.dscd.msk.f32 $0xffff, v3, v4  }
0xec: {  	(xrf1) =	vsort.dscd.msk.f32 $0xffff, v1, v2;
	v1, v2, _ =	vpop (xrf1)  }
0xed: {  	v1, v3, _ =	vpop (xrf1)  }
0xee: {  	v4, v5, _ =	vpop (xrf1)  }
0xef: {  	vm13 =	vge.f32 v4, v16  }
0xf0: {  	v5 =	vsel vm13, v5, v18  }
0xf1: {  	v4 =	vsel vm13, v4, v16  }
0xf2: {  	v6, v9, _ =	vpop (xrf1)  }
0xf3: {  	v10, v11, _ =	vpop (xrf1)  }
0xf4: {  	vm14 =	vge.f32 v6, v1;
	(xrf1) =	vsort.dscd.msk.f32 $0xffff, v4, v5;
	v4, v5, _ =	vpop (xrf1)  }
0xf5: {  	v1 =	vsel vm14, v6, v1;
	v3 =	vsel vm14, v9, v3;
	vm15 =	vge.f32 v4, v15  }
0xf6: {  	(xrf1) =	vsort.dscd.msk.f32 $0xffff, v1, v3;
	v3 =	vsel vm15, v5, v14  }
0xf7: {  	v1 =	vsel vm15, v4, v15  }
0xf8: {  	v6, v9, _ =	vpop (xrf1)  }
0xf9: {  	v4, v5, _ =	vpop (xrf1)  }
0xfa: {  	(xrf1) =	vsort.dscd.msk.f32 $0xffff, v1, v3;
	vm4 =	vge.f32 v4, v10;
	v1, v3, _ =	vpop (xrf1)  }
0xfb: {  	v4 =	vsel vm4, v4, v10;
	v5 =	vsel vm4, v5, v11;
	vm5 =	vge.f32 v1, v8  }
0xfc: {  	(xrf1) =	vsort.dscd.msk.f32 $0xffff, v4, v5;
	v1 =	vsel vm5, v1, v8;
	v3 =	vsel vm5, v3, v7  }
0xfd: {  	(xrf1) =	vsort.dscd.msk.f32 $0xffff, v1, v3;
	_ =	sdelay $0x9  }
0xfe: {  	v1, v3, _ =	vpop (xrf1)  }
0xff: {  	v1, v4, _ =	vpop (xrf1)  }
0x100: {  	v1, v5, _ =	vpop (xrf1)  }
0x101: {  	v6, v7, _ =	vpop (xrf1)  }
0x102: {  	vm6 =	vge.f32 v1, v22;
	v6, v8, _ =	vpop (xrf1)  }
0x103: {  	v1 =	vsel vm6, v1, v22;
	v5 =	vsel vm6, v5, v23;
	vm7 =	vge.f32 v6, v17  }
0x104: {  	(xrf1) =	vsort.dscd.msk.f32 $0xffff, v1, v5;
	v1 =	vsel vm7, v6, v17;
	v5 =	vsel vm7, v8, v13  }
0x105: {  	(xrf1) =	vsort.dscd.msk.f32 $0xffff, v1, v5;
	_ =	sdelay $0xc  }
0x106: {  	v1, v5, _ =	vpop (xrf1)  }
0x107: {  	v1, v6, _ =	vpop (xrf1)  }
0x108: {  	vm8 =	vge.f32 v1, v27  }
0x109: {  	v1 =	vsel vm8, v1, v27;
	v6 =	vsel vm8, v6, v29  }
0x10a: {  	(xrf1) =	vsort.dscd.msk.f32 $0xffff, v1, v6;
	_ =	sdelay $0x8  }
0x10b: {  	s0 =	simm.s32 $0x14008;
	[tilespmem:s22+$0x0] =	vst.msk $0xff, v5  }
0x10c: {  	s7 =	simm.s32 $0x14010;
	[tilespmem:s0+$0x0] =	vst.msk $0xff, v7  }
0x10d: {  	s8 =	simm.s32 $0x14018;
	[tilespmem:s7+$0x0] =	vst.msk $0xff, v9  }
0x10e: {  	s29 =	sshll.u32 s28, $0x1;
	p0 =	seq.s32 s28, $0x1F;
	s19 =	simm.s32 $0x14020;
	[tilespmem:s8+$0x0] =	vst.msk $0xff, v12  }
0x10f: {  	s2 =	simm.s32 $0x14028;
	s0 =	sadd.s32 @!p0 s29, s9;
	[tilespmem:s19+$0x0] =	vst.msk $0xff, v4  }
0x110: {  	s20 =	simm.s32 $0x14030;
	s0 =	sshll.u32 @!p0 s0, $0xA;
	[tilespmem:s2+$0x0] =	vst.msk $0xff, v3;
	v1, v4, _ =	vpop (xrf1)  }
0x111: {  	s7 =	simm.s32 $0x14038;
	s0 =	sand.u32 @!p0 $0x1FFFF800, s0;
	[tilespmem:s20+$0x0] =	vst.msk $0xff, v4  }
0x112: {  	s0 =	sadd.s32 @!p0 s1, s0;
	s19 =	simm.s32 @!p0 $0x10000;
	s2 =	simm.s32 @!p0 $0x0;
	[tilespmem:s7+$0x0] =	vst.msk $0xff, v2  }
0x113: {  	[tilespmem:s19], [sflag:$0x1] =	stream.linear.gather @!p0 [hbm4b:s0+s2], $0x2000, $0x38;
	[tilespmem:$0x18900] =	vst v63  }
0x114: {  	s8 =	simm.s32 $0x0;
	_ =	swait.ge [sflag:s31], $0x2000  }
0x115: {  	s20 =	sand.u32 $0x1C00, s8;
	s19 =	sor.u32 s8, s8;
	[sflag:s31] =	ssyncset.done $0x0  }
0x116: {  	s7 =	sand.u32 $0x70, s8;
	s2 =	sor.u32 $0x380, s19;
	[sflag:s31] =	ssyncadd.s32 $0xFFFFE000  }
0x117: {  	s20 =	sor.u32 s7, s20;
	v1 =	vld [tilespmem:s2+$0x12000]  }
0x118: {  	v2 =	vld [tilespmem:s20+$0x12000]  }
0x119: {  	v3 =	vld [tilespmem:s20+$0x12300]  }
0x11a: {  	v4 =	vld [tilespmem:s20+$0x12180]  }
0x11b: {  	v5 =	vor.u32 s8, v0  }
0x11c: {  	(xrf1) =	vsort.ascd.msk.f32 $0xffff, v1, v5  }
0x11d: {  	(xrf1) =	vsort.ascd.msk.f32 $0xffff, v2, v5  }
0x11e: {  	(xrf1) =	vsort.ascd.msk.f32 $0xffff, v3, v5  }
0x11f: {  	(xrf1) =	vsort.ascd.msk.f32 $0xffff, v4, v5;
	_ =	sdelay $0x3  }
0x120: {  	s8 =	simm.s32 $0x10;
	s19 =	simm.s32 $0x80  }
0x121: {  	s7 =	sor.u32 s19, s8  }
0x122: {  	s30 =	sand.u32 $0x70, s8;
	s0 =	sand.u32 $0x1C00, s19;
	s19 =	sor.u32 $0x380, s7;
	v1 =	vld [tilespmem:s20+$0x12100]  }
0x123: {  	s0 =	sor.u32 s30, s0;
	v2 =	vld [tilespmem:s19+$0x12000]  }
0x124: {  	v3 =	vld [tilespmem:s0+$0x12000]  }
0x125: {  	v4 =	vld [tilespmem:s0+$0x12300]  }
0x126: {  	v6 =	vld [tilespmem:s0+$0x12180]  }
0x127: {  	v11 =	vor.u32 s8, v0;
	v9 =	vld [tilespmem:s20+$0x12280];
	(xrf1) =	vsort.ascd.msk.f32 $0xffff, v1, v5;
	v1, v10, _ =	vpop (xrf1)  }
0x128: {  	(xrf1) =	vsort.ascd.msk.f32 $0xffff, v2, v11;
	v8, v7, _ =	vpop (xrf1)  }
0x129: {  	(xrf1) =	vsort.ascd.msk.f32 $0xffff, v3, v11;
	v14, v13, _ =	vpop (xrf1)  }
0x12a: {  	v15 =	vimm.f32 $-Inf;
	(xrf1) =	vsort.ascd.msk.f32 $0xffff, v4, v11;
	v2, v3, _ =	vpop (xrf1)  }
0x12b: {  	v17 =	vimm.s32 $0x0;
	(xrf1) =	vsort.ascd.msk.f32 $0xffff, v6, v11;
	vm9 =	vge.f32 v15, v2  }
0x12c: {  	(xrf1) =	vsort.ascd.msk.f32 $0xffff, v9, v5;
	v2 =	vsel vm9, v15, v2;
	v3 =	vsel vm9, v17, v3  }
0x12d: {  	v4 =	vld [tilespmem:s0+$0x12100];
	(xrf1) =	vsort.dscd.msk.f32 $0xffff, v2, v3;
	_ =	sdelay $0x1  }
0x12e: {  	s8 =	simm.s32 $0x100;
	s2 =	simm.s32 $0x20  }
0x12f: {  	s30 =	sor.u32 s8, s2  }
0x130: {  	s7 =	sand.u32 $0x70, s2;
	s30 =	sor.u32 $0x380, s30;
	s19 =	sand.u32 $0x1C00, s8;
	vm10 =	vge.f32 v15, v1;
	v2 =	vld [tilespmem:s20+$0x12200]  }
0x131: {  	s19 =	sor.u32 s7, s19;
	v1 =	vsel vm10, v15, v1;
	v3 =	vsel vm10, v17, v10;
	(xrf1) =	vsort.ascd.msk.f32 $0xffff, v4, v11;
	v4 =	vld [tilespmem:s30+$0x12000]  }
0x132: {  	(xrf1) =	vsort.dscd.msk.f32 $0xffff, v1, v3;
	v1 =	vld [tilespmem:s19+$0x12000]  }
0x133: {  	v3 =	vld [tilespmem:s20+$0x12080]  }
0x134: {  	v6, v9, _ =	vpop (xrf1);
	v10 =	vld [tilespmem:s19+$0x12300]  }
0x135: {  	v23 =	vor.u32 s2, v0;
	v12, v16, _ =	vpop (xrf1);
	(xrf1) =	vsort.ascd.msk.f32 $0xffff, v2, v5;
	v2 =	vld [tilespmem:s19+$0x12180]  }
0x136: {  	v21, v18, _ =	vpop (xrf1);
	(xrf1) =	vsort.ascd.msk.f32 $0xffff, v4, v23  }
0x137: {  	(xrf1) =	vsort.ascd.msk.f32 $0xffff, v1, v23;
	v1, v4, _ =	vpop (xrf1)  }
0x138: {  	v20, v22, _ =	vpop (xrf1);
	(xrf1) =	vsort.ascd.msk.f32 $0xffff, v3, v5  }
0x139: {  	v19 =	vld [tilespmem:s0+$0x12280];
	vm11 =	vge.f32 v15, v6;
	(xrf1) =	vsort.ascd.msk.f32 $0xffff, v10, v23;
	v3, v5, _ =	vpop (xrf1)  }
0x13a: {  	(xrf1) =	vsort.ascd.msk.f32 $0xffff, v2, v23;
	v2 =	vsel vm11, v15, v6;
	v6 =	vsel vm11, v17, v9;
	v9, v10, _ =	vpop (xrf1)  }
0x13b: {  	vm12 =	vge.f32 v9, v20  }
0x13c: {  	(xrf1) =	vsort.dscd.msk.f32 $0xffff, v2, v6;
	v6 =	vsel vm12, v9, v20;
	v9 =	vsel vm12, v10, v22  }
0x13d: {  	v2 =	vld [tilespmem:s19+$0x12100]  }
0x13e: {  	(xrf1) =	vsort.ascd.msk.f32 $0xffff, v19, v11  }
0x13f: {  	(xrf1) =	vsort.dscd.msk.f32 $0xffff, v6, v9;
	v9, v10, _ =	vpop (xrf1)  }
0x140: {  	v19, v20, _ =	vpop (xrf1)  }
0x141: {  	s2 =	simm.s32 $0x180;
	s7 =	simm.s32 $0x30;
	vm13 =	vge.f32 v19, v12  }
0x142: {  	s8 =	sor.u32 s2, s7;
	v6 =	vld [tilespmem:s0+$0x12200];
	(xrf1) =	vsort.ascd.msk.f32 $0xffff, v2, v23;
	v2 =	vsel vm13, v19, v12;
	v12 =	vsel vm13, v20, v16  }
0x143: {  	s20 =	sor.u32 $0x380, s8  }
0x144: {  	v24 =	vld [tilespmem:s20+$0x12000]  }
0x145: {  	vm14 =	vge.f32 v15, v3  }
0x146: {  	s2 =	sand.u32 $0x1C00, s2;
	s8 =	sand.u32 $0x70, s7;
	v3 =	vsel vm14, v15, v3;
	(xrf1) =	vsort.dscd.msk.f32 $0xffff, v2, v12;
	v2, v12, _ =	vpop (xrf1)  }
0x147: {  	s2 =	sor.u32 s8, s2;
	v5 =	vsel vm14, v17, v5;
	(xrf1) =	vsort.ascd.msk.f32 $0xffff, v6, v11;
	vm15 =	vge.f32 v15, v2  }
0x148: {  	v22 =	vor.u32 s7, v0;
	v16 =	vld [tilespmem:s2+$0x12000];
	(xrf1) =	vsort.dscd.msk.f32 $0xffff, v3, v5;
	v2 =	vsel vm15, v15, v2  }
0x149: {  	v6 =	vld [tilespmem:s0+$0x12080];
	(xrf1) =	vsort.ascd.msk.f32 $0xffff, v24, v22;
	v25, v26, _ =	vpop (xrf1);
	v3 =	vsel vm15, v17, v12  }
0x14a: {  	v5 =	vld [tilespmem:s2+$0x12300];
	v20, v19, _ =	vpop (xrf1);
	(xrf1) =	vsort.dscd.msk.f32 $0xffff, v2, v3  }
0x14b: {  	v12 =	vld [tilespmem:s2+$0x12180];
	v24, v27, _ =	vpop (xrf1)  }
0x14c: {  	v3, v2, _ =	vpop (xrf1)  }
0x14d: {  	(xrf1) =	vsort.ascd.msk.f32 $0xffff, v16, v22;
	v16, v29, _ =	vpop (xrf1)  }
0x14e: {  	v28 =	vld [tilespmem:s19+$0x12280];
	(xrf1) =	vsort.ascd.msk.f32 $0xffff, v6, v11;
	v6, v11, _ =	vpop (xrf1)  }
0x14f: {  	(xrf1) =	vsort.ascd.msk.f32 $0xffff, v5, v22;
	vm4 =	vge.f32 v6, v9  }
0x150: {  	(xrf1) =	vsort.ascd.msk.f32 $0xffff, v12, v22;
	v5, v30, _ =	vpop (xrf1);
	v6 =	vsel vm4, v6, v9;
	v9 =	vsel vm4, v11, v10  }
0x151: {  	v10, v11, _ =	vpop (xrf1);
	(xrf1) =	vsort.dscd.msk.f32 $0xffff, v6, v9;
	v6 =	vld [tilespmem:s2+$0x12100]  }
0x152: {  	vm6 =	vge.f32 v15, v24;
	vm5 =	vge.f32 v10, v16  }
0x153: {  	s7 =	simm.s32 $0x40;
	s0 =	simm.s32 $0x200;
	v9 =	vsel vm5, v10, v16;
	v10 =	vsel vm5, v11, v29;
	(xrf1) =	vsort.ascd.msk.f32 $0xffff, v28, v23;
	v11, v12, _ =	vpop (xrf1)  }
0x154: {  	s8 =	sor.u32 s0, s7;
	v16 =	vsel vm6, v17, v27;
	(xrf1) =	vsort.dscd.msk.f32 $0xffff, v9, v10;
	v9 =	vld [tilespmem:s19+$0x12200];
	v10 =	vsel vm6, v15, v24;
	v24, v27, _ =	vpop (xrf1)  }
0x155: {  	s20 =	sor.u32 $0x380, s8;
	(xrf1) =	vsort.dscd.msk.f32 $0xffff, v10, v16;
	vm7 =	vge.f32 v24, v25;
	v28, v29, _ =	vpop (xrf1)  }
0x156: {  	s0 =	sand.u32 $0x1C00, s0;
	s8 =	sand.u32 $0x70, s7;
	v16 =	vld [tilespmem:s20+$0x12000];
	(xrf1) =	vsort.ascd.msk.f32 $0xffff, v6, v22;
	v6 =	vsel vm7, v24, v25;
	v24, v25, _ =	vpop (xrf1)  }
0x157: {  	s0 =	sor.u32 s8, s0;
	v10 =	vsel vm7, v27, v26;
	v27, v31, _ =	vpop (xrf1);
	vm8 =	vge.f32 v24, v5  }
0x158: {  	v26 =	vld [tilespmem:s0+$0x12000];
	(xrf1) =	vsort.dscd.msk.f32 $0xffff, v6, v10;
	v5 =	vsel vm8, v24, v5;
	v6 =	vsel vm8, v25, v30;
	v24, v30, _ =	vpop (xrf1)  }
0x159: {  	v47 =	vld [tilespmem:s19+$0x12080];
	(xrf1) =	vsort.ascd.msk.f32 $0xffff, v9, v23;
	vm9 =	vge.f32 v24, v28  }
0x15a: {  	v25 =	vor.u32 s7, v0;
	(xrf1) =	vsort.dscd.msk.f32 $0xffff, v5, v6;
	v6 =	vsel vm9, v30, v29  }
0x15b: {  	v9, v10, _ =	vpop (xrf1);
	(xrf1) =	vsort.ascd.msk.f32 $0xffff, v16, v25;
	v5 =	vsel vm9, v24, v28  }
0x15c: {  	vm10 =	vge.f32 v15, v8;
	v48 =	vld [tilespmem:s0+$0x12300];
	v24, v28, _ =	vpop (xrf1);
	(xrf1) =	vsort.dscd.msk.f32 $0xffff, v5, v6  }
0x15d: {  	v8 =	vsel vm10, v15, v8;
	v16 =	vld [tilespmem:s0+$0x12180];
	(xrf1) =	vsort.ascd.msk.f32 $0xffff, v26, v25  }
0x15e: {  	v7 =	vsel vm10, v17, v7;
	(xrf1) =	vsort.ascd.msk.f32 $0xffff, v47, v23;
	v5, v6, _ =	vpop (xrf1)  }
0x15f: {  	v26 =	vld [tilespmem:s2+$0x12280];
	(xrf1) =	vsort.dscd.msk.f32 $0xffff, v8, v7;
	v29, v30, _ =	vpop (xrf1)  }
0x160: {  	v23, v32, _ =	vpop (xrf1)  }
0x161: {  	(xrf1) =	vsort.ascd.msk.f32 $0xffff, v48, v25;
	vm11 =	vge.f32 v23, v11;
	v7, v8, _ =	vpop (xrf1)  }
0x162: {  	(xrf1) =	vsort.ascd.msk.f32 $0xffff, v16, v25;
	v11 =	vsel vm11, v23, v11;
	v12 =	vsel vm11, v32, v12;
	v16, v23, _ =	vpop (xrf1)  }
0x163: {  	vm12 =	vge.f32 v16, v29;
	(xrf1) =	vsort.dscd.msk.f32 $0xffff, v11, v12;
	v11 =	vld [tilespmem:s0+$0x12100]  }
0x164: {  	s19 =	simm.s32 $0x280;
	s7 =	simm.s32 $0x50;
	v12 =	vsel vm12, v16, v29;
	v16 =	vsel vm12, v23, v30;
	(xrf1) =	vsort.ascd.msk.f32 $0xffff, v26, v22;
	v23, v26, _ =	vpop (xrf1)  }
0x165: {  	s8 =	sor.u32 s19, s7;
	(xrf1) =	vsort.dscd.msk.f32 $0xffff, v12, v16;
	vm13 =	vge.f32 v23, v24;
	v12 =	vld [tilespmem:s2+$0x12200];
	v29, v30, _ =	vpop (xrf1)  }
0x166: {  	s20 =	sor.u32 $0x380, s8;
	v16 =	vsel vm13, v23, v24;
	v23 =	vsel vm13, v26, v28;
	v24, v26, _ =	vpop (xrf1)  }
0x167: {  	(xrf1) =	vsort.dscd.msk.f32 $0xffff, v16, v23;
	v23 =	vld [tilespmem:s20+$0x12000];
	vm14 =	vge.f32 v24, v27;
	v28, v49, _ =	vpop (xrf1)  }
0x168: {  	(xrf1) =	vsort.ascd.msk.f32 $0xffff, v11, v25;
	v11 =	vsel vm14, v24, v27;
	v16 =	vsel vm14, v26, v31;
	v24, v26, _ =	vpop (xrf1)  }
0x169: {  	s19 =	sand.u32 $0x1C00, s19;
	s8 =	sand.u32 $0x70, s7;
	v31, v50, _ =	vpop (xrf1);
	(xrf1) =	vsort.dscd.msk.f32 $0xffff, v11, v16;
	vm15 =	vge.f32 v24, v7  }
0x16a: {  	s19 =	sor.u32 s8, s19;
	(xrf1) =	vsort.ascd.msk.f32 $0xffff, v12, v22;
	v7 =	vsel vm15, v24, v7;
	v8 =	vsel vm15, v26, v8;
	v24, v26, _ =	vpop (xrf1)  }
0x16b: {  	v27 =	vld [tilespmem:s19+$0x12000];
	v16 =	vor.u32 s7, v0;
	v11, v12, _ =	vpop (xrf1);
	vm4 =	vge.f32 v24, v28;
	(xrf1) =	vsort.dscd.msk.f32 $0xffff, v7, v8  }
0x16c: {  	v51 =	vld [tilespmem:s2+$0x12080];
	(xrf1) =	vsort.ascd.msk.f32 $0xffff, v23, v16;
	v7 =	vsel vm4, v24, v28;
	v23, v24, _ =	vpop (xrf1)  }
0x16d: {  	v8 =	vsel vm4, v26, v49;
	v28, v53, _ =	vpop (xrf1)  }
0x16e: {  	v52 =	vld [tilespmem:s19+$0x12300];
	vm5 =	vge.f32 v28, v21  }
0x16f: {  	v26 =	vld [tilespmem:s19+$0x12180];
	(xrf1) =	vsort.dscd.msk.f32 $0xffff, v7, v8;
	v21 =	vsel vm5, v28, v21  }
0x170: {  	(xrf1) =	vsort.ascd.msk.f32 $0xffff, v27, v16;
	v18 =	vsel vm5, v53, v18;
	v8, v7, _ =	vpop (xrf1)  }
0x171: {  	v27 =	vld [tilespmem:s0+$0x12280];
	(xrf1) =	vsort.ascd.msk.f32 $0xffff, v51, v22;
	v54, v37, _ =	vpop (xrf1)  }
0x172: {  	(xrf1) =	vsort.dscd.msk.f32 $0xffff, v21, v18;
	v22, v28, _ =	vpop (xrf1)  }
0x173: {  	(xrf1) =	vsort.ascd.msk.f32 $0xffff, v52, v16;
	vm6 =	vge.f32 v22, v29;
	v18, v21, _ =	vpop (xrf1)  }
0x174: {  	(xrf1) =	vsort.ascd.msk.f32 $0xffff, v26, v16;
	v22 =	vsel vm6, v22, v29;
	v26 =	vsel vm6, v28, v30;
	v28, v29, _ =	vpop (xrf1)  }
0x175: {  	vm7 =	vge.f32 v28, v54;
	(xrf1) =	vsort.dscd.msk.f32 $0xffff, v22, v26  }
0x176: {  	v26 =	vsel vm7, v28, v54;
	v28 =	vsel vm7, v29, v37;
	(xrf1) =	vsort.ascd.msk.f32 $0xffff, v27, v25;
	v27, v29, _ =	vpop (xrf1)  }
0x177: {  	v22 =	vld [tilespmem:s19+$0x12100];
	vm8 =	vge.f32 v27, v23  }
0x178: {  	v24 =	vsel vm8, v29, v24  }
0x179: {  	vm9 =	vge.f32 v15, v14;
	s2 =	simm.s32 $0x60;
	s7 =	simm.s32 $0x300;
	(xrf1) =	vsort.dscd.msk.f32 $0xffff, v26, v28;
	v26 =	vld [tilespmem:s0+$0x12200];
	v56, v55, _ =	vpop (xrf1);
	v23 =	vsel vm8, v27, v23  }
0x17a: {  	v14 =	vsel vm9, v15, v14;
	v13 =	vsel vm9, v17, v13;
	s8 =	sor.u32 s7, s2;
	v27, v28, _ =	vpop (xrf1);
	(xrf1) =	vsort.dscd.msk.f32 $0xffff, v23, v24  }
0x17b: {  	s20 =	sor.u32 $0x380, s8;
	vm10 =	vge.f32 v27, v31;
	v24, v29, _ =	vpop (xrf1);
	(xrf1) =	vsort.dscd.msk.f32 $0xffff, v14, v13  }
0x17c: {  	v17 =	vld [tilespmem:s20+$0x12000];
	(xrf1) =	vsort.ascd.msk.f32 $0xffff, v22, v16;
	v13 =	vsel vm10, v27, v31;
	v14 =	vsel vm10, v28, v50;
	v15, v27, _ =	vpop (xrf1)  }
0x17d: {  	v23, v22, _ =	vpop (xrf1);
	(xrf1) =	vsort.dscd.msk.f32 $0xffff, v13, v14;
	vm11 =	vge.f32 v15, v18  }
0x17e: {  	s7 =	sand.u32 $0x1C00, s7;
	s8 =	sand.u32 $0x70, s2;
	(xrf1) =	vsort.ascd.msk.f32 $0xffff, v26, v25;
	v21 =	vsel vm11, v27, v21;
	v26, v27, _ =	vpop (xrf1)  }
0x17f: {  	s7 =	sor.u32 s8, s7;
	v13 =	vsel vm11, v15, v18;
	vm12 =	vge.f32 v26, v24  }
0x180: {  	v28 =	vld [tilespmem:s7+$0x12000];
	v18 =	vor.u32 s2, v0;
	v15, v14, _ =	vpop (xrf1);
	(xrf1) =	vsort.dscd.msk.f32 $0xffff, v13, v21;
	v13 =	vsel vm12, v26, v24  }
0x181: {  	v31 =	vld [tilespmem:s0+$0x12080];
	(xrf1) =	vsort.ascd.msk.f32 $0xffff, v17, v18;
	v17 =	vsel vm12, v27, v29  }
0x182: {  	v30, v29, _ =	vpop (xrf1)  }
0x183: {  	v21 =	vld [tilespmem:s7+$0x12300];
	v26, v57, _ =	vpop (xrf1)  }
0x184: {  	(xrf1) =	vsort.dscd.msk.f32 $0xffff, v13, v17;
	v17, v13, _ =	vpop (xrf1)  }
0x185: {  	v27 =	vld [tilespmem:s7+$0x12180];
	(xrf1) =	vsort.ascd.msk.f32 $0xffff, v28, v18;
	vm13 =	vge.f32 v26, v20;
	v59, v60, _ =	vpop (xrf1)  }
0x186: {  	v58 =	vld [tilespmem:s19+$0x12280];
	(xrf1) =	vsort.ascd.msk.f32 $0xffff, v31, v25;
	v20 =	vsel vm13, v26, v20;
	v19 =	vsel vm13, v57, v19;
	v31, v61, _ =	vpop (xrf1)  }
0x187: {  	v24 =	vld [tilespmem:s19+$0x12200];
	(xrf1) =	vsort.dscd.msk.f32 $0xffff, v20, v19;
	vm14 =	vge.f32 v31, v56  }
0x188: {  	v25 =	vld [tilespmem:s19+$0x12080];
	(xrf1) =	vsort.ascd.msk.f32 $0xffff, v21, v18;
	v21 =	vsel vm14, v31, v56;
	v31 =	vsel vm14, v61, v55  }
0x189: {  	v20 =	vld [tilespmem:s7+$0x12280];
	v28, v26, _ =	vpop (xrf1)  }
0x18a: {  	v19 =	vld [tilespmem:s7+$0x12200];
	(xrf1) =	vsort.ascd.msk.f32 $0xffff, v27, v18;
	v62, v63, _ =	vpop (xrf1)  }
0x18b: {  	v27 =	vld [tilespmem:s7+$0x12100];
	vm15 =	vge.f32 v62, v59;
	(xrf1) =	vsort.dscd.msk.f32 $0xffff, v21, v31  }
0x18c: {  	s30 =	simm.s32 $0x70;
	s0 =	simm.s32 $0x380;
	v21 =	vld [tilespmem:s7+$0x12080];
	v33 =	vsel vm15, v62, v59;
	v34 =	vsel vm15, v63, v60;
	(xrf1) =	vsort.ascd.msk.f32 $0xffff, v58, v16;
	v32, v31, _ =	vpop (xrf1)  }
.LBB2_5:
0x18d: {  	s2 =	sand.u32 $0x70, s30  }
0x18e: {  	s7 =	sand.u32 $0x1C00, s0;
	s20 =	sor.u32 s0, s30;
	(xrf1) =	vsort.dscd.msk.f32 $0xffff, v33, v34;
	vm0 =	vge.f32 v32, v30;
	v33, v34, _ =	vpop (xrf1);
	s8 =	smov.u32 s30  }
0x18f: {  	s19 =	sor.u32 s2, s7;
	s7 =	sor.u32 $0x380, s20;
	s2 =	sadd.s32 $0x10, s30;
	v35, v36, _ =	vpop (xrf1);
	v30 =	vsel vm0, v32, v30;
	v29 =	vsel vm0, v31, v29;
	vm0 =	vge.f32 v33, v1  }
0x190: {  	v32, v37, _ =	vpop (xrf1);
	(xrf1) =	vsort.dscd.msk.f32 $0xffff, v30, v29;
	v29 =	vsel vm0, v33, v1  }
0x191: {  	p1 =	sne.s32 s30, $0x3F0;
	v31 =	vld [tilespmem:s19+$0x12300];
	v4 =	vsel vm0, v34, v4;
	v1 =	vmov v3  }
0x192: {  	v3 =	vmov v5;
	v5 =	vmov v8;
	v30 =	vld [tilespmem:s7+$0x12000];
	vm0 =	vge.f32 v32, v23;
	v33, v34, _ =	vpop (xrf1);
	(xrf1) =	vsort.dscd.msk.f32 $0xffff, v29, v4  }
0x193: {  	v8 =	vmov v17;
	v38 =	vld [tilespmem:s19+$0x12000];
	(xrf1) =	vsort.ascd.msk.f32 $0xffff, v27, v18;
	v39 =	vsel vm0, v32, v23;
	v27 =	vsel vm0, v37, v22;
	v29, v32, _ =	vpop (xrf1)  }
0x194: {  	v4 =	vmov v2;
	v2 =	vmov v6;
	v37 =	vld [tilespmem:s19+$0x12280];
	v23, v22, _ =	vpop (xrf1);
	(xrf1) =	vsort.dscd.msk.f32 $0xffff, v39, v27;
	vm0 =	vge.f32 v29, v28  }
0x195: {  	v27 =	vsel vm0, v29, v28;
	v17 =	vsel vm0, v32, v26;
	v26, v28, _ =	vpop (xrf1)  }
0x196: {  	vm0 =	vge.f32 v26, v33  }
0x197: {  	(xrf1) =	vsort.ascd.msk.f32 $0xffff, v24, v16;
	v24 =	vmov v19;
	v19 =	vld [tilespmem:s19+$0x12200];
	v42 =	vsel vm0, v26, v33;
	v26 =	vsel vm0, v28, v34  }
0x198: {  	v6 =	vmov v7;
	v32 =	vor.u32 s8, v0;
	v39 =	vld [tilespmem:s19+$0x12180];
	v40, v41, _ =	vpop (xrf1);
	(xrf1) =	vsort.dscd.msk.f32 $0xffff, v27, v17  }
0x199: {  	v7 =	vmov v13;
	v27 =	vld [tilespmem:s19+$0x12100];
	(xrf1) =	vsort.ascd.msk.f32 $0xffff, v30, v32;
	v30, v29, _ =	vpop (xrf1)  }
0x19a: {  	v33 =	vmov v21;
	(xrf1) =	vsort.dscd.msk.f32 $0xffff, v42, v26;
	v26, v28, _ =	vpop (xrf1)  }
0x19b: {  	(xrf1) =	vsort.ascd.msk.f32 $0xffff, v38, v32;
	v17, v13, _ =	vpop (xrf1);
	vm0 =	vge.f32 v26, v9  }
0x19c: {  	v34, v38, _ =	vpop (xrf1);
	(xrf1) =	vsort.ascd.msk.f32 $0xffff, v25, v16;
	v21 =	vsel vm0, v26, v9;
	v43 =	vsel vm0, v28, v10;
	v16 =	vmov v18  }
.Ltmp3:
0x19d: {  	v18 =	vmov v32;
	v9 =	vmov v11;
	v11 =	vmov v15;
	v25, v42, _ =	vpop (xrf1);
	(xrf1) =	vsort.dscd.msk.f32 $0xffff, v21, v43;
	(pc) =	sbr.rel @p1 .LBB2_5-.Ltmp3, $4  }
0x19e: {  	v15 =	vmov v40;
	v10 =	vmov v12;
	(xrf1) =	vsort.ascd.msk.f32 $0xffff, v31, v18;
	vm0 =	vge.f32 v25, v35;
	v28, v26, _ =	vpop (xrf1)  }
0x19f: {  	v12 =	vmov v14;
	v21 =	vld [tilespmem:s19+$0x12080];
	(xrf1) =	vsort.ascd.msk.f32 $0xffff, v39, v18;
	v39 =	vsel vm0, v25, v35;
	v36 =	vsel vm0, v42, v36;
	v32, v35, _ =	vpop (xrf1)  }
0x1a0: {  	v14 =	vmovc v41;
	v25 =	vmov v33;
	vm0 =	vge.f32 v32, v34;
	(xrf1) =	vsort.dscd.msk.f32 $0xffff, v39, v36  }
0x1a1: {  	s0 =	sadd.s32 $0x80, s0;
	s30 =	smov.u32 s2;
	v33 =	vsel vm0, v32, v34;
	v34 =	vsel vm0, v35, v38;
	(xrf1) =	vsort.ascd.msk.f32 $0xffff, v20, v16;
	v32, v31, _ =	vpop (xrf1);
	v20 =	vmov v37  }
0x1a2: {  	(xrf1) =	vsort.dscd.msk.f32 $0xffff, v33, v34;
	vm0 =	vge.f32 v32, v30;
	v33, v34, _ =	vpop (xrf1)  }
0x1a3: {  	v30 =	vsel vm0, v32, v30;
	vm4 =	vge.f32 v33, v1  }
0x1a4: {  	v35, v36, _ =	vpop (xrf1);
	v29 =	vsel vm0, v31, v29;
	v4 =	vsel vm4, v34, v4  }
0x1a5: {  	v50, v49, _ =	vpop (xrf1);
	v1 =	vsel vm4, v33, v1  }
0x1a6: {  	vm5 =	vge.f32 v50, v23  }
0x1a7: {  	(xrf1) =	vsort.dscd.msk.f32 $0xffff, v30, v29;
	v23 =	vsel vm5, v50, v23;
	v29, v30, _ =	vpop (xrf1)  }
0x1a8: {  	v22 =	vsel vm5, v49, v22;
	(xrf1) =	vsort.dscd.msk.f32 $0xffff, v1, v4;
	v1, v4, _ =	vpop (xrf1)  }
0x1a9: {  	(xrf1) =	vsort.ascd.msk.f32 $0xffff, v27, v18;
	v51, v52, _ =	vpop (xrf1);
	vm6 =	vge.f32 v1, v28  }
0x1aa: {  	(xrf1) =	vsort.dscd.msk.f32 $0xffff, v23, v22;
	v53, v54, _ =	vpop (xrf1);
	v1 =	vsel vm6, v1, v28  }
0x1ab: {  	v4 =	vsel vm6, v4, v26;
	v22, v23, _ =	vpop (xrf1);
	(xrf1) =	vsort.ascd.msk.f32 $0xffff, v24, v16;
	vm7 =	vge.f32 v53, v29  }
0x1ac: {  	v56, v55, _ =	vpop (xrf1);
	(xrf1) =	vsort.dscd.msk.f32 $0xffff, v1, v4;
	v1 =	vsel vm7, v53, v29  }
0x1ad: {  	v58, v57, _ =	vpop (xrf1)  }
0x1ae: {  	v59 =	vsel vm7, v54, v30;
	v27, v29, _ =	vpop (xrf1)  }
0x1af: {  	(xrf1) =	vsort.dscd.msk.f32 $0xffff, v1, v59;
	v1, v4, _ =	vpop (xrf1)  }
0x1b0: {  	(xrf1) =	vsort.ascd.msk.f32 $0xffff, v25, v16;
	v16, v25, _ =	vpop (xrf1)  }
0x1b1: {  	v60, v61, _ =	vpop (xrf1)  }
0x1b2: {  	vm8 =	vge.f32 v58, v9;
	v30, v31, _ =	vpop (xrf1)  }
0x1b3: {  	v9 =	vsel vm8, v58, v9;
	v10 =	vsel vm8, v57, v10;
	vm10 =	vge.f32 v30, v1  }
0x1b4: {  	(xrf1) =	vsort.dscd.msk.f32 $0xffff, v9, v10;
	vm9 =	vge.f32 v16, v35;
	v4 =	vsel vm10, v31, v4  }
0x1b5: {  	v62 =	vsel vm9, v16, v35;
	v63 =	vsel vm9, v25, v36;
	v1 =	vsel vm10, v30, v1  }
0x1b6: {  	(xrf1) =	vsort.dscd.msk.f32 $0xffff, v62, v63  }
0x1b7: {  	v9, v10, _ =	vpop (xrf1);
	(xrf1) =	vsort.ascd.msk.f32 $0xffff, v20, v18  }
0x1b8: {  	(xrf1) =	vsort.dscd.msk.f32 $0xffff, v1, v4;
	v1, v4, _ =	vpop (xrf1)  }
0x1b9: {  	vm12 =	vge.f32 v1, v3  }
0x1ba: {  	v2 =	vsel vm12, v4, v2  }
0x1bb: {  	vm11 =	vge.f32 v9, v56;
	v1 =	vsel vm12, v1, v3  }
0x1bc: {  	v9 =	vsel vm11, v9, v56;
	v10 =	vsel vm11, v10, v55  }
0x1bd: {  	(xrf1) =	vsort.dscd.msk.f32 $0xffff, v9, v10  }
0x1be: {  	(xrf1) =	vsort.dscd.msk.f32 $0xffff, v1, v2;
	v1, v2, _ =	vpop (xrf1)  }
0x1bf: {  	v3, v35, _ =	vpop (xrf1)  }
0x1c0: {  	vm13 =	vge.f32 v3, v51  }
0x1c1: {  	v4 =	vsel vm13, v35, v52  }
0x1c2: {  	v3 =	vsel vm13, v3, v51  }
0x1c3: {  	v9, v10, _ =	vpop (xrf1)  }
0x1c4: {  	v36, v37, _ =	vpop (xrf1)  }
0x1c5: {  	(xrf1) =	vsort.dscd.msk.f32 $0xffff, v3, v4;
	v3, v4, _ =	vpop (xrf1)  }
0x1c6: {  	vm15 =	vge.f32 v3, v9  }
0x1c7: {  	v4 =	vsel vm15, v4, v10  }
0x1c8: {  	vm14 =	vge.f32 v36, v60;
	v3 =	vsel vm15, v3, v9  }
0x1c9: {  	(xrf1) =	vsort.ascd.msk.f32 $0xffff, v19, v18;
	v16 =	vsel vm14, v36, v60;
	v38 =	vsel vm14, v37, v61;
	v40, v39, _ =	vpop (xrf1)  }
0x1ca: {  	(xrf1) =	vsort.dscd.msk.f32 $0xffff, v16, v38;
	v41, v42, _ =	vpop (xrf1)  }
0x1cb: {  	(xrf1) =	vsort.dscd.msk.f32 $0xffff, v3, v4;
	v3, v4, _ =	vpop (xrf1)  }
0x1cc: {  	vm5 =	vge.f32 v3, v1  }
0x1cd: {  	v2 =	vsel vm5, v4, v2  }
0x1ce: {  	vm4 =	vge.f32 v41, v11;
	v43, v44, _ =	vpop (xrf1);
	v1 =	vsel vm5, v3, v1  }
0x1cf: {  	(xrf1) =	vsort.ascd.msk.f32 $0xffff, v21, v18;
	v9 =	vsel vm4, v41, v11;
	v10 =	vsel vm4, v42, v12;
	v45, v46, _ =	vpop (xrf1)  }
0x1d0: {  	(xrf1) =	vsort.dscd.msk.f32 $0xffff, v9, v10;
	v3, v47, _ =	vpop (xrf1)  }
0x1d1: {  	(xrf1) =	vsort.dscd.msk.f32 $0xffff, v1, v2;
	v1, v2, _ =	vpop (xrf1)  }
0x1d2: {  	vm7 =	vge.f32 v1, v5  }
0x1d3: {  	vm6 =	vge.f32 v3, v40;
	v2 =	vsel vm7, v2, v6  }
0x1d4: {  	v3 =	vsel vm6, v3, v40;
	v1 =	vsel vm7, v1, v5  }
0x1d5: {  	v4 =	vsel vm6, v47, v39  }
0x1d6: {  	(xrf1) =	vsort.dscd.msk.f32 $0xffff, v3, v4  }
0x1d7: {  	(xrf1) =	vsort.dscd.msk.f32 $0xffff, v1, v2;
	v1, v2, _ =	vpop (xrf1)  }
0x1d8: {  	v1, v3, _ =	vpop (xrf1)  }
0x1d9: {  	v48, v49, _ =	vpop (xrf1)  }
0x1da: {  	vm8 =	vge.f32 v48, v43  }
0x1db: {  	v5 =	vsel vm8, v49, v44  }
0x1dc: {  	v4 =	vsel vm8, v48, v43  }
0x1dd: {  	v51, v50, _ =	vpop (xrf1)  }
0x1de: {  	v52, v11, _ =	vpop (xrf1)  }
0x1df: {  	vm9 =	vge.f32 v51, v1;
	(xrf1) =	vsort.dscd.msk.f32 $0xffff, v4, v5;
	v4, v5, _ =	vpop (xrf1)  }
0x1e0: {  	v1 =	vsel vm9, v51, v1;
	v3 =	vsel vm9, v50, v3;
	vm10 =	vge.f32 v4, v15  }
0x1e1: {  	v53, v54, _ =	vpop (xrf1);
	(xrf1) =	vsort.dscd.msk.f32 $0xffff, v1, v3;
	v3 =	vsel vm10, v5, v14  }
0x1e2: {  	v1 =	vsel vm10, v4, v15;
	_ =	sdelay $0x1  }
0x1e3: {  	v55, v56, _ =	vpop (xrf1)  }
0x1e4: {  	(xrf1) =	vsort.dscd.msk.f32 $0xffff, v1, v3;
	vm11 =	vge.f32 v55, v52;
	v1, v3, _ =	vpop (xrf1)  }
0x1e5: {  	v4 =	vsel vm11, v55, v52;
	v5 =	vsel vm11, v56, v11;
	vm12 =	vge.f32 v1, v8  }
0x1e6: {  	(xrf1) =	vsort.dscd.msk.f32 $0xffff, v4, v5;
	v1 =	vsel vm12, v1, v8;
	v3 =	vsel vm12, v3, v7  }
0x1e7: {  	(xrf1) =	vsort.dscd.msk.f32 $0xffff, v1, v3;
	_ =	sdelay $0x9  }
0x1e8: {  	v1, v3, _ =	vpop (xrf1)  }
0x1e9: {  	v1, v57, _ =	vpop (xrf1)  }
0x1ea: {  	v1, v58, _ =	vpop (xrf1)  }
0x1eb: {  	v59, v60, _ =	vpop (xrf1)  }
0x1ec: {  	vm13 =	vge.f32 v1, v22;
	v6, v61, _ =	vpop (xrf1)  }
0x1ed: {  	v1 =	vsel vm13, v1, v22;
	v5 =	vsel vm13, v58, v23;
	vm14 =	vge.f32 v6, v17  }
0x1ee: {  	(xrf1) =	vsort.dscd.msk.f32 $0xffff, v1, v5;
	v1 =	vsel vm14, v6, v17;
	v62 =	vsel vm14, v61, v13  }
0x1ef: {  	(xrf1) =	vsort.dscd.msk.f32 $0xffff, v1, v62;
	_ =	sdelay $0xc  }
0x1f0: {  	v1, v5, _ =	vpop (xrf1)  }
0x1f1: {  	v1, v6, _ =	vpop (xrf1)  }
0x1f2: {  	vm15 =	vge.f32 v1, v27  }
0x1f3: {  	v1 =	vsel vm15, v1, v27;
	v6 =	vsel vm15, v6, v29  }
0x1f4: {  	(xrf1) =	vsort.dscd.msk.f32 $0xffff, v1, v6;
	_ =	sdelay $0x7  }
0x1f5: {  	s0 =	simm.s32 $0x14040  }
0x1f6: {  	s2 =	simm.s32 $0x14048;
	[tilespmem:s0+$0x0] =	vst.msk $0xff, v5  }
0x1f7: {  	s7 =	simm.s32 $0x14050;
	[tilespmem:s2+$0x0] =	vst.msk $0xff, v60  }
0x1f8: {  	s8 =	simm.s32 $0x14058;
	[tilespmem:s7+$0x0] =	vst.msk $0xff, v54  }
0x1f9: {  	s19 =	simm.s32 $0x14060;
	[tilespmem:s8+$0x0] =	vst.msk $0xff, v46  }
0x1fa: {  	s20 =	simm.s32 $0x14068;
	[tilespmem:s19+$0x0] =	vst.msk $0xff, v57  }
0x1fb: {  	s0 =	sadd.s32 @!p0 s29, s10;
	[tilespmem:s20+$0x0] =	vst.msk $0xff, v3;
	v1, v63, _ =	vpop (xrf1)  }
0x1fc: {  	s30 =	sshll.u32 s28, $0x4;
	s28 =	sadd.s32 $0x1, s28;
	s0 =	sshll.u32 @!p0 s0, $0xA;
	[tilespmem:s14+$0x0] =	vst.msk $0xff, v63  }
0x1fd: {  	s2 =	simm.s32 @!p0 $0x0;
	s0 =	sadd.s32 @!p0 s1, s0;
	s7 =	simm.s32 @!p0 $0x12000;
	[tilespmem:s18+$0x0] =	vst.msk $0xff, v2  }
0x1fe: {  	[tilespmem:s7], [sflag:$0x2] =	stream.linear.gather @!p0 [hbm4b:s0+s2], $0x2000, $0x38;
	[tilespmem:$0x18900] =	vst v63  }
0x1ff: {  	p0 =	sne.s32 s28, $0x20  }
.Ltmp4:
0x200: {  	s0 =	sadd.s32 s30, s11;
	(pc) =	sbr.rel @p0 .LBB2_2-.Ltmp4, $4  }
0x201: {  	[hbm4b:s0+s4] =	stream.linear.scatter [tilespmem:s22], [sflag:$0x8], $0x80, $0x38;
	[tilespmem:$0x18900] =	vst v63  }
0x202: {  	_ =	swait.ge [sflag:s6], $0x80  }
0x203: {  	[sflag:s6] =	ssyncset.done $0x0  }
0x204: {  	[sflag:s6] =	ssyncadd.s32 $0xFFFFFF80  }
0x205: {  	[bflag:$0x0] =	sbarrier.arrive $0xFFFF;
	s0 =	simm.s32 $0x3  }
0x206: {  	_ =	swait.ge [sflag:s0], $0x10000  }
0x207: {  	s28 =	simm.s32 $0x0;
	[sflag:s0] =	ssyncset.done $0x0  }
0x208: {  	s2 =	simm.s32 $0x14100;
	s29 =	rddreg [dreg:$0x7];
	[sflag:s0] =	ssyncadd.s32 $0xFFFF0000  }
0x209: {  	[tilespmem:s2], [sflag:$0x4] =	stream.linear.gather [hbm4b:s29+s28], $0x400, $0x38;
	[tilespmem:$0x18900] =	vst v63  }
0x20a: {  	s30 =	rddreg [dreg:$0x8]  }
0x20b: {  	[tilespmem:s12], [sflag:$0x5] =	stream.linear.gather [hbm4b:s30+s28], $0x400, $0x38;
	[tilespmem:$0x18900] =	vst v63  }
.LBB2_8:
0x20c: {  	_ =	swait.ge [sflag:s23], $0x400  }
0x20d: {  	p0 =	seq.s32 s28, $0x0;
	[sflag:s23] =	ssyncset.done $0x0  }
0x20e: {  	s0 =	simm.s32 @!p0 $0x6;
	[sflag:s23] =	ssyncadd.s32 $0xFFFFFC00  }
0x20f: {  	_ =	swait.ge @!p0 [sflag:s0], $0x2000  }
0x210: {  	s29 =	sshll.u32 s28, $0x8;
	s30 =	simm.s32 $0xFFFFFFFE;
	[sflag:s0] =	ssyncset.done @!p0 $0x0  }
0x211: {  	s2 =	simm.s32 $0x14980;
	[sflag:s0] =	ssyncadd.s32 @!p0 $0xFFFFE000;
	s0 =	simm.s32 $0x14110  }
.LBB2_9:
0x212: {  	v1 =	vld [tilespmem:s0+$0xFFFFFFF0];
	_ =	sdelay $0x4  }
0x213: {  	v1 =	vshll.u32 v1, $0x8  }
0x214: {  	v1 =	vshra.s32 v1, $0x2  }
0x215: {  	(v2sf) =	vpush v1, $0x0;
	_ =	sdelay $0x3  }
0x216: {  	(v2sf) =	vpush v1, $0x1;
	_ =	sdelay $0x3  }
0x217: {  	(v2sf) =	vpush v1, $0x2;
	_ =	sdelay $0x3  }
0x218: {  	(v2sf) =	vpush v1, $0x3;
	_ =	sdelay $0x2  }
0x219: {  	s7 =	spop (v2sf)  }
0x21a: {  	(v2sf) =	vpush v1, $0x4;
	v2 =	vld [tilespmem:s7+$0x0]  }
0x21b: {  	v3 =	vld [tilespmem:s7+$0x10]  }
0x21c: {  	v4 =	vld [tilespmem:s7+$0x20]  }
0x21d: {  	v5 =	vld [tilespmem:s7+$0x30];
	s20 =	spop (v2sf)  }
0x21e: {  	(v2sf) =	vpush v1, $0x5;
	v6 =	vld [tilespmem:s20+$0x0]  }
0x21f: {  	v7 =	vld [tilespmem:s20+$0x10]  }
0x220: {  	v8 =	vld [tilespmem:s20+$0x20]  }
0x221: {  	v9 =	vld [tilespmem:s20+$0x30];
	s8 =	spop (v2sf)  }
0x222: {  	(v2sf) =	vpush v1, $0x6;
	v10 =	vld [tilespmem:s8+$0x0]  }
0x223: {  	v11 =	vld [tilespmem:s8+$0x10]  }
0x224: {  	v12 =	vld [tilespmem:s8+$0x20]  }
0x225: {  	v13 =	vld [tilespmem:s8+$0x30];
	s19 =	spop (v2sf)  }
0x226: {  	(v2sf) =	vpush v1, $0x7;
	v14 =	vld [tilespmem:s19+$0x0]  }
0x227: {  	v15 =	vld [tilespmem:s19+$0x10]  }
0x228: {  	v16 =	vld [tilespmem:s19+$0x20]  }
0x229: {  	v17 =	vld [tilespmem:s19+$0x30];
	s20 =	spop (v2sf)  }
0x22a: {  	v18 =	vld [tilespmem:s20+$0x0]  }
0x22b: {  	v19 =	vld [tilespmem:s20+$0x10]  }
0x22c: {  	v20 =	vld [tilespmem:s20+$0x20]  }
0x22d: {  	v21 =	vld [tilespmem:s20+$0x30];
	s8 =	spop (v2sf)  }
0x22e: {  	v2 =	vadd.f32 v6, v2;
	v46 =	vld [tilespmem:s8+$0x0]  }
0x22f: {  	v3 =	vadd.f32 v7, v3;
	v4 =	vadd.f32 v8, v4;
	v47 =	vld [tilespmem:s8+$0x10]  }
0x230: {  	v5 =	vadd.f32 v9, v5;
	v2 =	vadd.f32 v10, v2;
	v48 =	vld [tilespmem:s8+$0x20]  }
0x231: {  	v3 =	vadd.f32 v11, v3;
	(v2sf) =	vpush v1, $0x8;
	v49 =	vld [tilespmem:s8+$0x30];
	s19 =	spop (v2sf)  }
0x232: {  	v4 =	vadd.f32 v12, v4;
	v5 =	vadd.f32 v13, v5;
	v50 =	vld [tilespmem:s19+$0x0]  }
0x233: {  	v2 =	vadd.f32 v14, v2;
	v3 =	vadd.f32 v15, v3;
	v51 =	vld [tilespmem:s19+$0x10]  }
0x234: {  	v4 =	vadd.f32 v16, v4;
	v5 =	vadd.f32 v17, v5;
	v52 =	vld [tilespmem:s19+$0x20]  }
0x235: {  	(v2sf) =	vpush v1, $0x9;
	v53 =	vld [tilespmem:s19+$0x30];
	s20 =	spop (v2sf);
	v2 =	vadd.f32 v18, v2  }
0x236: {  	(v2sf) =	vpush v1, $0xA;
	v54 =	vld [tilespmem:s20+$0x0];
	v3 =	vadd.f32 v19, v3  }
0x237: {  	v55 =	vld [tilespmem:s20+$0x10];
	v4 =	vadd.f32 v20, v4;
	v2 =	vadd.f32 v46, v2  }
0x238: {  	v56 =	vld [tilespmem:s20+$0x20];
	v5 =	vadd.f32 v21, v5;
	v3 =	vadd.f32 v47, v3  }
0x239: {  	v57 =	vld [tilespmem:s20+$0x30];
	v4 =	vadd.f32 v48, v4;
	v2 =	vadd.f32 v50, v2  }
0x23a: {  	v5 =	vadd.f32 v49, v5;
	v3 =	vadd.f32 v51, v3  }
0x23b: {  	v4 =	vadd.f32 v52, v4;
	v2 =	vadd.f32 v54, v2  }
0x23c: {  	v5 =	vadd.f32 v53, v5;
	v3 =	vadd.f32 v55, v3  }
0x23d: {  	(v2sf) =	vpush v1, $0xB;
	v4 =	vadd.f32 v56, v4;
	[tilespmem:s2+$0xFFFFFF80] =	vst v2  }
0x23e: {  	v2 =	vadd.f32 v57, v5;
	[tilespmem:s2+$0xFFFFFF90] =	vst v3  }
0x23f: {  	[tilespmem:s2+$0xFFFFFFA0] =	vst v4  }
0x240: {  	s8 =	spop (v2sf);
	[tilespmem:s2+$0xFFFFFFB0] =	vst v2  }
0x241: {  	(v2sf) =	vpush v1, $0xC;
	v2 =	vld [tilespmem:s8+$0x0]  }
0x242: {  	v3 =	vld [tilespmem:s8+$0x10]  }
0x243: {  	v4 =	vld [tilespmem:s8+$0x20]  }
0x244: {  	s19 =	spop (v2sf);
	v58 =	vld [tilespmem:s8+$0x30]  }
0x245: {  	(v2sf) =	vpush v1, $0xD;
	v59 =	vld [tilespmem:s19+$0x0]  }
0x246: {  	v60 =	vld [tilespmem:s19+$0x10]  }
0x247: {  	v61 =	vld [tilespmem:s19+$0x20]  }
0x248: {  	v62 =	vld [tilespmem:s19+$0x30];
	s20 =	spop (v2sf)  }
0x249: {  	(v2sf) =	vpush v1, $0xE;
	v63 =	vld [tilespmem:s20+$0x0]  }
0x24a: {  	v24 =	vld [tilespmem:s20+$0x10]  }
0x24b: {  	v25 =	vld [tilespmem:s20+$0x20]  }
0x24c: {  	v26 =	vld [tilespmem:s20+$0x30];
	s8 =	spop (v2sf)  }
0x24d: {  	(v2sf) =	vpush v1, $0xF;
	v27 =	vld [tilespmem:s8+$0x0]  }
0x24e: {  	v1 =	vld [tilespmem:s8+$0x10]  }
0x24f: {  	v28 =	vld [tilespmem:s8+$0x20]  }
0x250: {  	v29 =	vld [tilespmem:s8+$0x30];
	s19 =	spop (v2sf)  }
0x251: {  	v30 =	vld [tilespmem:s19+$0x0]  }
0x252: {  	v31 =	vld [tilespmem:s19+$0x10]  }
0x253: {  	v32 =	vld [tilespmem:s19+$0x20]  }
0x254: {  	v33 =	vld [tilespmem:s19+$0x30];
	s20 =	spop (v2sf)  }
0x255: {  	v34 =	vld [tilespmem:s20+$0x0]  }
0x256: {  	v2 =	vadd.f32 v59, v2;
	v35 =	vld [tilespmem:s20+$0x10]  }
0x257: {  	v3 =	vadd.f32 v60, v3;
	v36 =	vld [tilespmem:s20+$0x20]  }
0x258: {  	v4 =	vadd.f32 v61, v4;
	v2 =	vadd.f32 v63, v2;
	v37 =	vld [tilespmem:s20+$0x30];
	s8 =	spop (v2sf)  }
0x259: {  	v5 =	vadd.f32 v62, v58;
	v3 =	vadd.f32 v24, v3;
	v38 =	vld [tilespmem:s8+$0x0]  }
0x25a: {  	v4 =	vadd.f32 v25, v4;
	v2 =	vadd.f32 v27, v2;
	v39 =	vld [tilespmem:s8+$0x10]  }
0x25b: {  	v5 =	vadd.f32 v26, v5;
	v1 =	vadd.f32 v1, v3;
	v3 =	vld [tilespmem:s8+$0x20]  }
0x25c: {  	v4 =	vadd.f32 v28, v4;
	v40 =	vld [tilespmem:s8+$0x30];
	s19 =	spop (v2sf);
	v2 =	vadd.f32 v30, v2  }
0x25d: {  	v5 =	vadd.f32 v29, v5;
	v41 =	vld [tilespmem:s19+$0x0];
	v1 =	vadd.f32 v31, v1  }
0x25e: {  	v42 =	vld [tilespmem:s19+$0x10];
	v4 =	vadd.f32 v32, v4;
	v2 =	vadd.f32 v34, v2  }
0x25f: {  	v43 =	vld [tilespmem:s19+$0x20];
	v5 =	vadd.f32 v33, v5;
	v1 =	vadd.f32 v35, v1  }
0x260: {  	v44 =	vld [tilespmem:s19+$0x30];
	v4 =	vadd.f32 v36, v4;
	v2 =	vadd.f32 v38, v2  }
0x261: {  	v5 =	vadd.f32 v37, v5;
	v1 =	vadd.f32 v39, v1  }
0x262: {  	v3 =	vadd.f32 v3, v4;
	v2 =	vadd.f32 v41, v2  }
0x263: {  	v45 =	vadd.f32 v40, v5;
	v1 =	vadd.f32 v42, v1  }
0x264: {  	v3 =	vadd.f32 v43, v3;
	[tilespmem:s2+$0xFFFFFFC0] =	vst v2  }
0x265: {  	v2 =	vadd.f32 v44, v45;
	[tilespmem:s2+$0xFFFFFFD0] =	vst v1  }
0x266: {  	[tilespmem:s2+$0xFFFFFFE0] =	vst v3  }
0x267: {  	[tilespmem:s2+$0xFFFFFFF0] =	vst v2  }
0x268: {  	v1 =	vld [tilespmem:s0+$0x0];
	_ =	sdelay $0x4  }
0x269: {  	v1 =	vshll.u32 v1, $0x8  }
0x26a: {  	v1 =	vshra.s32 v1, $0x2  }
0x26b: {  	(v2sf) =	vpush v1, $0x0;
	_ =	sdelay $0x3  }
0x26c: {  	(v2sf) =	vpush v1, $0x1;
	_ =	sdelay $0x3  }
0x26d: {  	(v2sf) =	vpush v1, $0x2;
	_ =	sdelay $0x3  }
0x26e: {  	(v2sf) =	vpush v1, $0x3;
	_ =	sdelay $0x2  }
0x26f: {  	s20 =	spop (v2sf)  }
0x270: {  	(v2sf) =	vpush v1, $0x4;
	v2 =	vld [tilespmem:s20+$0x0]  }
0x271: {  	v3 =	vld [tilespmem:s20+$0x10]  }
0x272: {  	v46 =	vld [tilespmem:s20+$0x20]  }
0x273: {  	v47 =	vld [tilespmem:s20+$0x30];
	s8 =	spop (v2sf)  }
0x274: {  	(v2sf) =	vpush v1, $0x5;
	v48 =	vld [tilespmem:s8+$0x0]  }
0x275: {  	v49 =	vld [tilespmem:s8+$0x10]  }
0x276: {  	v50 =	vld [tilespmem:s8+$0x20]  }
0x277: {  	v51 =	vld [tilespmem:s8+$0x30];
	s19 =	spop (v2sf)  }
0x278: {  	(v2sf) =	vpush v1, $0x6;
	v52 =	vld [tilespmem:s19+$0x0]  }
0x279: {  	v53 =	vld [tilespmem:s19+$0x10]  }
0x27a: {  	v54 =	vld [tilespmem:s19+$0x20]  }
0x27b: {  	v55 =	vld [tilespmem:s19+$0x30];
	s20 =	spop (v2sf)  }
0x27c: {  	(v2sf) =	vpush v1, $0x7;
	v56 =	vld [tilespmem:s20+$0x0]  }
0x27d: {  	v57 =	vld [tilespmem:s20+$0x10]  }
0x27e: {  	v58 =	vld [tilespmem:s20+$0x20]  }
0x27f: {  	v59 =	vld [tilespmem:s20+$0x30];
	s8 =	spop (v2sf)  }
0x280: {  	v60 =	vld [tilespmem:s8+$0x0]  }
0x281: {  	v61 =	vld [tilespmem:s8+$0x10]  }
0x282: {  	v62 =	vld [tilespmem:s8+$0x20]  }
0x283: {  	v63 =	vld [tilespmem:s8+$0x30];
	s19 =	spop (v2sf)  }
0x284: {  	v2 =	vadd.f32 v48, v2;
	v24 =	vld [tilespmem:s19+$0x0]  }
0x285: {  	v3 =	vadd.f32 v49, v3;
	v4 =	vadd.f32 v50, v46;
	v25 =	vld [tilespmem:s19+$0x10]  }
0x286: {  	v5 =	vadd.f32 v51, v47;
	v2 =	vadd.f32 v52, v2;
	v26 =	vld [tilespmem:s19+$0x20]  }
0x287: {  	v3 =	vadd.f32 v53, v3;
	(v2sf) =	vpush v1, $0x8;
	v27 =	vld [tilespmem:s19+$0x30];
	s20 =	spop (v2sf)  }
0x288: {  	v4 =	vadd.f32 v54, v4;
	v5 =	vadd.f32 v55, v5;
	v28 =	vld [tilespmem:s20+$0x0]  }
0x289: {  	v2 =	vadd.f32 v56, v2;
	v3 =	vadd.f32 v57, v3;
	v29 =	vld [tilespmem:s20+$0x10]  }
0x28a: {  	v4 =	vadd.f32 v58, v4;
	v5 =	vadd.f32 v59, v5;
	v30 =	vld [tilespmem:s20+$0x20]  }
0x28b: {  	(v2sf) =	vpush v1, $0x9;
	v31 =	vld [tilespmem:s20+$0x30];
	s8 =	spop (v2sf);
	v2 =	vadd.f32 v60, v2  }
0x28c: {  	(v2sf) =	vpush v1, $0xA;
	v32 =	vld [tilespmem:s8+$0x0];
	v3 =	vadd.f32 v61, v3  }
0x28d: {  	v33 =	vld [tilespmem:s8+$0x10];
	v4 =	vadd.f32 v62, v4;
	v2 =	vadd.f32 v24, v2  }
0x28e: {  	v34 =	vld [tilespmem:s8+$0x20];
	v5 =	vadd.f32 v63, v5;
	v3 =	vadd.f32 v25, v3  }
0x28f: {  	v35 =	vld [tilespmem:s8+$0x30];
	v4 =	vadd.f32 v26, v4;
	v2 =	vadd.f32 v28, v2  }
0x290: {  	v5 =	vadd.f32 v27, v5;
	v3 =	vadd.f32 v29, v3  }
0x291: {  	v4 =	vadd.f32 v30, v4;
	v2 =	vadd.f32 v32, v2  }
0x292: {  	v5 =	vadd.f32 v31, v5;
	v3 =	vadd.f32 v33, v3  }
0x293: {  	(v2sf) =	vpush v1, $0xB;
	v4 =	vadd.f32 v34, v4;
	[tilespmem:s2+$0x0] =	vst v2  }
0x294: {  	v2 =	vadd.f32 v35, v5;
	[tilespmem:s2+$0x10] =	vst v3  }
0x295: {  	[tilespmem:s2+$0x20] =	vst v4  }
0x296: {  	s19 =	spop (v2sf);
	[tilespmem:s2+$0x30] =	vst v2  }
0x297: {  	(v2sf) =	vpush v1, $0xC;
	v2 =	vld [tilespmem:s19+$0x0]  }
0x298: {  	v3 =	vld [tilespmem:s19+$0x10]  }
0x299: {  	v4 =	vld [tilespmem:s19+$0x20]  }
0x29a: {  	s20 =	spop (v2sf);
	v36 =	vld [tilespmem:s19+$0x30]  }
0x29b: {  	(v2sf) =	vpush v1, $0xD;
	v37 =	vld [tilespmem:s20+$0x0]  }
0x29c: {  	v38 =	vld [tilespmem:s20+$0x10]  }
0x29d: {  	v39 =	vld [tilespmem:s20+$0x20]  }
0x29e: {  	v40 =	vld [tilespmem:s20+$0x30];
	s8 =	spop (v2sf)  }
0x29f: {  	(v2sf) =	vpush v1, $0xE;
	v41 =	vld [tilespmem:s8+$0x0]  }
0x2a0: {  	v42 =	vld [tilespmem:s8+$0x10]  }
0x2a1: {  	v43 =	vld [tilespmem:s8+$0x20]  }
0x2a2: {  	v44 =	vld [tilespmem:s8+$0x30];
	s19 =	spop (v2sf)  }
0x2a3: {  	(v2sf) =	vpush v1, $0xF;
	v45 =	vld [tilespmem:s19+$0x0]  }
0x2a4: {  	v1 =	vld [tilespmem:s19+$0x10]  }
0x2a5: {  	v46 =	vld [tilespmem:s19+$0x20]  }
0x2a6: {  	v47 =	vld [tilespmem:s19+$0x30];
	s20 =	spop (v2sf)  }
0x2a7: {  	v48 =	vld [tilespmem:s20+$0x0]  }
0x2a8: {  	v49 =	vld [tilespmem:s20+$0x10]  }
0x2a9: {  	v50 =	vld [tilespmem:s20+$0x20]  }
0x2aa: {  	v51 =	vld [tilespmem:s20+$0x30];
	s8 =	spop (v2sf)  }
0x2ab: {  	v52 =	vld [tilespmem:s8+$0x0]  }
0x2ac: {  	v2 =	vadd.f32 v37, v2;
	v53 =	vld [tilespmem:s8+$0x10]  }
0x2ad: {  	v3 =	vadd.f32 v38, v3;
	v54 =	vld [tilespmem:s8+$0x20]  }
0x2ae: {  	v4 =	vadd.f32 v39, v4;
	v2 =	vadd.f32 v41, v2;
	v55 =	vld [tilespmem:s8+$0x30];
	s19 =	spop (v2sf)  }
0x2af: {  	v5 =	vadd.f32 v40, v36;
	v3 =	vadd.f32 v42, v3;
	v56 =	vld [tilespmem:s19+$0x0]  }
0x2b0: {  	v4 =	vadd.f32 v43, v4;
	v2 =	vadd.f32 v45, v2;
	v57 =	vld [tilespmem:s19+$0x10]  }
0x2b1: {  	v5 =	vadd.f32 v44, v5;
	v1 =	vadd.f32 v1, v3;
	v3 =	vld [tilespmem:s19+$0x20]  }
0x2b2: {  	v4 =	vadd.f32 v46, v4;
	v58 =	vld [tilespmem:s19+$0x30];
	s20 =	spop (v2sf);
	v2 =	vadd.f32 v48, v2  }
0x2b3: {  	v5 =	vadd.f32 v47, v5;
	v59 =	vld [tilespmem:s20+$0x0];
	v1 =	vadd.f32 v49, v1  }
0x2b4: {  	v60 =	vld [tilespmem:s20+$0x10];
	v4 =	vadd.f32 v50, v4;
	v2 =	vadd.f32 v52, v2  }
0x2b5: {  	v61 =	vld [tilespmem:s20+$0x20];
	v5 =	vadd.f32 v51, v5;
	v1 =	vadd.f32 v53, v1  }
0x2b6: {  	v62 =	vld [tilespmem:s20+$0x30];
	v4 =	vadd.f32 v54, v4;
	v2 =	vadd.f32 v56, v2  }
0x2b7: {  	s30 =	sadd.s32 $0x2, s30;
	v5 =	vadd.f32 v55, v5;
	v1 =	vadd.f32 v57, v1  }
0x2b8: {  	p1 =	slt.u32 s30, $0x3E;
	v3 =	vadd.f32 v3, v4;
	v2 =	vadd.f32 v59, v2  }
.Ltmp5:
0x2b9: {  	v63 =	vadd.f32 v58, v5;
	v1 =	vadd.f32 v60, v1;
	(pc) =	sbr.rel @p1 .LBB2_9-.Ltmp5, $4  }
0x2ba: {  	v3 =	vadd.f32 v61, v3;
	[tilespmem:s2+$0x40] =	vst v2  }
0x2bb: {  	v2 =	vadd.f32 v62, v63;
	[tilespmem:s2+$0x50] =	vst v1  }
0x2bc: {  	[tilespmem:s2+$0x60] =	vst v3  }
0x2bd: {  	s0 =	sadd.s32 $0x20, s0;
	[tilespmem:s2+$0x70] =	vst v2;
	s2 =	sadd.s32 $0x100, s2  }
0x2be: {  	s0 =	sshll.u32 s28, $0xE  }
0x2bf: {  	s0 =	sadd.s32 s15, s0  }
0x2c0: {  	s0 =	sshrl.u32 s0, $0x3  }
0x2c1: {  	p1 =	seq.s32 s28, $0x7;
	s0 =	sadd.s32 s3, s0  }
0x2c2: {  	[hbm4b:s0+s4] =	stream.linear.scatter [tilespmem:s24], [sflag:$0x6], $0x2000, $0x38;
	[tilespmem:$0x18900] =	vst v63  }
0x2c3: {  	s2 =	simm.s32 @!p1 $0x0;
	s7 =	simm.s32 @!p1 $0x14100;
	s0 =	sadd.s32 @!p1 s29, s16  }
0x2c4: {  	[tilespmem:s7], [sflag:$0x4] =	stream.linear.gather @!p1 [hbm4b:s0+s2], $0x400, $0x38;
	[tilespmem:$0x18900] =	vst v63  }
0x2c5: {  	_ =	swait.ge [sflag:s25], $0x400  }
0x2c6: {  	[sflag:s25] =	ssyncset.done $0x0  }
0x2c7: {  	s0 =	simm.s32 @!p0 $0x7;
	[sflag:s25] =	ssyncadd.s32 $0xFFFFFC00  }
0x2c8: {  	s20 =	sadd.s32 s29, s5;
	_ =	swait.ge @!p0 [sflag:s0], $0x2000  }
0x2c9: {  	s19 =	simm.s32 $0x16980;
	s30 =	sadd.s32 $0x80, s20;
	[sflag:s0] =	ssyncset.done @!p0 $0x0  }
0x2ca: {  	s2 =	simm.s32 $0x14510;
	[sflag:s0] =	ssyncadd.s32 @!p0 $0xFFFFE000;
	s0 =	simm.s32 $0xFFFFFFFE  }
.LBB2_11:
0x2cb: {  	v1 =	vld [tilespmem:s2+$0xFFFFFFF0];
	_ =	sdelay $0x4  }
0x2cc: {  	v1 =	vshll.u32 v1, $0x8  }
0x2cd: {  	v1 =	vshra.s32 v1, $0x2  }
0x2ce: {  	(v2sf) =	vpush v1, $0x0;
	_ =	sdelay $0x3  }
0x2cf: {  	(v2sf) =	vpush v1, $0x1;
	_ =	sdelay $0x3  }
0x2d0: {  	(v2sf) =	vpush v1, $0x2;
	_ =	sdelay $0x3  }
0x2d1: {  	(v2sf) =	vpush v1, $0x3;
	_ =	sdelay $0x2  }
0x2d2: {  	s7 =	spop (v2sf)  }
0x2d3: {  	(v2sf) =	vpush v1, $0x4;
	v2 =	vld [tilespmem:s7+$0x0]  }
0x2d4: {  	v3 =	vld [tilespmem:s7+$0x10]  }
0x2d5: {  	v4 =	vld [tilespmem:s7+$0x20]  }
0x2d6: {  	v5 =	vld [tilespmem:s7+$0x30];
	s20 =	spop (v2sf)  }
0x2d7: {  	(v2sf) =	vpush v1, $0x5;
	v6 =	vld [tilespmem:s20+$0x0]  }
0x2d8: {  	v7 =	vld [tilespmem:s20+$0x10]  }
0x2d9: {  	v8 =	vld [tilespmem:s20+$0x20]  }
0x2da: {  	v9 =	vld [tilespmem:s20+$0x30];
	s8 =	spop (v2sf)  }
0x2db: {  	(v2sf) =	vpush v1, $0x6;
	v10 =	vld [tilespmem:s8+$0x0]  }
0x2dc: {  	v11 =	vld [tilespmem:s8+$0x10]  }
0x2dd: {  	v12 =	vld [tilespmem:s8+$0x20]  }
0x2de: {  	v13 =	vld [tilespmem:s8+$0x30];
	s20 =	spop (v2sf)  }
0x2df: {  	(v2sf) =	vpush v1, $0x7;
	v14 =	vld [tilespmem:s20+$0x0]  }
0x2e0: {  	v15 =	vld [tilespmem:s20+$0x10]  }
0x2e1: {  	v16 =	vld [tilespmem:s20+$0x20]  }
0x2e2: {  	v17 =	vld [tilespmem:s20+$0x30];
	s8 =	spop (v2sf)  }
0x2e3: {  	v18 =	vld [tilespmem:s8+$0x0]  }
0x2e4: {  	v19 =	vld [tilespmem:s8+$0x10]  }
0x2e5: {  	v20 =	vld [tilespmem:s8+$0x20]  }
0x2e6: {  	v21 =	vld [tilespmem:s8+$0x30];
	s20 =	spop (v2sf)  }
0x2e7: {  	v2 =	vadd.f32 v6, v2;
	v46 =	vld [tilespmem:s20+$0x0]  }
0x2e8: {  	v3 =	vadd.f32 v7, v3;
	v4 =	vadd.f32 v8, v4;
	v47 =	vld [tilespmem:s20+$0x10]  }
0x2e9: {  	v5 =	vadd.f32 v9, v5;
	v2 =	vadd.f32 v10, v2;
	v48 =	vld [tilespmem:s20+$0x20]  }
0x2ea: {  	v3 =	vadd.f32 v11, v3;
	(v2sf) =	vpush v1, $0x8;
	v49 =	vld [tilespmem:s20+$0x30];
	s8 =	spop (v2sf)  }
0x2eb: {  	v4 =	vadd.f32 v12, v4;
	v5 =	vadd.f32 v13, v5;
	v50 =	vld [tilespmem:s8+$0x0]  }
0x2ec: {  	v2 =	vadd.f32 v14, v2;
	v3 =	vadd.f32 v15, v3;
	v51 =	vld [tilespmem:s8+$0x10]  }
0x2ed: {  	v4 =	vadd.f32 v16, v4;
	v5 =	vadd.f32 v17, v5;
	v52 =	vld [tilespmem:s8+$0x20]  }
0x2ee: {  	(v2sf) =	vpush v1, $0x9;
	v53 =	vld [tilespmem:s8+$0x30];
	s20 =	spop (v2sf);
	v2 =	vadd.f32 v18, v2  }
0x2ef: {  	(v2sf) =	vpush v1, $0xA;
	v54 =	vld [tilespmem:s20+$0x0];
	v3 =	vadd.f32 v19, v3  }
0x2f0: {  	v55 =	vld [tilespmem:s20+$0x10];
	v4 =	vadd.f32 v20, v4;
	v2 =	vadd.f32 v46, v2  }
0x2f1: {  	v56 =	vld [tilespmem:s20+$0x20];
	v5 =	vadd.f32 v21, v5;
	v3 =	vadd.f32 v47, v3  }
0x2f2: {  	v57 =	vld [tilespmem:s20+$0x30];
	v4 =	vadd.f32 v48, v4;
	v2 =	vadd.f32 v50, v2  }
0x2f3: {  	v5 =	vadd.f32 v49, v5;
	v3 =	vadd.f32 v51, v3  }
0x2f4: {  	v4 =	vadd.f32 v52, v4;
	v2 =	vadd.f32 v54, v2  }
0x2f5: {  	v5 =	vadd.f32 v53, v5;
	v3 =	vadd.f32 v55, v3  }
0x2f6: {  	(v2sf) =	vpush v1, $0xB;
	v4 =	vadd.f32 v56, v4;
	[tilespmem:s19+$0xFFFFFF80] =	vst v2  }
0x2f7: {  	v2 =	vadd.f32 v57, v5;
	[tilespmem:s19+$0xFFFFFF90] =	vst v3  }
0x2f8: {  	[tilespmem:s19+$0xFFFFFFA0] =	vst v4  }
0x2f9: {  	s8 =	spop (v2sf);
	[tilespmem:s19+$0xFFFFFFB0] =	vst v2  }
0x2fa: {  	(v2sf) =	vpush v1, $0xC;
	v2 =	vld [tilespmem:s8+$0x0]  }
0x2fb: {  	v3 =	vld [tilespmem:s8+$0x10]  }
0x2fc: {  	v4 =	vld [tilespmem:s8+$0x20]  }
0x2fd: {  	s20 =	spop (v2sf);
	v58 =	vld [tilespmem:s8+$0x30]  }
0x2fe: {  	(v2sf) =	vpush v1, $0xD;
	v59 =	vld [tilespmem:s20+$0x0]  }
0x2ff: {  	v60 =	vld [tilespmem:s20+$0x10]  }
0x300: {  	v61 =	vld [tilespmem:s20+$0x20]  }
0x301: {  	v62 =	vld [tilespmem:s20+$0x30];
	s8 =	spop (v2sf)  }
0x302: {  	(v2sf) =	vpush v1, $0xE;
	v63 =	vld [tilespmem:s8+$0x0]  }
0x303: {  	v24 =	vld [tilespmem:s8+$0x10]  }
0x304: {  	v25 =	vld [tilespmem:s8+$0x20]  }
0x305: {  	v26 =	vld [tilespmem:s8+$0x30];
	s20 =	spop (v2sf)  }
0x306: {  	(v2sf) =	vpush v1, $0xF;
	v27 =	vld [tilespmem:s20+$0x0]  }
0x307: {  	v1 =	vld [tilespmem:s20+$0x10]  }
0x308: {  	v28 =	vld [tilespmem:s20+$0x20]  }
0x309: {  	v29 =	vld [tilespmem:s20+$0x30];
	s8 =	spop (v2sf)  }
0x30a: {  	v30 =	vld [tilespmem:s8+$0x0]  }
0x30b: {  	v31 =	vld [tilespmem:s8+$0x10]  }
0x30c: {  	v32 =	vld [tilespmem:s8+$0x20]  }
0x30d: {  	v33 =	vld [tilespmem:s8+$0x30];
	s20 =	spop (v2sf)  }
0x30e: {  	v34 =	vld [tilespmem:s20+$0x0]  }
0x30f: {  	v2 =	vadd.f32 v59, v2;
	v35 =	vld [tilespmem:s20+$0x10]  }
0x310: {  	v3 =	vadd.f32 v60, v3;
	v36 =	vld [tilespmem:s20+$0x20]  }
0x311: {  	v4 =	vadd.f32 v61, v4;
	v2 =	vadd.f32 v63, v2;
	v37 =	vld [tilespmem:s20+$0x30];
	s8 =	spop (v2sf)  }
0x312: {  	v5 =	vadd.f32 v62, v58;
	v3 =	vadd.f32 v24, v3;
	v38 =	vld [tilespmem:s8+$0x0]  }
0x313: {  	v4 =	vadd.f32 v25, v4;
	v2 =	vadd.f32 v27, v2;
	v39 =	vld [tilespmem:s8+$0x10]  }
0x314: {  	v5 =	vadd.f32 v26, v5;
	v1 =	vadd.f32 v1, v3;
	v3 =	vld [tilespmem:s8+$0x20]  }
0x315: {  	v4 =	vadd.f32 v28, v4;
	v40 =	vld [tilespmem:s8+$0x30];
	s20 =	spop (v2sf);
	v2 =	vadd.f32 v30, v2  }
0x316: {  	v5 =	vadd.f32 v29, v5;
	v41 =	vld [tilespmem:s20+$0x0];
	v1 =	vadd.f32 v31, v1  }
0x317: {  	v42 =	vld [tilespmem:s20+$0x10];
	v4 =	vadd.f32 v32, v4;
	v2 =	vadd.f32 v34, v2  }
0x318: {  	v43 =	vld [tilespmem:s20+$0x20];
	v5 =	vadd.f32 v33, v5;
	v1 =	vadd.f32 v35, v1  }
0x319: {  	v44 =	vld [tilespmem:s20+$0x30];
	v4 =	vadd.f32 v36, v4;
	v2 =	vadd.f32 v38, v2  }
0x31a: {  	v5 =	vadd.f32 v37, v5;
	v1 =	vadd.f32 v39, v1  }
0x31b: {  	v3 =	vadd.f32 v3, v4;
	v2 =	vadd.f32 v41, v2  }
0x31c: {  	v45 =	vadd.f32 v40, v5;
	v1 =	vadd.f32 v42, v1  }
0x31d: {  	v3 =	vadd.f32 v43, v3;
	[tilespmem:s19+$0xFFFFFFC0] =	vst v2  }
0x31e: {  	v2 =	vadd.f32 v44, v45;
	[tilespmem:s19+$0xFFFFFFD0] =	vst v1  }
0x31f: {  	[tilespmem:s19+$0xFFFFFFE0] =	vst v3  }
0x320: {  	[tilespmem:s19+$0xFFFFFFF0] =	vst v2  }
0x321: {  	v1 =	vld [tilespmem:s2+$0x0];
	_ =	sdelay $0x4  }
0x322: {  	v1 =	vshll.u32 v1, $0x8  }
0x323: {  	v1 =	vshra.s32 v1, $0x2  }
0x324: {  	(v2sf) =	vpush v1, $0x0;
	_ =	sdelay $0x3  }
0x325: {  	(v2sf) =	vpush v1, $0x1;
	_ =	sdelay $0x3  }
0x326: {  	(v2sf) =	vpush v1, $0x2;
	_ =	sdelay $0x3  }
0x327: {  	(v2sf) =	vpush v1, $0x3;
	_ =	sdelay $0x2  }
0x328: {  	s8 =	spop (v2sf)  }
0x329: {  	(v2sf) =	vpush v1, $0x4;
	v2 =	vld [tilespmem:s8+$0x0]  }
0x32a: {  	v3 =	vld [tilespmem:s8+$0x10]  }
0x32b: {  	v46 =	vld [tilespmem:s8+$0x20]  }
0x32c: {  	v47 =	vld [tilespmem:s8+$0x30];
	s20 =	spop (v2sf)  }
0x32d: {  	(v2sf) =	vpush v1, $0x5;
	v48 =	vld [tilespmem:s20+$0x0]  }
0x32e: {  	v49 =	vld [tilespmem:s20+$0x10]  }
0x32f: {  	v50 =	vld [tilespmem:s20+$0x20]  }
0x330: {  	v51 =	vld [tilespmem:s20+$0x30];
	s8 =	spop (v2sf)  }
0x331: {  	(v2sf) =	vpush v1, $0x6;
	v52 =	vld [tilespmem:s8+$0x0]  }
0x332: {  	v53 =	vld [tilespmem:s8+$0x10]  }
0x333: {  	v54 =	vld [tilespmem:s8+$0x20]  }
0x334: {  	v55 =	vld [tilespmem:s8+$0x30];
	s20 =	spop (v2sf)  }
0x335: {  	(v2sf) =	vpush v1, $0x7;
	v56 =	vld [tilespmem:s20+$0x0]  }
0x336: {  	v57 =	vld [tilespmem:s20+$0x10]  }
0x337: {  	v58 =	vld [tilespmem:s20+$0x20]  }
0x338: {  	v59 =	vld [tilespmem:s20+$0x30];
	s8 =	spop (v2sf)  }
0x339: {  	v60 =	vld [tilespmem:s8+$0x0]  }
0x33a: {  	v61 =	vld [tilespmem:s8+$0x10]  }
0x33b: {  	v62 =	vld [tilespmem:s8+$0x20]  }
0x33c: {  	v63 =	vld [tilespmem:s8+$0x30];
	s20 =	spop (v2sf)  }
0x33d: {  	v2 =	vadd.f32 v48, v2;
	v24 =	vld [tilespmem:s20+$0x0]  }
0x33e: {  	v3 =	vadd.f32 v49, v3;
	v4 =	vadd.f32 v50, v46;
	v25 =	vld [tilespmem:s20+$0x10]  }
0x33f: {  	v5 =	vadd.f32 v51, v47;
	v2 =	vadd.f32 v52, v2;
	v26 =	vld [tilespmem:s20+$0x20]  }
0x340: {  	v3 =	vadd.f32 v53, v3;
	(v2sf) =	vpush v1, $0x8;
	v27 =	vld [tilespmem:s20+$0x30];
	s8 =	spop (v2sf)  }
0x341: {  	v4 =	vadd.f32 v54, v4;
	v5 =	vadd.f32 v55, v5;
	v28 =	vld [tilespmem:s8+$0x0]  }
0x342: {  	v2 =	vadd.f32 v56, v2;
	v3 =	vadd.f32 v57, v3;
	v29 =	vld [tilespmem:s8+$0x10]  }
0x343: {  	v4 =	vadd.f32 v58, v4;
	v5 =	vadd.f32 v59, v5;
	v30 =	vld [tilespmem:s8+$0x20]  }
0x344: {  	(v2sf) =	vpush v1, $0x9;
	v31 =	vld [tilespmem:s8+$0x30];
	s20 =	spop (v2sf);
	v2 =	vadd.f32 v60, v2  }
0x345: {  	(v2sf) =	vpush v1, $0xA;
	v32 =	vld [tilespmem:s20+$0x0];
	v3 =	vadd.f32 v61, v3  }
0x346: {  	v33 =	vld [tilespmem:s20+$0x10];
	v4 =	vadd.f32 v62, v4;
	v2 =	vadd.f32 v24, v2  }
0x347: {  	v34 =	vld [tilespmem:s20+$0x20];
	v5 =	vadd.f32 v63, v5;
	v3 =	vadd.f32 v25, v3  }
0x348: {  	v35 =	vld [tilespmem:s20+$0x30];
	v4 =	vadd.f32 v26, v4;
	v2 =	vadd.f32 v28, v2  }
0x349: {  	v5 =	vadd.f32 v27, v5;
	v3 =	vadd.f32 v29, v3  }
0x34a: {  	v4 =	vadd.f32 v30, v4;
	v2 =	vadd.f32 v32, v2  }
0x34b: {  	v5 =	vadd.f32 v31, v5;
	v3 =	vadd.f32 v33, v3  }
0x34c: {  	(v2sf) =	vpush v1, $0xB;
	v4 =	vadd.f32 v34, v4;
	[tilespmem:s19+$0x0] =	vst v2  }
0x34d: {  	v2 =	vadd.f32 v35, v5;
	[tilespmem:s19+$0x10] =	vst v3  }
0x34e: {  	[tilespmem:s19+$0x20] =	vst v4  }
0x34f: {  	s8 =	spop (v2sf);
	[tilespmem:s19+$0x30] =	vst v2  }
0x350: {  	(v2sf) =	vpush v1, $0xC;
	v2 =	vld [tilespmem:s8+$0x0]  }
0x351: {  	v3 =	vld [tilespmem:s8+$0x10]  }
0x352: {  	v4 =	vld [tilespmem:s8+$0x20]  }
0x353: {  	s20 =	spop (v2sf);
	v36 =	vld [tilespmem:s8+$0x30]  }
0x354: {  	(v2sf) =	vpush v1, $0xD;
	v37 =	vld [tilespmem:s20+$0x0]  }
0x355: {  	v38 =	vld [tilespmem:s20+$0x10]  }
0x356: {  	v39 =	vld [tilespmem:s20+$0x20]  }
0x357: {  	v40 =	vld [tilespmem:s20+$0x30];
	s8 =	spop (v2sf)  }
0x358: {  	(v2sf) =	vpush v1, $0xE;
	v41 =	vld [tilespmem:s8+$0x0]  }
0x359: {  	v42 =	vld [tilespmem:s8+$0x10]  }
0x35a: {  	v43 =	vld [tilespmem:s8+$0x20]  }
0x35b: {  	v44 =	vld [tilespmem:s8+$0x30];
	s20 =	spop (v2sf)  }
0x35c: {  	(v2sf) =	vpush v1, $0xF;
	v45 =	vld [tilespmem:s20+$0x0]  }
0x35d: {  	v1 =	vld [tilespmem:s20+$0x10]  }
0x35e: {  	v46 =	vld [tilespmem:s20+$0x20]  }
0x35f: {  	v47 =	vld [tilespmem:s20+$0x30];
	s8 =	spop (v2sf)  }
0x360: {  	v48 =	vld [tilespmem:s8+$0x0]  }
0x361: {  	v49 =	vld [tilespmem:s8+$0x10]  }
0x362: {  	v50 =	vld [tilespmem:s8+$0x20]  }
0x363: {  	v51 =	vld [tilespmem:s8+$0x30];
	s20 =	spop (v2sf)  }
0x364: {  	v52 =	vld [tilespmem:s20+$0x0]  }
0x365: {  	v2 =	vadd.f32 v37, v2;
	v53 =	vld [tilespmem:s20+$0x10]  }
0x366: {  	v3 =	vadd.f32 v38, v3;
	v54 =	vld [tilespmem:s20+$0x20]  }
0x367: {  	v4 =	vadd.f32 v39, v4;
	v2 =	vadd.f32 v41, v2;
	v55 =	vld [tilespmem:s20+$0x30];
	s8 =	spop (v2sf)  }
0x368: {  	v5 =	vadd.f32 v40, v36;
	v3 =	vadd.f32 v42, v3;
	v56 =	vld [tilespmem:s8+$0x0]  }
0x369: {  	v4 =	vadd.f32 v43, v4;
	v2 =	vadd.f32 v45, v2;
	v57 =	vld [tilespmem:s8+$0x10]  }
0x36a: {  	v5 =	vadd.f32 v44, v5;
	v1 =	vadd.f32 v1, v3;
	v3 =	vld [tilespmem:s8+$0x20]  }
0x36b: {  	v4 =	vadd.f32 v46, v4;
	v58 =	vld [tilespmem:s8+$0x30];
	s20 =	spop (v2sf);
	v2 =	vadd.f32 v48, v2  }
0x36c: {  	v5 =	vadd.f32 v47, v5;
	v59 =	vld [tilespmem:s20+$0x0];
	v1 =	vadd.f32 v49, v1  }
0x36d: {  	v60 =	vld [tilespmem:s20+$0x10];
	v4 =	vadd.f32 v50, v4;
	v2 =	vadd.f32 v52, v2  }
0x36e: {  	v61 =	vld [tilespmem:s20+$0x20];
	v5 =	vadd.f32 v51, v5;
	v1 =	vadd.f32 v53, v1  }
0x36f: {  	v62 =	vld [tilespmem:s20+$0x30];
	v4 =	vadd.f32 v54, v4;
	v2 =	vadd.f32 v56, v2  }
0x370: {  	s0 =	sadd.s32 $0x2, s0;
	v5 =	vadd.f32 v55, v5;
	v1 =	vadd.f32 v57, v1  }
0x371: {  	p0 =	slt.u32 s0, $0x3E;
	v3 =	vadd.f32 v3, v4;
	v2 =	vadd.f32 v59, v2  }
.Ltmp6:
0x372: {  	v63 =	vadd.f32 v58, v5;
	v1 =	vadd.f32 v60, v1;
	(pc) =	sbr.rel @p0 .LBB2_11-.Ltmp6, $4  }
0x373: {  	v3 =	vadd.f32 v61, v3;
	[tilespmem:s19+$0x40] =	vst v2  }
0x374: {  	v2 =	vadd.f32 v62, v63;
	[tilespmem:s19+$0x50] =	vst v1  }
0x375: {  	[tilespmem:s19+$0x60] =	vst v3  }
0x376: {  	s2 =	sadd.s32 $0x20, s2;
	[tilespmem:s19+$0x70] =	vst v2;
	s19 =	sadd.s32 $0x100, s19  }
.Ltmp7:
0x377: {  	s0 =	sshll.u32 s30, $0x6;
	(pc) =	sbr.rel @p1 .LBB2_14-.Ltmp7, $4  }
0x378: {  	s0 =	sadd.s32 s13, s0  }
0x379: {  	s0 =	sshrl.u32 s0, $0x3  }
0x37a: {  	s0 =	sadd.s32 s3, s0  }
0x37b: {  	[hbm4b:s0+s4] =	stream.linear.scatter [tilespmem:s26], [sflag:$0x7], $0x2000, $0x38;
	[tilespmem:$0x18900] =	vst v63  }
.Ltmp8:
0x37c: {  	(pc) =	sbr.rel .LBB2_8-.Ltmp8, $3  }
0x37d: {  	_ =	sdelay $0x1  }
0x37e: {  	s0 =	sadd.s32 s29, s17;
	s28 =	sadd.s32 $0x1, s28  }
0x37f: {  	[tilespmem:s12], [sflag:$0x5] =	stream.linear.gather [hbm4b:s0+s4], $0x400, $0x38;
	[tilespmem:$0x18900] =	vst v63  }
.LBB2_15:
0x380: {  	_ =	sfence.sel $0x180000  }
0x381: {  	[bflag:$0x0] =	sbarrier.arrive $0xFFFF  }
0x382: {  	_ =	strace $0x90000047  }
0x383: {  	s0 =	stileid.u32;
	[bflag:$0x2] =	sbarrier.arrive $0xFFFF  }
0x384: {  	p0 =	sne.s32 s0, $0x0;
	s0 =	rddreg [dreg:$0x3]  }
0x385: {  	s0 =	sadd.s32 @!p0 $0x100000, s0  }
0x386: {  	[sflag:s0] =	ssyncadd.tile.s32 @!p0 $0x1;
	_ =	shalt  }
.Lfunc_end2:
_tile_overlayer_lowered:
.L_overlay_start_2:
0x387: {  	(tag) =	ssettag $0x2  }
0x388: {  	s0 =	rddreg [dreg:$0x0];
	s2 =	stileid.u32  }
0x389: {  	s1 =	rddreg [dreg:$0x1];
	p0 =	sne.s32 s2, $0x0  }
0x38a: {  	s3 =	rddreg [dreg:$0x2];
	[bflag:$0x3] =	sbarrier.arrive $0xFFFF;
	s2 =	simm.s32 @!p0 $0x1C08  }
0x38b: {  	[timem:s3], [sflag:s2] =	dma.local @!p0 [hbm:s0], s1  }
0x38c: {  	s0 =	simm.s32 @!p0 $0x8  }
0x38d: {  	_ =	swait.ge @!p0 [sflag:s0], s1  }
0x38e: {  	s1 =	ssub.s32 @!p0 $0x0, s1;
	[sflag:s0] =	ssyncset.done @!p0 $0x0  }
0x38f: {  	[sflag:s0] =	ssyncadd.s32 @!p0 s1  }
0x390: {  	[bflag:$0x3] =	sbarrier.arrive $0xFFFF  }
0x391: {  	_ =	shalt  }

</sc_bundles>
